<compile_context>
chip_gen: v7x
topology: tpu7x:2x2x1
jax: 0.10.2.dev20260603
libtpu: 0.0.44.dev20260713+nightly
codegen_flags: <defaults>
</compile_context>

<pallas_src>
import functools

import jax
import jax.numpy as jnp
from jax import lax
from jax.experimental import pallas as pl
from jax.experimental.pallas import tpu as pltpu
from jax.experimental.pallas import tpu_sc as plsc

N = 10000
D = 128
E = 320000
NC = 2
NS = 16
NPAD = 10112
ROWS_PER_TILE_OUT = NPAD // NS
EPAD = 327680
EROWS = EPAD // 128
ROWS_PER_TILE = EROWS // (NC * NS)
OUTER = ROWS_PER_TILE // 8
R0 = 152
R1 = 8
MAXOUTER = max(R0, R1) // 8

_mesh = plsc.VectorSubcoreMesh(core_axis_name="c", subcore_axis_name="s")


def _fill_buf_2d(buf, nrows, ncols, value):
    @pl.loop(0, nrows)
    def _(i):
        @pl.loop(0, ncols, step=16)
        def _(j):
            buf.at[pl.ds(i, 1), pl.ds(j, 16)][...] = jnp.full(
                (1, 16), value, jnp.float32)


@functools.partial(
    pl.kernel,
    out_type=jax.ShapeDtypeStruct((NC, NPAD, 128), jnp.float32),
    mesh=_mesh,
    scratch_types=[
        pltpu.VMEM((8, 128), jnp.int32),
        pltpu.VMEM((128, 128), jnp.float32),
        pltpu.VMEM((128, 128), jnp.float32),
        pltpu.SemaphoreType.DMA,
        pltpu.VMEM_SHARED((NPAD, 128), jnp.float32),
    ],
)
def _sc_degree(dstm_hbm, out_hbm, dstv, ones, zeros, hsem, acc):
    c = lax.axis_index("c")
    s = lax.axis_index("s")
    wid = c * NS + s
    _fill_buf_2d(ones, 128, 128, 1.0)
    _fill_buf_2d(zeros, 128, 128, 0.0)
    base = s * ROWS_PER_TILE_OUT
    for off, cnt in ((0, 128), (128, 128), (256, 128), (384, 128), (512, 120)):
        pltpu.sync_copy(zeros.at[pl.ds(0, cnt)], acc.at[pl.ds(base + off, cnt)])
    plsc.subcore_barrier()

    base_row = wid * ROWS_PER_TILE

    @pl.loop(0, OUTER)
    def _(it):
        r0 = base_row + it * 8
        pltpu.sync_copy(dstm_hbm.at[pl.ds(r0, 8)], dstv)
        descs = [pltpu.async_copy(ones, acc.at[dstv.at[j]], hsem, add=True)
                 for j in range(8)]
        for d in descs:
            d.wait()

    plsc.subcore_barrier()
    pltpu.sync_copy(acc.at[pl.ds(base, ROWS_PER_TILE_OUT)],
                    out_hbm.at[c].at[pl.ds(base, ROWS_PER_TILE_OUT)])


def _make_msgpass(fav):
  @functools.partial(
      pl.kernel,
      out_type=jax.ShapeDtypeStruct((NC, NPAD, D), jnp.float32),
      mesh=_mesh,
      scratch_types=[
          pltpu.VMEM((8, 128), jnp.int32),
          pltpu.VMEM((8, 128), jnp.int32),
          pltpu.VMEM((128, D), jnp.float32),
          pltpu.VMEM((128, D), jnp.float32),
          pltpu.SemaphoreType.DMA((2,)),
          pltpu.SemaphoreType.DMA((2,)),
          pltpu.VMEM_SHARED((NPAD, D), jnp.float32),
      ],
  )
  def _sc_msgpass(q_hbm, srcm_hbm, dstm_hbm, out_hbm, srcv, dstv, b0, b1,
                  gsem, ssem, acc):
      bufs = [b0, b1]
      c = lax.axis_index("c")
      s = lax.axis_index("s")
      wid = c * NS + s
      _fill_buf_2d(b0, 128, D, 0.0)
      base = s * ROWS_PER_TILE_OUT
      for off, cnt in ((0, 128), (128, 128), (256, 128), (384, 128), (512, 120)):
          pltpu.sync_copy(b0.at[pl.ds(0, cnt)], acc.at[pl.ds(base + off, cnt)])
      plsc.subcore_barrier()

      base_row = jnp.where(c == 0, s * R0, 16 * R0 + s * R1)
      n_outer = jnp.where(c == 0, R0 // 8, R1 // 8)

      @pl.loop(0, MAXOUTER)
      def _(it):
          @pl.when(it < n_outer)
          def _():
              r0 = base_row + it * 8
              pltpu.sync_copy(srcm_hbm.at[pl.ds(r0, 8)], srcv)
              pltpu.sync_copy(dstm_hbm.at[pl.ds(r0, 8)], dstv)
              g = {0: pltpu.async_copy(q_hbm.at[srcv.at[0]], bufs[0],
                                       gsem.at[0])}
              s_ = {}
              for j in range(8):
                  b = j & 1
                  if j >= 1:
                      s_[j - 1].wait()
                  if j < 7:
                      g[j + 1] = pltpu.async_copy(q_hbm.at[srcv.at[j + 1]],
                                                  bufs[1 - b], gsem.at[1 - b])
                  g[j].wait()
                  s_[j] = pltpu.async_copy(bufs[b], acc.at[dstv.at[j]],
                                           ssem.at[b], add=True)
              s_[7].wait()

      plsc.subcore_barrier()
      pltpu.sync_copy(acc.at[pl.ds(base, ROWS_PER_TILE_OUT)],
                      out_hbm.at[c].at[pl.ds(base, ROWS_PER_TILE_OUT)])


  return _sc_msgpass


_sc_msgpass_a = _make_msgpass(0)
_sc_msgpass_b = _make_msgpass(1)


def _dinv_from_degp(degp):
    deg = degp[0, :, 0:1] + degp[1, :, 0:1] + 1.0
    return lax.rsqrt(deg)


def _mm_body(x_ref, w_ref, o_ref):
    o_ref[...] = jnp.dot(x_ref[...], w_ref[...],
                         preferred_element_type=jnp.float32)


def _q_body(degp_ref, p_ref, q_ref):
    dinv = _dinv_from_degp(degp_ref[...])
    rid = lax.broadcasted_iota(jnp.int32, (NPAD, 1), 0)
    q_ref[...] = jnp.where(rid < N, dinv * p_ref[...], 0.0)


def _comb1_body(degp_ref, s_ref, p_ref, b1_ref, w2_ref, r_ref, q2_ref):
    dinv = _dinv_from_degp(degp_ref[...])
    m = (dinv * (s_ref[0] + s_ref[1]) + (dinv * dinv) * p_ref[...]
         + b1_ref[...])
    h = jnp.maximum(m, 0.0)
    r = jnp.dot(h, w2_ref[...], preferred_element_type=jnp.float32)
    r_ref[...] = r
    rid = lax.broadcasted_iota(jnp.int32, (NPAD, 1), 0)
    q2_ref[...] = jnp.where(rid < N, dinv * r, 0.0)


def _comb2_body(degp_ref, s_ref, r_ref, b2_ref, o_ref):
    dinv = _dinv_from_degp(degp_ref[...])
    val = (dinv * (s_ref[0] + s_ref[1])
           + (dinv * dinv) * r_ref[...] + b2_ref[...])
    o_ref[...] = val[:N]


_f32 = jnp.float32
_mm = pl.pallas_call(_mm_body, out_shape=jax.ShapeDtypeStruct((NPAD, D), _f32))
_qk = pl.pallas_call(_q_body, out_shape=jax.ShapeDtypeStruct((NPAD, D), _f32))
_comb1 = pl.pallas_call(
    _comb1_body,
    out_shape=(jax.ShapeDtypeStruct((NPAD, D), _f32),
               jax.ShapeDtypeStruct((NPAD, D), _f32)))
_comb2 = pl.pallas_call(
    _comb2_body, out_shape=jax.ShapeDtypeStruct((N, D), _f32))


def kernel(x, edge_index, W1, b1, W2, b2):
    src = edge_index[0].astype(jnp.int32)
    dst = edge_index[1].astype(jnp.int32)
    pad = jnp.full((EPAD - E,), N, jnp.int32)
    srcm = jnp.concatenate([src, pad]).reshape(EROWS, 128)
    dstm = jnp.concatenate([dst, pad]).reshape(EROWS, 128)
    xpad = jnp.concatenate([x, jnp.zeros((NPAD - N, D), _f32)], axis=0)
    b1r = b1.reshape(1, D)
    b2r = b2.reshape(1, D)

    degp = _sc_degree(dstm)
    p = _mm(xpad, W1)
    q = _qk(degp, p)
    s1 = _sc_msgpass_a(q, srcm, dstm)
    r, q2 = _comb1(degp, s1, p, b1r, W2)
    s2 = _sc_msgpass_b(q2, srcm, dstm)
    return _comb2(degp, s2, r, b2r)

# --- scband reference (transcript-rebuilt; emitter-appended) ---
"""Pipeline reference for scband-multi-domain-information-fusion-59124519797139 (READ-ONLY COPY).

The authoritative reference and input builder live on the scoring server;
editing this copy changes nothing except your own understanding.
"""

import jax, jax.numpy as jnp
import numpy as np

N_NODES = 10000
N_EDGES = 320000
IN_DIM = 128
HID_DIM = 128
OUT_DIM = 128


def gcn_layer(x, edge_index, W, b):
    """GCNConv with self-loops and symmetric normalization (PyG semantics)."""
    num_nodes = x.shape[0]
    loop = jnp.arange(num_nodes, dtype=edge_index.dtype)
    src = jnp.concatenate([edge_index[0], loop])
    dst = jnp.concatenate([edge_index[1], loop])
    ones = jnp.ones(src.shape[0], dtype=x.dtype)
    deg = jax.ops.segment_sum(ones, dst, num_segments=num_nodes)
    deg_inv_sqrt = jnp.where(deg > 0, deg ** -0.5, 0.0)
    norm = deg_inv_sqrt[src] * deg_inv_sqrt[dst]
    h = x @ W
    msg = h[src] * norm[:, None]
    out = jax.ops.segment_sum(msg, dst, num_segments=num_nodes)
    return out + b


def setup_inputs(seed: int = 0) -> dict:
    key = jax.random.key(seed)
    k1, k2, k3, k4, k5, k6 = jax.random.split(key, 6)
    x = jax.random.normal(k1, (N_NODES, IN_DIM), dtype=jnp.float32)
    edge_index = jax.random.randint(k2, (2, N_EDGES), 0, N_NODES, dtype=jnp.int32)
    s1 = 1.0 / np.sqrt(IN_DIM)
    s2 = 1.0 / np.sqrt(HID_DIM)
    W1 = jax.random.uniform(k3, (IN_DIM, HID_DIM), dtype=jnp.float32, minval=-s1, maxval=s1)
    b1 = jax.random.uniform(k4, (HID_DIM,), dtype=jnp.float32, minval=-s1, maxval=s1)
    W2 = jax.random.uniform(k5, (HID_DIM, OUT_DIM), dtype=jnp.float32, minval=-s2, maxval=s2)
    b2 = jax.random.uniform(k6, (OUT_DIM,), dtype=jnp.float32, minval=-s2, maxval=s2)
    return {"x": x, "edge_index": edge_index, "W1": W1, "b1": b1, "W2": W2, "b2": b2}


def reference(x, edge_index, W1, b1, W2, b2):
    h = gcn_layer(x, edge_index, W1, b1)
    h = jax.nn.relu(h)
    out = gcn_layer(h, edge_index, W2, b2)
    return out

if __name__ == "__main__":
    import jax
    _d = setup_inputs()
    print(jax.jit(kernel)(*tuple(_d.values())))

</pallas_src>

<mosaic_0001>
#map = affine_map<(d0, d1) -> (0, 0)>
#map1 = affine_map<(d0, d1) -> (0, 0, 0)>
module attributes {stable_mosaic.version = 14 : i64} {
  func.func @_sc_msgpass(%arg0: i32, %arg1: i32, %arg2: memref<10112x128xf32, #tpu.memory_space<hbm>>, %arg3: memref<2560x128xi32, #tpu.memory_space<hbm>>, %arg4: memref<2560x128xi32, #tpu.memory_space<hbm>>, %arg5: memref<2x10112x128xf32, #tpu.memory_space<hbm>>, %arg6: memref<8x128xi32, #tpu.memory_space<vmem>>, %arg7: memref<8x128xi32, #tpu.memory_space<vmem>>, %arg8: memref<128x128xf32, #tpu.memory_space<vmem>>, %arg9: memref<128x128xf32, #tpu.memory_space<vmem>>, %arg10: memref<2x!tpu.dma_semaphore, #tpu.memory_space<semaphore_mem>>, %arg11: memref<2x!tpu.dma_semaphore, #tpu.memory_space<semaphore_mem>>, %arg12: memref<10112x128xf32, #tpu.memory_space<vmem_shared>>) attributes {dimension_semantics = [#tpu.dimension_semantics<core_parallel>, #tpu.dimension_semantics<subcore_parallel>], iteration_bounds = array<i64: 2, 16>, scalar_prefetch = 0 : i64, scratch_operands = 7 : i64, tpu.core_type = #tpu.core_type<sc_vector_subcore>, window_params = [{transform_indices = #map}, {transform_indices = #map}, {transform_indices = #map}, {transform_indices = #map1}]} {
    %mul3A = arith.constant 16 : i32
    %mul3A_0 = arith.muli %arg0, %mul3A : i32
    %add3A = arith.addi %mul3A_0, %arg1 : i32
    %scan3A = arith.constant 0 : i32
    %scan3A_1 = arith.constant 128 : i32
    %scan3A_2 = arith.addi %scan3A, %scan3A_1 : i32
    %scan3A_3 = arith.constant 1 : i32
    scf.for %scan3A_34 = %scan3A to %scan3A_2 step %scan3A_3  : i32 {
      %mul3A_35 = arith.constant 1 : i32
      %mul3A_36 = arith.muli %scan3A_34, %mul3A_35 : i32
      %add3A_37 = arith.constant 0 : i32
      %add3A_38 = arith.addi %add3A_37, %mul3A_36 : i32
      %scan3A_39 = arith.constant 0 : i32
      %scan3A_40 = arith.constant 8 : i32
      %scan3A_41 = arith.addi %scan3A_39, %scan3A_40 : i32
      %scan3A_42 = arith.constant 1 : i32
      scf.for %scan3A_44 = %scan3A_39 to %scan3A_41 step %scan3A_42  : i32 {
        %mul3A_45 = arith.constant 16 : i32
        %mul3A_46 = arith.muli %scan3A_44, %mul3A_45 : i32
        %add3A_47 = arith.constant 0 : i32
        %add3A_48 = arith.addi %add3A_47, %mul3A_46 : i32
        %broadcast_in_dim3A = arith.constant 0.000000e+00 : f32
        %broadcast_in_dim3A_49 = vector.broadcast %broadcast_in_dim3A : f32 to vector<1x16xf32>
        %swap3A = arith.index_cast %add3A_38 : i32 to index
        %swap3A_50 = arith.index_cast %add3A_48 : i32 to index
        %swap3A_51 = tpu.vector_load %arg8[%swap3A, %swap3A_50] {strides = array<i32>} : memref<128x128xf32, #tpu.memory_space<vmem>>, vector<1x16xf32>,
        %swap3A_52 = vector.shape_cast %swap3A_51 : vector<1x16xf32> to vector<1x16xf32>
        %swap3A_53 = vector.shape_cast %broadcast_in_dim3A_49 : vector<1x16xf32> to vector<1x16xf32>
        tpu.vector_store %arg8[%swap3A, %swap3A_50], %swap3A_53 {strides = array<i32>} : memref<128x128xf32, #tpu.memory_space<vmem>>, vector<1x16xf32>,
      }
      %scan3A_43 = arith.constant 8 : i32
    }
    %scan3A_4 = arith.constant 128 : i32
    %mul3A_5 = arith.constant 632 : i32
    %mul3A_6 = arith.muli %arg1, %mul3A_5 : i32
    %add3A_7 = arith.constant 0 : i32
    %add3A_8 = arith.addi %mul3A_6, %add3A_7 : i32
    "tpu.region"() ({
      %run_scoped3A = tpu.sem_alloc : memref<!tpu.dma_semaphore, #tpu.memory_space<semaphore_mem>>
      %dma_start3A = arith.constant 0 : i32
      %dma_start3A_34 = arith.constant 0 : i32
      %dma_start3A_35 = tpu.memref_slice %arg8[%dma_start3A, %dma_start3A_34] : memref<128x128xf32, #tpu.memory_space<vmem>> -> memref<128x128xf32, #tpu.memory_space<vmem>>
      %dma_start3A_36 = arith.constant 0 : i32
      %dma_start3A_37 = tpu.memref_slice %arg12[%add3A_8, %dma_start3A_36] : memref<10112x128xf32, #tpu.memory_space<vmem_shared>> -> memref<128x128xf32, #tpu.memory_space<vmem_shared>>
      %dma_start3A_38 = arith.constant 0 : i32
      %dma_start3A_39 = tpu.memref_slice %arg12[%add3A_8, %dma_start3A_38] : memref<10112x128xf32, #tpu.memory_space<vmem_shared>> -> memref<128x128xf32, #tpu.memory_space<vmem_shared>>
      %dma_start3A_40 = arith.constant 0 : i32
      %dma_start3A_41 = arith.constant 0 : i32
      %dma_start3A_42 = tpu.memref_slice %arg8[%dma_start3A_40, %dma_start3A_41] : memref<128x128xf32, #tpu.memory_space<vmem>> -> memref<128x128xf32, #tpu.memory_space<vmem>>
      tpu.enqueue_dma source(%dma_start3A_42 : memref<128x128xf32, #tpu.memory_space<vmem>>) target(%dma_start3A_39 : memref<128x128xf32, #tpu.memory_space<vmem_shared>>) target_semaphore(%run_scoped3A : memref<!tpu.dma_semaphore, #tpu.memory_space<semaphore_mem>>)
      %dma_wait3A = arith.constant 0 : i32
      %dma_wait3A_43 = arith.constant 0 : i32
      %dma_wait3A_44 = tpu.memref_slice %arg8[%dma_wait3A, %dma_wait3A_43] : memref<128x128xf32, #tpu.memory_space<vmem>> -> memref<128x128xf32, #tpu.memory_space<vmem>>
      %dma_wait3A_45 = arith.constant 0 : i32
      %dma_wait3A_46 = tpu.memref_slice %arg12[%add3A_8, %dma_wait3A_45] : memref<10112x128xf32, #tpu.memory_space<vmem_shared>> -> memref<128x128xf32, #tpu.memory_space<vmem_shared>>
      %dma_wait3A_47 = arith.constant 0 : i32
      %dma_wait3A_48 = tpu.memref_slice %arg12[%add3A_8, %dma_wait3A_47] : memref<10112x128xf32, #tpu.memory_space<vmem_shared>> -> memref<128x128xf32, #tpu.memory_space<vmem_shared>>
      %dma_wait3A_49 = arith.constant 0 : i32
      %dma_wait3A_50 = arith.constant 0 : i32
      %dma_wait3A_51 = tpu.memref_slice %arg8[%dma_wait3A_49, %dma_wait3A_50] : memref<128x128xf32, #tpu.memory_space<vmem>> -> memref<128x128xf32, #tpu.memory_space<vmem>>
      tpu.wait_dma2 semaphore(%run_scoped3A : memref<!tpu.dma_semaphore, #tpu.memory_space<semaphore_mem>>) src(%dma_wait3A_51 : memref<128x128xf32, #tpu.memory_space<vmem>>) dst(%dma_wait3A_48 : memref<128x128xf32, #tpu.memory_space<vmem_shared>>)
      tpu.yield
    }) : () -> ()
    %add3A_9 = arith.constant 128 : i32
    %add3A_10 = arith.addi %mul3A_6, %add3A_9 : i32
    "tpu.region"() ({
      %run_scoped3A = tpu.sem_alloc : memref<!tpu.dma_semaphore, #tpu.memory_space<semaphore_mem>>
      %dma_start3A = arith.constant 0 : i32
      %dma_start3A_34 = arith.constant 0 : i32
      %dma_start3A_35 = tpu.memref_slice %arg8[%dma_start3A, %dma_start3A_34] : memref<128x128xf32, #tpu.memory_space<vmem>> -> memref<128x128xf32, #tpu.memory_space<vmem>>
      %dma_start3A_36 = arith.constant 0 : i32
      %dma_start3A_37 = tpu.memref_slice %arg12[%add3A_10, %dma_start3A_36] : memref<10112x128xf32, #tpu.memory_space<vmem_shared>> -> memref<128x128xf32, #tpu.memory_space<vmem_shared>>
      %dma_start3A_38 = arith.constant 0 : i32
      %dma_start3A_39 = tpu.memref_slice %arg12[%add3A_10, %dma_start3A_38] : memref<10112x128xf32, #tpu.memory_space<vmem_shared>> -> memref<128x128xf32, #tpu.memory_space<vmem_shared>>
      %dma_start3A_40 = arith.constant 0 : i32
      %dma_start3A_41 = arith.constant 0 : i32
      %dma_start3A_42 = tpu.memref_slice %arg8[%dma_start3A_40, %dma_start3A_41] : memref<128x128xf32, #tpu.memory_space<vmem>> -> memref<128x128xf32, #tpu.memory_space<vmem>>
      tpu.enqueue_dma source(%dma_start3A_42 : memref<128x128xf32, #tpu.memory_space<vmem>>) target(%dma_start3A_39 : memref<128x128xf32, #tpu.memory_space<vmem_shared>>) target_semaphore(%run_scoped3A : memref<!tpu.dma_semaphore, #tpu.memory_space<semaphore_mem>>)
      %dma_wait3A = arith.constant 0 : i32
      %dma_wait3A_43 = arith.constant 0 : i32
      %dma_wait3A_44 = tpu.memref_slice %arg8[%dma_wait3A, %dma_wait3A_43] : memref<128x128xf32, #tpu.memory_space<vmem>> -> memref<128x128xf32, #tpu.memory_space<vmem>>
      %dma_wait3A_45 = arith.constant 0 : i32
      %dma_wait3A_46 = tpu.memref_slice %arg12[%add3A_10, %dma_wait3A_45] : memref<10112x128xf32, #tpu.memory_space<vmem_shared>> -> memref<128x128xf32, #tpu.memory_space<vmem_shared>>
      %dma_wait3A_47 = arith.constant 0 : i32
      %dma_wait3A_48 = tpu.memref_slice %arg12[%add3A_10, %dma_wait3A_47] : memref<10112x128xf32, #tpu.memory_space<vmem_shared>> -> memref<128x128xf32, #tpu.memory_space<vmem_shared>>
      %dma_wait3A_49 = arith.constant 0 : i32
      %dma_wait3A_50 = arith.constant 0 : i32
      %dma_wait3A_51 = tpu.memref_slice %arg8[%dma_wait3A_49, %dma_wait3A_50] : memref<128x128xf32, #tpu.memory_space<vmem>> -> memref<128x128xf32, #tpu.memory_space<vmem>>
      tpu.wait_dma2 semaphore(%run_scoped3A : memref<!tpu.dma_semaphore, #tpu.memory_space<semaphore_mem>>) src(%dma_wait3A_51 : memref<128x128xf32, #tpu.memory_space<vmem>>) dst(%dma_wait3A_48 : memref<128x128xf32, #tpu.memory_space<vmem_shared>>)
      tpu.yield
    }) : () -> ()
    %add3A_11 = arith.constant 256 : i32
    %add3A_12 = arith.addi %mul3A_6, %add3A_11 : i32
    "tpu.region"() ({
      %run_scoped3A = tpu.sem_alloc : memref<!tpu.dma_semaphore, #tpu.memory_space<semaphore_mem>>
      %dma_start3A = arith.constant 0 : i32
      %dma_start3A_34 = arith.constant 0 : i32
      %dma_start3A_35 = tpu.memref_slice %arg8[%dma_start3A, %dma_start3A_34] : memref<128x128xf32, #tpu.memory_space<vmem>> -> memref<128x128xf32, #tpu.memory_space<vmem>>
      %dma_start3A_36 = arith.constant 0 : i32
      %dma_start3A_37 = tpu.memref_slice %arg12[%add3A_12, %dma_start3A_36] : memref<10112x128xf32, #tpu.memory_space<vmem_shared>> -> memref<128x128xf32, #tpu.memory_space<vmem_shared>>
      %dma_start3A_38 = arith.constant 0 : i32
      %dma_start3A_39 = tpu.memref_slice %arg12[%add3A_12, %dma_start3A_38] : memref<10112x128xf32, #tpu.memory_space<vmem_shared>> -> memref<128x128xf32, #tpu.memory_space<vmem_shared>>
      %dma_start3A_40 = arith.constant 0 : i32
      %dma_start3A_41 = arith.constant 0 : i32
      %dma_start3A_42 = tpu.memref_slice %arg8[%dma_start3A_40, %dma_start3A_41] : memref<128x128xf32, #tpu.memory_space<vmem>> -> memref<128x128xf32, #tpu.memory_space<vmem>>
      tpu.enqueue_dma source(%dma_start3A_42 : memref<128x128xf32, #tpu.memory_space<vmem>>) target(%dma_start3A_39 : memref<128x128xf32, #tpu.memory_space<vmem_shared>>) target_semaphore(%run_scoped3A : memref<!tpu.dma_semaphore, #tpu.memory_space<semaphore_mem>>)
      %dma_wait3A = arith.constant 0 : i32
      %dma_wait3A_43 = arith.constant 0 : i32
      %dma_wait3A_44 = tpu.memref_slice %arg8[%dma_wait3A, %dma_wait3A_43] : memref<128x128xf32, #tpu.memory_space<vmem>> -> memref<128x128xf32, #tpu.memory_space<vmem>>
      %dma_wait3A_45 = arith.constant 0 : i32
      %dma_wait3A_46 = tpu.memref_slice %arg12[%add3A_12, %dma_wait3A_45] : memref<10112x128xf32, #tpu.memory_space<vmem_shared>> -> memref<128x128xf32, #tpu.memory_space<vmem_shared>>
      %dma_wait3A_47 = arith.constant 0 : i32
      %dma_wait3A_48 = tpu.memref_slice %arg12[%add3A_12, %dma_wait3A_47] : memref<10112x128xf32, #tpu.memory_space<vmem_shared>> -> memref<128x128xf32, #tpu.memory_space<vmem_shared>>
      %dma_wait3A_49 = arith.constant 0 : i32
      %dma_wait3A_50 = arith.constant 0 : i32
      %dma_wait3A_51 = tpu.memref_slice %arg8[%dma_wait3A_49, %dma_wait3A_50] : memref<128x128xf32, #tpu.memory_space<vmem>> -> memref<128x128xf32, #tpu.memory_space<vmem>>
      tpu.wait_dma2 semaphore(%run_scoped3A : memref<!tpu.dma_semaphore, #tpu.memory_space<semaphore_mem>>) src(%dma_wait3A_51 : memref<128x128xf32, #tpu.memory_space<vmem>>) dst(%dma_wait3A_48 : memref<128x128xf32, #tpu.memory_space<vmem_shared>>)
      tpu.yield
    }) : () -> ()
    %add3A_13 = arith.constant 384 : i32
    %add3A_14 = arith.addi %mul3A_6, %add3A_13 : i32
    "tpu.region"() ({
      %run_scoped3A = tpu.sem_alloc : memref<!tpu.dma_semaphore, #tpu.memory_space<semaphore_mem>>
      %dma_start3A = arith.constant 0 : i32
      %dma_start3A_34 = arith.constant 0 : i32
      %dma_start3A_35 = tpu.memref_slice %arg8[%dma_start3A, %dma_start3A_34] : memref<128x128xf32, #tpu.memory_space<vmem>> -> memref<128x128xf32, #tpu.memory_space<vmem>>
      %dma_start3A_36 = arith.constant 0 : i32
      %dma_start3A_37 = tpu.memref_slice %arg12[%add3A_14, %dma_start3A_36] : memref<10112x128xf32, #tpu.memory_space<vmem_shared>> -> memref<128x128xf32, #tpu.memory_space<vmem_shared>>
      %dma_start3A_38 = arith.constant 0 : i32
      %dma_start3A_39 = tpu.memref_slice %arg12[%add3A_14, %dma_start3A_38] : memref<10112x128xf32, #tpu.memory_space<vmem_shared>> -> memref<128x128xf32, #tpu.memory_space<vmem_shared>>
      %dma_start3A_40 = arith.constant 0 : i32
      %dma_start3A_41 = arith.constant 0 : i32
      %dma_start3A_42 = tpu.memref_slice %arg8[%dma_start3A_40, %dma_start3A_41] : memref<128x128xf32, #tpu.memory_space<vmem>> -> memref<128x128xf32, #tpu.memory_space<vmem>>
      tpu.enqueue_dma source(%dma_start3A_42 : memref<128x128xf32, #tpu.memory_space<vmem>>) target(%dma_start3A_39 : memref<128x128xf32, #tpu.memory_space<vmem_shared>>) target_semaphore(%run_scoped3A : memref<!tpu.dma_semaphore, #tpu.memory_space<semaphore_mem>>)
      %dma_wait3A = arith.constant 0 : i32
      %dma_wait3A_43 = arith.constant 0 : i32
      %dma_wait3A_44 = tpu.memref_slice %arg8[%dma_wait3A, %dma_wait3A_43] : memref<128x128xf32, #tpu.memory_space<vmem>> -> memref<128x128xf32, #tpu.memory_space<vmem>>
      %dma_wait3A_45 = arith.constant 0 : i32
      %dma_wait3A_46 = tpu.memref_slice %arg12[%add3A_14, %dma_wait3A_45] : memref<10112x128xf32, #tpu.memory_space<vmem_shared>> -> memref<128x128xf32, #tpu.memory_space<vmem_shared>>
      %dma_wait3A_47 = arith.constant 0 : i32
      %dma_wait3A_48 = tpu.memref_slice %arg12[%add3A_14, %dma_wait3A_47] : memref<10112x128xf32, #tpu.memory_space<vmem_shared>> -> memref<128x128xf32, #tpu.memory_space<vmem_shared>>
      %dma_wait3A_49 = arith.constant 0 : i32
      %dma_wait3A_50 = arith.constant 0 : i32
      %dma_wait3A_51 = tpu.memref_slice %arg8[%dma_wait3A_49, %dma_wait3A_50] : memref<128x128xf32, #tpu.memory_space<vmem>> -> memref<128x128xf32, #tpu.memory_space<vmem>>
      tpu.wait_dma2 semaphore(%run_scoped3A : memref<!tpu.dma_semaphore, #tpu.memory_space<semaphore_mem>>) src(%dma_wait3A_51 : memref<128x128xf32, #tpu.memory_space<vmem>>) dst(%dma_wait3A_48 : memref<128x128xf32, #tpu.memory_space<vmem_shared>>)
      tpu.yield
    }) : () -> ()
    %add3A_15 = arith.constant 512 : i32
    %add3A_16 = arith.addi %mul3A_6, %add3A_15 : i32
    "tpu.region"() ({
      %run_scoped3A = tpu.sem_alloc : memref<!tpu.dma_semaphore, #tpu.memory_space<semaphore_mem>>
      %dma_start3A = arith.constant 0 : i32
      %dma_start3A_34 = arith.constant 0 : i32
      %dma_start3A_35 = tpu.memref_slice %arg8[%dma_start3A, %dma_start3A_34] : memref<128x128xf32, #tpu.memory_space<vmem>> -> memref<120x128xf32, #tpu.memory_space<vmem>>
      %dma_start3A_36 = arith.constant 0 : i32
      %dma_start3A_37 = tpu.memref_slice %arg12[%add3A_16, %dma_start3A_36] : memref<10112x128xf32, #tpu.memory_space<vmem_shared>> -> memref<120x128xf32, #tpu.memory_space<vmem_shared>>
      %dma_start3A_38 = arith.constant 0 : i32
      %dma_start3A_39 = tpu.memref_slice %arg12[%add3A_16, %dma_start3A_38] : memref<10112x128xf32, #tpu.memory_space<vmem_shared>> -> memref<120x128xf32, #tpu.memory_space<vmem_shared>>
      %dma_start3A_40 = arith.constant 0 : i32
      %dma_start3A_41 = arith.constant 0 : i32
      %dma_start3A_42 = tpu.memref_slice %arg8[%dma_start3A_40, %dma_start3A_41] : memref<128x128xf32, #tpu.memory_space<vmem>> -> memref<120x128xf32, #tpu.memory_space<vmem>>
      tpu.enqueue_dma source(%dma_start3A_42 : memref<120x128xf32, #tpu.memory_space<vmem>>) target(%dma_start3A_39 : memref<120x128xf32, #tpu.memory_space<vmem_shared>>) target_semaphore(%run_scoped3A : memref<!tpu.dma_semaphore, #tpu.memory_space<semaphore_mem>>)
      %dma_wait3A = arith.constant 0 : i32
      %dma_wait3A_43 = arith.constant 0 : i32
      %dma_wait3A_44 = tpu.memref_slice %arg8[%dma_wait3A, %dma_wait3A_43] : memref<128x128xf32, #tpu.memory_space<vmem>> -> memref<120x128xf32, #tpu.memory_space<vmem>>
      %dma_wait3A_45 = arith.constant 0 : i32
      %dma_wait3A_46 = tpu.memref_slice %arg12[%add3A_16, %dma_wait3A_45] : memref<10112x128xf32, #tpu.memory_space<vmem_shared>> -> memref<120x128xf32, #tpu.memory_space<vmem_shared>>
      %dma_wait3A_47 = arith.constant 0 : i32
      %dma_wait3A_48 = tpu.memref_slice %arg12[%add3A_16, %dma_wait3A_47] : memref<10112x128xf32, #tpu.memory_space<vmem_shared>> -> memref<120x128xf32, #tpu.memory_space<vmem_shared>>
      %dma_wait3A_49 = arith.constant 0 : i32
      %dma_wait3A_50 = arith.constant 0 : i32
      %dma_wait3A_51 = tpu.memref_slice %arg8[%dma_wait3A_49, %dma_wait3A_50] : memref<128x128xf32, #tpu.memory_space<vmem>> -> memref<120x128xf32, #tpu.memory_space<vmem>>
      tpu.wait_dma2 semaphore(%run_scoped3A : memref<!tpu.dma_semaphore, #tpu.memory_space<semaphore_mem>>) src(%dma_wait3A_51 : memref<120x128xf32, #tpu.memory_space<vmem>>) dst(%dma_wait3A_48 : memref<120x128xf32, #tpu.memory_space<vmem_shared>>)
      tpu.yield
    }) : () -> ()
    %barrier3A = arith.constant 0 : index
    tpu.barrier barrier_id(%barrier3A)
    %eq3A = arith.constant 0 : i32
    %eq3A_17 = arith.cmpi eq, %arg0, %eq3A : i32
    %mul3A_18 = arith.constant 152 : i32
    %mul3A_19 = arith.muli %arg1, %mul3A_18 : i32
    %mul3A_20 = arith.constant 8 : i32
    %mul3A_21 = arith.muli %arg1, %mul3A_20 : i32
    %add3A_22 = arith.constant 2432 : i32
    %add3A_23 = arith.addi %add3A_22, %mul3A_21 : i32
    %select_n3A = arith.select %eq3A_17, %mul3A_19, %add3A_23 : i32
    %eq3A_24 = arith.constant 0 : i32
    %eq3A_25 = arith.cmpi eq, %arg0, %eq3A_24 : i32
    %jit3A = arith.constant 19 : i32
    %jit3A_26 = arith.constant 1 : i32
    %select_n3A_27 = arith.select %eq3A_25, %jit3A, %jit3A_26 : i32
    %scan3A_28 = arith.constant 0 : i32
    %scan3A_29 = arith.constant 19 : i32
    %scan3A_30 = arith.addi %scan3A_28, %scan3A_29 : i32
    %scan3A_31 = arith.constant 1 : i32
    scf.for %scan3A_34 = %scan3A_28 to %scan3A_30 step %scan3A_31  : i32 {
      %mul3A_35 = arith.constant 1 : i32
      %mul3A_36 = arith.muli %scan3A_34, %mul3A_35 : i32
      %add3A_37 = arith.constant 0 : i32
      %add3A_38 = arith.addi %add3A_37, %mul3A_36 : i32
      %lt3A = arith.cmpi slt, %add3A_38, %select_n3A_27 : i32
      %convert_element_type3A = arith.extui %lt3A : i1 to i32
      %cond3A = arith.constant 0 : i32
      %cond3A_39 = arith.cmpi ne, %convert_element_type3A, %cond3A : i32
      scf.if %cond3A_39 {
        %mul3A_40 = arith.constant 8 : i32
        %mul3A_41 = arith.muli %add3A_38, %mul3A_40 : i32
        %add3A_42 = arith.addi %select_n3A, %mul3A_41 : i32
        "tpu.region"() ({
          %run_scoped3A = tpu.sem_alloc : memref<!tpu.dma_semaphore, #tpu.memory_space<semaphore_mem>>
          %dma_start3A_361 = arith.constant 0 : i32
          %dma_start3A_362 = tpu.memref_slice %arg3[%add3A_42, %dma_start3A_361] : memref<2560x128xi32, #tpu.memory_space<hbm>> -> memref<8x128xi32, #tpu.memory_space<hbm>>
          %dma_start3A_363 = arith.constant 0 : i32
          %dma_start3A_364 = tpu.memref_slice %arg3[%add3A_42, %dma_start3A_363] : memref<2560x128xi32, #tpu.memory_space<hbm>> -> memref<8x128xi32, #tpu.memory_space<hbm>>
          tpu.enqueue_dma source(%dma_start3A_364 : memref<8x128xi32, #tpu.memory_space<hbm>>) target(%arg6 : memref<8x128xi32, #tpu.memory_space<vmem>>) target_semaphore(%run_scoped3A : memref<!tpu.dma_semaphore, #tpu.memory_space<semaphore_mem>>)
          %dma_wait3A_365 = arith.constant 0 : i32
          %dma_wait3A_366 = tpu.memref_slice %arg3[%add3A_42, %dma_wait3A_365] : memref<2560x128xi32, #tpu.memory_space<hbm>> -> memref<8x128xi32, #tpu.memory_space<hbm>>
          %dma_wait3A_367 = arith.constant 0 : i32
          %dma_wait3A_368 = tpu.memref_slice %arg3[%add3A_42, %dma_wait3A_367] : memref<2560x128xi32, #tpu.memory_space<hbm>> -> memref<8x128xi32, #tpu.memory_space<hbm>>
          tpu.wait_dma2 semaphore(%run_scoped3A : memref<!tpu.dma_semaphore, #tpu.memory_space<semaphore_mem>>) src(%dma_wait3A_368 : memref<8x128xi32, #tpu.memory_space<hbm>>) dst(%arg6 : memref<8x128xi32, #tpu.memory_space<vmem>>)
          tpu.yield
        }) : () -> ()
        "tpu.region"() ({
          %run_scoped3A = tpu.sem_alloc : memref<!tpu.dma_semaphore, #tpu.memory_space<semaphore_mem>>
          %dma_start3A_361 = arith.constant 0 : i32
          %dma_start3A_362 = tpu.memref_slice %arg4[%add3A_42, %dma_start3A_361] : memref<2560x128xi32, #tpu.memory_space<hbm>> -> memref<8x128xi32, #tpu.memory_space<hbm>>
          %dma_start3A_363 = arith.constant 0 : i32
          %dma_start3A_364 = tpu.memref_slice %arg4[%add3A_42, %dma_start3A_363] : memref<2560x128xi32, #tpu.memory_space<hbm>> -> memref<8x128xi32, #tpu.memory_space<hbm>>
          tpu.enqueue_dma source(%dma_start3A_364 : memref<8x128xi32, #tpu.memory_space<hbm>>) target(%arg7 : memref<8x128xi32, #tpu.memory_space<vmem>>) target_semaphore(%run_scoped3A : memref<!tpu.dma_semaphore, #tpu.memory_space<semaphore_mem>>)
          %dma_wait3A_365 = arith.constant 0 : i32
          %dma_wait3A_366 = tpu.memref_slice %arg4[%add3A_42, %dma_wait3A_365] : memref<2560x128xi32, #tpu.memory_space<hbm>> -> memref<8x128xi32, #tpu.memory_space<hbm>>
          %dma_wait3A_367 = arith.constant 0 : i32
          %dma_wait3A_368 = tpu.memref_slice %arg4[%add3A_42, %dma_wait3A_367] : memref<2560x128xi32, #tpu.memory_space<hbm>> -> memref<8x128xi32, #tpu.memory_space<hbm>>
          tpu.wait_dma2 semaphore(%run_scoped3A : memref<!tpu.dma_semaphore, #tpu.memory_space<semaphore_mem>>) src(%dma_wait3A_368 : memref<8x128xi32, #tpu.memory_space<hbm>>) dst(%arg7 : memref<8x128xi32, #tpu.memory_space<vmem>>)
          tpu.yield
        }) : () -> ()
        %dma_start3A = arith.constant 0 : i32
        %dma_start3A_43 = arith.constant 0 : i32
        %dma_start3A_44 = arith.constant 0 : i32
        %dma_start3A_45 = tpu.memref_slice %arg6[%dma_start3A, %dma_start3A_44] : memref<8x128xi32, #tpu.memory_space<vmem>> -> memref<1x128xi32, #tpu.memory_space<vmem>>
        %dma_start3A_46 = tpu.memref_squeeze %dma_start3A_45 : memref<1x128xi32, #tpu.memory_space<vmem>> -> memref<128xi32, #tpu.memory_space<vmem>>
        %dma_start3A_47 = arith.constant 0 : i32
        %dma_start3A_48 = arith.constant 0 : i32
        %dma_start3A_49 = tpu.memref_slice %arg2[%dma_start3A_47, %dma_start3A_48] : memref<10112x128xf32, #tpu.memory_space<hbm>> -> memref<10112x128xf32, #tpu.memory_space<hbm>>
        %dma_start3A_50 = tpu.memref_slice %arg10[%dma_start3A_43] : memref<2x!tpu.dma_semaphore, #tpu.memory_space<semaphore_mem>> -> memref<1x!tpu.dma_semaphore, #tpu.memory_space<semaphore_mem>>
        %dma_start3A_51 = tpu.memref_squeeze %dma_start3A_50 : memref<1x!tpu.dma_semaphore, #tpu.memory_space<semaphore_mem>> -> memref<!tpu.dma_semaphore, #tpu.memory_space<semaphore_mem>>
        tpu.enqueue_indirect_dma source(%dma_start3A_49 : memref<10112x128xf32, #tpu.memory_space<hbm>>) target(%arg8 : memref<128x128xf32, #tpu.memory_space<vmem>>) offsets(%dma_start3A_46 : memref<128xi32, #tpu.memory_space<vmem>>) semaphore(%dma_start3A_51 : memref<!tpu.dma_semaphore, #tpu.memory_space<semaphore_mem>>)
        %dma_start3A_52 = arith.constant 1 : i32
        %dma_start3A_53 = arith.constant 1 : i32
        %dma_start3A_54 = arith.constant 0 : i32
        %dma_start3A_55 = tpu.memref_slice %arg6[%dma_start3A_52, %dma_start3A_54] : memref<8x128xi32, #tpu.memory_space<vmem>> -> memref<1x128xi32, #tpu.memory_space<vmem>>
        %dma_start3A_56 = tpu.memref_squeeze %dma_start3A_55 : memref<1x128xi32, #tpu.memory_space<vmem>> -> memref<128xi32, #tpu.memory_space<vmem>>
        %dma_start3A_57 = arith.constant 0 : i32
        %dma_start3A_58 = arith.constant 0 : i32
        %dma_start3A_59 = tpu.memref_slice %arg2[%dma_start3A_57, %dma_start3A_58] : memref<10112x128xf32, #tpu.memory_space<hbm>> -> memref<10112x128xf32, #tpu.memory_space<hbm>>
        %dma_start3A_60 = tpu.memref_slice %arg10[%dma_start3A_53] : memref<2x!tpu.dma_semaphore, #tpu.memory_space<semaphore_mem>> -> memref<1x!tpu.dma_semaphore, #tpu.memory_space<semaphore_mem>>
        %dma_start3A_61 = tpu.memref_squeeze %dma_start3A_60 : memref<1x!tpu.dma_semaphore, #tpu.memory_space<semaphore_mem>> -> memref<!tpu.dma_semaphore, #tpu.memory_space<semaphore_mem>>
        tpu.enqueue_indirect_dma source(%dma_start3A_59 : memref<10112x128xf32, #tpu.memory_space<hbm>>) target(%arg9 : memref<128x128xf32, #tpu.memory_space<vmem>>) offsets(%dma_start3A_56 : memref<128xi32, #tpu.memory_space<vmem>>) semaphore(%dma_start3A_61 : memref<!tpu.dma_semaphore, #tpu.memory_space<semaphore_mem>>)
        %dma_wait3A = arith.constant 0 : i32
        %dma_wait3A_62 = arith.constant 0 : i32
        %dma_wait3A_63 = arith.constant 0 : i32
        %dma_wait3A_64 = tpu.memref_slice %arg6[%dma_wait3A, %dma_wait3A_63] : memref<8x128xi32, #tpu.memory_space<vmem>> -> memref<1x128xi32, #tpu.memory_space<vmem>>
        %dma_wait3A_65 = tpu.memref_squeeze %dma_wait3A_64 : memref<1x128xi32, #tpu.memory_space<vmem>> -> memref<128xi32, #tpu.memory_space<vmem>>
        %dma_wait3A_66 = arith.constant 0 : i32
        %dma_wait3A_67 = arith.constant 0 : i32
        %dma_wait3A_68 = tpu.memref_slice %arg2[%dma_wait3A_66, %dma_wait3A_67] : memref<10112x128xf32, #tpu.memory_space<hbm>> -> memref<10112x128xf32, #tpu.memory_space<hbm>>
        %dma_wait3A_69 = tpu.memref_slice %arg10[%dma_wait3A_62] : memref<2x!tpu.dma_semaphore, #tpu.memory_space<semaphore_mem>> -> memref<1x!tpu.dma_semaphore, #tpu.memory_space<semaphore_mem>>
        %dma_wait3A_70 = tpu.memref_squeeze %dma_wait3A_69 : memref<1x!tpu.dma_semaphore, #tpu.memory_space<semaphore_mem>> -> memref<!tpu.dma_semaphore, #tpu.memory_space<semaphore_mem>>
        tpu.wait_indirect_dma semaphore(%dma_wait3A_70 : memref<!tpu.dma_semaphore, #tpu.memory_space<semaphore_mem>>) src(%dma_wait3A_68 : memref<10112x128xf32, #tpu.memory_space<hbm>>) dst(%arg8 : memref<128x128xf32, #tpu.memory_space<vmem>>)
        %dma_start3A_71 = arith.constant 0 : i32
        %dma_start3A_72 = arith.constant 0 : i32
        %dma_start3A_73 = arith.constant 0 : i32
        %dma_start3A_74 = tpu.memref_slice %arg7[%dma_start3A_71, %dma_start3A_73] : memref<8x128xi32, #tpu.memory_space<vmem>> -> memref<1x128xi32, #tpu.memory_space<vmem>>
        %dma_start3A_75 = tpu.memref_squeeze %dma_start3A_74 : memref<1x128xi32, #tpu.memory_space<vmem>> -> memref<128xi32, #tpu.memory_space<vmem>>
        %dma_start3A_76 = arith.constant 0 : i32
        %dma_start3A_77 = arith.constant 0 : i32
        %dma_start3A_78 = tpu.memref_slice %arg12[%dma_start3A_76, %dma_start3A_77] : memref<10112x128xf32, #tpu.memory_space<vmem_shared>> -> memref<10112x128xf32, #tpu.memory_space<vmem_shared>>
        %dma_start3A_79 = tpu.memref_slice %arg11[%dma_start3A_72] : memref<2x!tpu.dma_semaphore, #tpu.memory_space<semaphore_mem>> -> memref<1x!tpu.dma_semaphore, #tpu.memory_space<semaphore_mem>>
        %dma_start3A_80 = tpu.memref_squeeze %dma_start3A_79 : memref<1x!tpu.dma_semaphore, #tpu.memory_space<semaphore_mem>> -> memref<!tpu.dma_semaphore, #tpu.memory_space<semaphore_mem>>
        tpu.enqueue_indirect_dma source(%arg8 : memref<128x128xf32, #tpu.memory_space<vmem>>) target(%dma_start3A_78 : memref<10112x128xf32, #tpu.memory_space<vmem_shared>>) offsets(%dma_start3A_75 : memref<128xi32, #tpu.memory_space<vmem>>) semaphore(%dma_start3A_80 : memref<!tpu.dma_semaphore, #tpu.memory_space<semaphore_mem>>) {add = true}
        %dma_wait3A_81 = arith.constant 0 : i32
        %dma_wait3A_82 = arith.constant 0 : i32
        %dma_wait3A_83 = arith.constant 0 : i32
        %dma_wait3A_84 = tpu.memref_slice %arg7[%dma_wait3A_81, %dma_wait3A_83] : memref<8x128xi32, #tpu.memory_space<vmem>> -> memref<1x128xi32, #tpu.memory_space<vmem>>
        %dma_wait3A_85 = tpu.memref_squeeze %dma_wait3A_84 : memref<1x128xi32, #tpu.memory_space<vmem>> -> memref<128xi32, #tpu.memory_space<vmem>>
        %dma_wait3A_86 = arith.constant 0 : i32
        %dma_wait3A_87 = arith.constant 0 : i32
        %dma_wait3A_88 = tpu.memref_slice %arg12[%dma_wait3A_86, %dma_wait3A_87] : memref<10112x128xf32, #tpu.memory_space<vmem_shared>> -> memref<10112x128xf32, #tpu.memory_space<vmem_shared>>
        %dma_wait3A_89 = tpu.memref_slice %arg11[%dma_wait3A_82] : memref<2x!tpu.dma_semaphore, #tpu.memory_space<semaphore_mem>> -> memref<1x!tpu.dma_semaphore, #tpu.memory_space<semaphore_mem>>
        %dma_wait3A_90 = tpu.memref_squeeze %dma_wait3A_89 : memref<1x!tpu.dma_semaphore, #tpu.memory_space<semaphore_mem>> -> memref<!tpu.dma_semaphore, #tpu.memory_space<semaphore_mem>>
        tpu.wait_indirect_dma semaphore(%dma_wait3A_90 : memref<!tpu.dma_semaphore, #tpu.memory_space<semaphore_mem>>) src(%arg8 : memref<128x128xf32, #tpu.memory_space<vmem>>) dst(%dma_wait3A_88 : memref<10112x128xf32, #tpu.memory_space<vmem_shared>>)
        %dma_start3A_91 = arith.constant 2 : i32
        %dma_start3A_92 = arith.constant 0 : i32
        %dma_start3A_93 = arith.constant 0 : i32
        %dma_start3A_94 = tpu.memref_slice %arg6[%dma_start3A_91, %dma_start3A_93] : memref<8x128xi32, #tpu.memory_space<vmem>> -> memref<1x128xi32, #tpu.memory_space<vmem>>
        %dma_start3A_95 = tpu.memref_squeeze %dma_start3A_94 : memref<1x128xi32, #tpu.memory_space<vmem>> -> memref<128xi32, #tpu.memory_space<vmem>>
        %dma_start3A_96 = arith.constant 0 : i32
        %dma_start3A_97 = arith.constant 0 : i32
        %dma_start3A_98 = tpu.memref_slice %arg2[%dma_start3A_96, %dma_start3A_97] : memref<10112x128xf32, #tpu.memory_space<hbm>> -> memref<10112x128xf32, #tpu.memory_space<hbm>>
        %dma_start3A_99 = tpu.memref_slice %arg10[%dma_start3A_92] : memref<2x!tpu.dma_semaphore, #tpu.memory_space<semaphore_mem>> -> memref<1x!tpu.dma_semaphore, #tpu.memory_space<semaphore_mem>>
        %dma_start3A_100 = tpu.memref_squeeze %dma_start3A_99 : memref<1x!tpu.dma_semaphore, #tpu.memory_space<semaphore_mem>> -> memref<!tpu.dma_semaphore, #tpu.memory_space<semaphore_mem>>
        tpu.enqueue_indirect_dma source(%dma_start3A_98 : memref<10112x128xf32, #tpu.memory_space<hbm>>) target(%arg8 : memref<128x128xf32, #tpu.memory_space<vmem>>) offsets(%dma_start3A_95 : memref<128xi32, #tpu.memory_space<vmem>>) semaphore(%dma_start3A_100 : memref<!tpu.dma_semaphore, #tpu.memory_space<semaphore_mem>>)
        %dma_wait3A_101 = arith.constant 1 : i32
        %dma_wait3A_102 = arith.constant 1 : i32
        %dma_wait3A_103 = arith.constant 0 : i32
        %dma_wait3A_104 = tpu.memref_slice %arg6[%dma_wait3A_101, %dma_wait3A_103] : memref<8x128xi32, #tpu.memory_space<vmem>> -> memref<1x128xi32, #tpu.memory_space<vmem>>
        %dma_wait3A_105 = tpu.memref_squeeze %dma_wait3A_104 : memref<1x128xi32, #tpu.memory_space<vmem>> -> memref<128xi32, #tpu.memory_space<vmem>>
        %dma_wait3A_106 = arith.constant 0 : i32
        %dma_wait3A_107 = arith.constant 0 : i32
        %dma_wait3A_108 = tpu.memref_slice %arg2[%dma_wait3A_106, %dma_wait3A_107] : memref<10112x128xf32, #tpu.memory_space<hbm>> -> memref<10112x128xf32, #tpu.memory_space<hbm>>
        %dma_wait3A_109 = tpu.memref_slice %arg10[%dma_wait3A_102] : memref<2x!tpu.dma_semaphore, #tpu.memory_space<semaphore_mem>> -> memref<1x!tpu.dma_semaphore, #tpu.memory_space<semaphore_mem>>
        %dma_wait3A_110 = tpu.memref_squeeze %dma_wait3A_109 : memref<1x!tpu.dma_semaphore, #tpu.memory_space<semaphore_mem>> -> memref<!tpu.dma_semaphore, #tpu.memory_space<semaphore_mem>>
        tpu.wait_indirect_dma semaphore(%dma_wait3A_110 : memref<!tpu.dma_semaphore, #tpu.memory_space<semaphore_mem>>) src(%dma_wait3A_108 : memref<10112x128xf32, #tpu.memory_space<hbm>>) dst(%arg9 : memref<128x128xf32, #tpu.memory_space<vmem>>)
        %dma_start3A_111 = arith.constant 1 : i32
        %dma_start3A_112 = arith.constant 1 : i32
        %dma_start3A_113 = arith.constant 0 : i32
        %dma_start3A_114 = tpu.memref_slice %arg7[%dma_start3A_111, %dma_start3A_113] : memref<8x128xi32, #tpu.memory_space<vmem>> -> memref<1x128xi32, #tpu.memory_space<vmem>>
        %dma_start3A_115 = tpu.memref_squeeze %dma_start3A_114 : memref<1x128xi32, #tpu.memory_space<vmem>> -> memref<128xi32, #tpu.memory_space<vmem>>
        %dma_start3A_116 = arith.constant 0 : i32
        %dma_start3A_117 = arith.constant 0 : i32
        %dma_start3A_118 = tpu.memref_slice %arg12[%dma_start3A_116, %dma_start3A_117] : memref<10112x128xf32, #tpu.memory_space<vmem_shared>> -> memref<10112x128xf32, #tpu.memory_space<vmem_shared>>
        %dma_start3A_119 = tpu.memref_slice %arg11[%dma_start3A_112] : memref<2x!tpu.dma_semaphore, #tpu.memory_space<semaphore_mem>> -> memref<1x!tpu.dma_semaphore, #tpu.memory_space<semaphore_mem>>
        %dma_start3A_120 = tpu.memref_squeeze %dma_start3A_119 : memref<1x!tpu.dma_semaphore, #tpu.memory_space<semaphore_mem>> -> memref<!tpu.dma_semaphore, #tpu.memory_space<semaphore_mem>>
        tpu.enqueue_indirect_dma source(%arg9 : memref<128x128xf32, #tpu.memory_space<vmem>>) target(%dma_start3A_118 : memref<10112x128xf32, #tpu.memory_space<vmem_shared>>) offsets(%dma_start3A_115 : memref<128xi32, #tpu.memory_space<vmem>>) semaphore(%dma_start3A_120 : memref<!tpu.dma_semaphore, #tpu.memory_space<semaphore_mem>>) {add = true}
        %dma_wait3A_121 = arith.constant 1 : i32
        %dma_wait3A_122 = arith.constant 1 : i32
        %dma_wait3A_123 = arith.constant 0 : i32
        %dma_wait3A_124 = tpu.memref_slice %arg7[%dma_wait3A_121, %dma_wait3A_123] : memref<8x128xi32, #tpu.memory_space<vmem>> -> memref<1x128xi32, #tpu.memory_space<vmem>>
        %dma_wait3A_125 = tpu.memref_squeeze %dma_wait3A_124 : memref<1x128xi32, #tpu.memory_space<vmem>> -> memref<128xi32, #tpu.memory_space<vmem>>
        %dma_wait3A_126 = arith.constant 0 : i32
        %dma_wait3A_127 = arith.constant 0 : i32
        %dma_wait3A_128 = tpu.memref_slice %arg12[%dma_wait3A_126, %dma_wait3A_127] : memref<10112x128xf32, #tpu.memory_space<vmem_shared>> -> memref<10112x128xf32, #tpu.memory_space<vmem_shared>>
        %dma_wait3A_129 = tpu.memref_slice %arg11[%dma_wait3A_122] : memref<2x!tpu.dma_semaphore, #tpu.memory_space<semaphore_mem>> -> memref<1x!tpu.dma_semaphore, #tpu.memory_space<semaphore_mem>>
        %dma_wait3A_130 = tpu.memref_squeeze %dma_wait3A_129 : memref<1x!tpu.dma_semaphore, #tpu.memory_space<semaphore_mem>> -> memref<!tpu.dma_semaphore, #tpu.memory_space<semaphore_mem>>
        tpu.wait_indirect_dma semaphore(%dma_wait3A_130 : memref<!tpu.dma_semaphore, #tpu.memory_space<semaphore_mem>>) src(%arg9 : memref<128x128xf32, #tpu.memory_space<vmem>>) dst(%dma_wait3A_128 : memref<10112x128xf32, #tpu.memory_space<vmem_shared>>)
        %dma_start3A_131 = arith.constant 3 : i32
        %dma_start3A_132 = arith.constant 1 : i32
        %dma_start3A_133 = arith.constant 0 : i32
        %dma_start3A_134 = tpu.memref_slice %arg6[%dma_start3A_131, %dma_start3A_133] : memref<8x128xi32, #tpu.memory_space<vmem>> -> memref<1x128xi32, #tpu.memory_space<vmem>>
        %dma_start3A_135 = tpu.memref_squeeze %dma_start3A_134 : memref<1x128xi32, #tpu.memory_space<vmem>> -> memref<128xi32, #tpu.memory_space<vmem>>
        %dma_start3A_136 = arith.constant 0 : i32
        %dma_start3A_137 = arith.constant 0 : i32
        %dma_start3A_138 = tpu.memref_slice %arg2[%dma_start3A_136, %dma_start3A_137] : memref<10112x128xf32, #tpu.memory_space<hbm>> -> memref<10112x128xf32, #tpu.memory_space<hbm>>
        %dma_start3A_139 = tpu.memref_slice %arg10[%dma_start3A_132] : memref<2x!tpu.dma_semaphore, #tpu.memory_space<semaphore_mem>> -> memref<1x!tpu.dma_semaphore, #tpu.memory_space<semaphore_mem>>
        %dma_start3A_140 = tpu.memref_squeeze %dma_start3A_139 : memref<1x!tpu.dma_semaphore, #tpu.memory_space<semaphore_mem>> -> memref<!tpu.dma_semaphore, #tpu.memory_space<semaphore_mem>>
        tpu.enqueue_indirect_dma source(%dma_start3A_138 : memref<10112x128xf32, #tpu.memory_space<hbm>>) target(%arg9 : memref<128x128xf32, #tpu.memory_space<vmem>>) offsets(%dma_start3A_135 : memref<128xi32, #tpu.memory_space<vmem>>) semaphore(%dma_start3A_140 : memref<!tpu.dma_semaphore, #tpu.memory_space<semaphore_mem>>)
        %dma_wait3A_141 = arith.constant 2 : i32
        %dma_wait3A_142 = arith.constant 0 : i32
        %dma_wait3A_143 = arith.constant 0 : i32
        %dma_wait3A_144 = tpu.memref_slice %arg6[%dma_wait3A_141, %dma_wait3A_143] : memref<8x128xi32, #tpu.memory_space<vmem>> -> memref<1x128xi32, #tpu.memory_space<vmem>>
        %dma_wait3A_145 = tpu.memref_squeeze %dma_wait3A_144 : memref<1x128xi32, #tpu.memory_space<vmem>> -> memref<128xi32, #tpu.memory_space<vmem>>
        %dma_wait3A_146 = arith.constant 0 : i32
        %dma_wait3A_147 = arith.constant 0 : i32
        %dma_wait3A_148 = tpu.memref_slice %arg2[%dma_wait3A_146, %dma_wait3A_147] : memref<10112x128xf32, #tpu.memory_space<hbm>> -> memref<10112x128xf32, #tpu.memory_space<hbm>>
        %dma_wait3A_149 = tpu.memref_slice %arg10[%dma_wait3A_142] : memref<2x!tpu.dma_semaphore, #tpu.memory_space<semaphore_mem>> -> memref<1x!tpu.dma_semaphore, #tpu.memory_space<semaphore_mem>>
        %dma_wait3A_150 = tpu.memref_squeeze %dma_wait3A_149 : memref<1x!tpu.dma_semaphore, #tpu.memory_space<semaphore_mem>> -> memref<!tpu.dma_semaphore, #tpu.memory_space<semaphore_mem>>
        tpu.wait_indirect_dma semaphore(%dma_wait3A_150 : memref<!tpu.dma_semaphore, #tpu.memory_space<semaphore_mem>>) src(%dma_wait3A_148 : memref<10112x128xf32, #tpu.memory_space<hbm>>) dst(%arg8 : memref<128x128xf32, #tpu.memory_space<vmem>>)
        %dma_start3A_151 = arith.constant 2 : i32
        %dma_start3A_152 = arith.constant 0 : i32
        %dma_start3A_153 = arith.constant 0 : i32
        %dma_start3A_154 = tpu.memref_slice %arg7[%dma_start3A_151, %dma_start3A_153] : memref<8x128xi32, #tpu.memory_space<vmem>> -> memref<1x128xi32, #tpu.memory_space<vmem>>
        %dma_start3A_155 = tpu.memref_squeeze %dma_start3A_154 : memref<1x128xi32, #tpu.memory_space<vmem>> -> memref<128xi32, #tpu.memory_space<vmem>>
        %dma_start3A_156 = arith.constant 0 : i32
        %dma_start3A_157 = arith.constant 0 : i32
        %dma_start3A_158 = tpu.memref_slice %arg12[%dma_start3A_156, %dma_start3A_157] : memref<10112x128xf32, #tpu.memory_space<vmem_shared>> -> memref<10112x128xf32, #tpu.memory_space<vmem_shared>>
        %dma_start3A_159 = tpu.memref_slice %arg11[%dma_start3A_152] : memref<2x!tpu.dma_semaphore, #tpu.memory_space<semaphore_mem>> -> memref<1x!tpu.dma_semaphore, #tpu.memory_space<semaphore_mem>>
        %dma_start3A_160 = tpu.memref_squeeze %dma_start3A_159 : memref<1x!tpu.dma_semaphore, #tpu.memory_space<semaphore_mem>> -> memref<!tpu.dma_semaphore, #tpu.memory_space<semaphore_mem>>
        tpu.enqueue_indirect_dma source(%arg8 : memref<128x128xf32, #tpu.memory_space<vmem>>) target(%dma_start3A_158 : memref<10112x128xf32, #tpu.memory_space<vmem_shared>>) offsets(%dma_start3A_155 : memref<128xi32, #tpu.memory_space<vmem>>) semaphore(%dma_start3A_160 : memref<!tpu.dma_semaphore, #tpu.memory_space<semaphore_mem>>) {add = true}
        %dma_wait3A_161 = arith.constant 2 : i32
        %dma_wait3A_162 = arith.constant 0 : i32
        %dma_wait3A_163 = arith.constant 0 : i32
        %dma_wait3A_164 = tpu.memref_slice %arg7[%dma_wait3A_161, %dma_wait3A_163] : memref<8x128xi32, #tpu.memory_space<vmem>> -> memref<1x128xi32, #tpu.memory_space<vmem>>
        %dma_wait3A_165 = tpu.memref_squeeze %dma_wait3A_164 : memref<1x128xi32, #tpu.memory_space<vmem>> -> memref<128xi32, #tpu.memory_space<vmem>>
        %dma_wait3A_166 = arith.constant 0 : i32
        %dma_wait3A_167 = arith.constant 0 : i32
        %dma_wait3A_168 = tpu.memref_slice %arg12[%dma_wait3A_166, %dma_wait3A_167] : memref<10112x128xf32, #tpu.memory_space<vmem_shared>> -> memref<10112x128xf32, #tpu.memory_space<vmem_shared>>
        %dma_wait3A_169 = tpu.memref_slice %arg11[%dma_wait3A_162] : memref<2x!tpu.dma_semaphore, #tpu.memory_space<semaphore_mem>> -> memref<1x!tpu.dma_semaphore, #tpu.memory_space<semaphore_mem>>
        %dma_wait3A_170 = tpu.memref_squeeze %dma_wait3A_169 : memref<1x!tpu.dma_semaphore, #tpu.memory_space<semaphore_mem>> -> memref<!tpu.dma_semaphore, #tpu.memory_space<semaphore_mem>>
        tpu.wait_indirect_dma semaphore(%dma_wait3A_170 : memref<!tpu.dma_semaphore, #tpu.memory_space<semaphore_mem>>) src(%arg8 : memref<128x128xf32, #tpu.memory_space<vmem>>) dst(%dma_wait3A_168 : memref<10112x128xf32, #tpu.memory_space<vmem_shared>>)
        %dma_start3A_171 = arith.constant 4 : i32
        %dma_start3A_172 = arith.constant 0 : i32
        %dma_start3A_173 = arith.constant 0 : i32
        %dma_start3A_174 = tpu.memref_slice %arg6[%dma_start3A_171, %dma_start3A_173] : memref<8x128xi32, #tpu.memory_space<vmem>> -> memref<1x128xi32, #tpu.memory_space<vmem>>
        %dma_start3A_175 = tpu.memref_squeeze %dma_start3A_174 : memref<1x128xi32, #tpu.memory_space<vmem>> -> memref<128xi32, #tpu.memory_space<vmem>>
        %dma_start3A_176 = arith.constant 0 : i32
        %dma_start3A_177 = arith.constant 0 : i32
        %dma_start3A_178 = tpu.memref_slice %arg2[%dma_start3A_176, %dma_start3A_177] : memref<10112x128xf32, #tpu.memory_space<hbm>> -> memref<10112x128xf32, #tpu.memory_space<hbm>>
        %dma_start3A_179 = tpu.memref_slice %arg10[%dma_start3A_172] : memref<2x!tpu.dma_semaphore, #tpu.memory_space<semaphore_mem>> -> memref<1x!tpu.dma_semaphore, #tpu.memory_space<semaphore_mem>>
        %dma_start3A_180 = tpu.memref_squeeze %dma_start3A_179 : memref<1x!tpu.dma_semaphore, #tpu.memory_space<semaphore_mem>> -> memref<!tpu.dma_semaphore, #tpu.memory_space<semaphore_mem>>
        tpu.enqueue_indirect_dma source(%dma_start3A_178 : memref<10112x128xf32, #tpu.memory_space<hbm>>) target(%arg8 : memref<128x128xf32, #tpu.memory_space<vmem>>) offsets(%dma_start3A_175 : memref<128xi32, #tpu.memory_space<vmem>>) semaphore(%dma_start3A_180 : memref<!tpu.dma_semaphore, #tpu.memory_space<semaphore_mem>>)
        %dma_wait3A_181 = arith.constant 3 : i32
        %dma_wait3A_182 = arith.constant 1 : i32
        %dma_wait3A_183 = arith.constant 0 : i32
        %dma_wait3A_184 = tpu.memref_slice %arg6[%dma_wait3A_181, %dma_wait3A_183] : memref<8x128xi32, #tpu.memory_space<vmem>> -> memref<1x128xi32, #tpu.memory_space<vmem>>
        %dma_wait3A_185 = tpu.memref_squeeze %dma_wait3A_184 : memref<1x128xi32, #tpu.memory_space<vmem>> -> memref<128xi32, #tpu.memory_space<vmem>>
        %dma_wait3A_186 = arith.constant 0 : i32
        %dma_wait3A_187 = arith.constant 0 : i32
        %dma_wait3A_188 = tpu.memref_slice %arg2[%dma_wait3A_186, %dma_wait3A_187] : memref<10112x128xf32, #tpu.memory_space<hbm>> -> memref<10112x128xf32, #tpu.memory_space<hbm>>
        %dma_wait3A_189 = tpu.memref_slice %arg10[%dma_wait3A_182] : memref<2x!tpu.dma_semaphore, #tpu.memory_space<semaphore_mem>> -> memref<1x!tpu.dma_semaphore, #tpu.memory_space<semaphore_mem>>
        %dma_wait3A_190 = tpu.memref_squeeze %dma_wait3A_189 : memref<1x!tpu.dma_semaphore, #tpu.memory_space<semaphore_mem>> -> memref<!tpu.dma_semaphore, #tpu.memory_space<semaphore_mem>>
        tpu.wait_indirect_dma semaphore(%dma_wait3A_190 : memref<!tpu.dma_semaphore, #tpu.memory_space<semaphore_mem>>) src(%dma_wait3A_188 : memref<10112x128xf32, #tpu.memory_space<hbm>>) dst(%arg9 : memref<128x128xf32, #tpu.memory_space<vmem>>)
        %dma_start3A_191 = arith.constant 3 : i32
        %dma_start3A_192 = arith.constant 1 : i32
        %dma_start3A_193 = arith.constant 0 : i32
        %dma_start3A_194 = tpu.memref_slice %arg7[%dma_start3A_191, %dma_start3A_193] : memref<8x128xi32, #tpu.memory_space<vmem>> -> memref<1x128xi32, #tpu.memory_space<vmem>>
        %dma_start3A_195 = tpu.memref_squeeze %dma_start3A_194 : memref<1x128xi32, #tpu.memory_space<vmem>> -> memref<128xi32, #tpu.memory_space<vmem>>
        %dma_start3A_196 = arith.constant 0 : i32
        %dma_start3A_197 = arith.constant 0 : i32
        %dma_start3A_198 = tpu.memref_slice %arg12[%dma_start3A_196, %dma_start3A_197] : memref<10112x128xf32, #tpu.memory_space<vmem_shared>> -> memref<10112x128xf32, #tpu.memory_space<vmem_shared>>
        %dma_start3A_199 = tpu.memref_slice %arg11[%dma_start3A_192] : memref<2x!tpu.dma_semaphore, #tpu.memory_space<semaphore_mem>> -> memref<1x!tpu.dma_semaphore, #tpu.memory_space<semaphore_mem>>
        %dma_start3A_200 = tpu.memref_squeeze %dma_start3A_199 : memref<1x!tpu.dma_semaphore, #tpu.memory_space<semaphore_mem>> -> memref<!tpu.dma_semaphore, #tpu.memory_space<semaphore_mem>>
        tpu.enqueue_indirect_dma source(%arg9 : memref<128x128xf32, #tpu.memory_space<vmem>>) target(%dma_start3A_198 : memref<10112x128xf32, #tpu.memory_space<vmem_shared>>) offsets(%dma_start3A_195 : memref<128xi32, #tpu.memory_space<vmem>>) semaphore(%dma_start3A_200 : memref<!tpu.dma_semaphore, #tpu.memory_space<semaphore_mem>>) {add = true}
        %dma_wait3A_201 = arith.constant 3 : i32
        %dma_wait3A_202 = arith.constant 1 : i32
        %dma_wait3A_203 = arith.constant 0 : i32
        %dma_wait3A_204 = tpu.memref_slice %arg7[%dma_wait3A_201, %dma_wait3A_203] : memref<8x128xi32, #tpu.memory_space<vmem>> -> memref<1x128xi32, #tpu.memory_space<vmem>>
        %dma_wait3A_205 = tpu.memref_squeeze %dma_wait3A_204 : memref<1x128xi32, #tpu.memory_space<vmem>> -> memref<128xi32, #tpu.memory_space<vmem>>
        %dma_wait3A_206 = arith.constant 0 : i32
        %dma_wait3A_207 = arith.constant 0 : i32
        %dma_wait3A_208 = tpu.memref_slice %arg12[%dma_wait3A_206, %dma_wait3A_207] : memref<10112x128xf32, #tpu.memory_space<vmem_shared>> -> memref<10112x128xf32, #tpu.memory_space<vmem_shared>>
        %dma_wait3A_209 = tpu.memref_slice %arg11[%dma_wait3A_202] : memref<2x!tpu.dma_semaphore, #tpu.memory_space<semaphore_mem>> -> memref<1x!tpu.dma_semaphore, #tpu.memory_space<semaphore_mem>>
        %dma_wait3A_210 = tpu.memref_squeeze %dma_wait3A_209 : memref<1x!tpu.dma_semaphore, #tpu.memory_space<semaphore_mem>> -> memref<!tpu.dma_semaphore, #tpu.memory_space<semaphore_mem>>
        tpu.wait_indirect_dma semaphore(%dma_wait3A_210 : memref<!tpu.dma_semaphore, #tpu.memory_space<semaphore_mem>>) src(%arg9 : memref<128x128xf32, #tpu.memory_space<vmem>>) dst(%dma_wait3A_208 : memref<10112x128xf32, #tpu.memory_space<vmem_shared>>)
        %dma_start3A_211 = arith.constant 5 : i32
        %dma_start3A_212 = arith.constant 1 : i32
        %dma_start3A_213 = arith.constant 0 : i32
        %dma_start3A_214 = tpu.memref_slice %arg6[%dma_start3A_211, %dma_start3A_213] : memref<8x128xi32, #tpu.memory_space<vmem>> -> memref<1x128xi32, #tpu.memory_space<vmem>>
        %dma_start3A_215 = tpu.memref_squeeze %dma_start3A_214 : memref<1x128xi32, #tpu.memory_space<vmem>> -> memref<128xi32, #tpu.memory_space<vmem>>
        %dma_start3A_216 = arith.constant 0 : i32
        %dma_start3A_217 = arith.constant 0 : i32
        %dma_start3A_218 = tpu.memref_slice %arg2[%dma_start3A_216, %dma_start3A_217] : memref<10112x128xf32, #tpu.memory_space<hbm>> -> memref<10112x128xf32, #tpu.memory_space<hbm>>
        %dma_start3A_219 = tpu.memref_slice %arg10[%dma_start3A_212] : memref<2x!tpu.dma_semaphore, #tpu.memory_space<semaphore_mem>> -> memref<1x!tpu.dma_semaphore, #tpu.memory_space<semaphore_mem>>
        %dma_start3A_220 = tpu.memref_squeeze %dma_start3A_219 : memref<1x!tpu.dma_semaphore, #tpu.memory_space<semaphore_mem>> -> memref<!tpu.dma_semaphore, #tpu.memory_space<semaphore_mem>>
        tpu.enqueue_indirect_dma source(%dma_start3A_218 : memref<10112x128xf32, #tpu.memory_space<hbm>>) target(%arg9 : memref<128x128xf32, #tpu.memory_space<vmem>>) offsets(%dma_start3A_215 : memref<128xi32, #tpu.memory_space<vmem>>) semaphore(%dma_start3A_220 : memref<!tpu.dma_semaphore, #tpu.memory_space<semaphore_mem>>)
        %dma_wait3A_221 = arith.constant 4 : i32
        %dma_wait3A_222 = arith.constant 0 : i32
        %dma_wait3A_223 = arith.constant 0 : i32
        %dma_wait3A_224 = tpu.memref_slice %arg6[%dma_wait3A_221, %dma_wait3A_223] : memref<8x128xi32, #tpu.memory_space<vmem>> -> memref<1x128xi32, #tpu.memory_space<vmem>>
        %dma_wait3A_225 = tpu.memref_squeeze %dma_wait3A_224 : memref<1x128xi32, #tpu.memory_space<vmem>> -> memref<128xi32, #tpu.memory_space<vmem>>
        %dma_wait3A_226 = arith.constant 0 : i32
        %dma_wait3A_227 = arith.constant 0 : i32
        %dma_wait3A_228 = tpu.memref_slice %arg2[%dma_wait3A_226, %dma_wait3A_227] : memref<10112x128xf32, #tpu.memory_space<hbm>> -> memref<10112x128xf32, #tpu.memory_space<hbm>>
        %dma_wait3A_229 = tpu.memref_slice %arg10[%dma_wait3A_222] : memref<2x!tpu.dma_semaphore, #tpu.memory_space<semaphore_mem>> -> memref<1x!tpu.dma_semaphore, #tpu.memory_space<semaphore_mem>>
        %dma_wait3A_230 = tpu.memref_squeeze %dma_wait3A_229 : memref<1x!tpu.dma_semaphore, #tpu.memory_space<semaphore_mem>> -> memref<!tpu.dma_semaphore, #tpu.memory_space<semaphore_mem>>
        tpu.wait_indirect_dma semaphore(%dma_wait3A_230 : memref<!tpu.dma_semaphore, #tpu.memory_space<semaphore_mem>>) src(%dma_wait3A_228 : memref<10112x128xf32, #tpu.memory_space<hbm>>) dst(%arg8 : memref<128x128xf32, #tpu.memory_space<vmem>>)
        %dma_start3A_231 = arith.constant 4 : i32
        %dma_start3A_232 = arith.constant 0 : i32
        %dma_start3A_233 = arith.constant 0 : i32
        %dma_start3A_234 = tpu.memref_slice %arg7[%dma_start3A_231, %dma_start3A_233] : memref<8x128xi32, #tpu.memory_space<vmem>> -> memref<1x128xi32, #tpu.memory_space<vmem>>
        %dma_start3A_235 = tpu.memref_squeeze %dma_start3A_234 : memref<1x128xi32, #tpu.memory_space<vmem>> -> memref<128xi32, #tpu.memory_space<vmem>>
        %dma_start3A_236 = arith.constant 0 : i32
        %dma_start3A_237 = arith.constant 0 : i32
        %dma_start3A_238 = tpu.memref_slice %arg12[%dma_start3A_236, %dma_start3A_237] : memref<10112x128xf32, #tpu.memory_space<vmem_shared>> -> memref<10112x128xf32, #tpu.memory_space<vmem_shared>>
        %dma_start3A_239 = tpu.memref_slice %arg11[%dma_start3A_232] : memref<2x!tpu.dma_semaphore, #tpu.memory_space<semaphore_mem>> -> memref<1x!tpu.dma_semaphore, #tpu.memory_space<semaphore_mem>>
        %dma_start3A_240 = tpu.memref_squeeze %dma_start3A_239 : memref<1x!tpu.dma_semaphore, #tpu.memory_space<semaphore_mem>> -> memref<!tpu.dma_semaphore, #tpu.memory_space<semaphore_mem>>
        tpu.enqueue_indirect_dma source(%arg8 : memref<128x128xf32, #tpu.memory_space<vmem>>) target(%dma_start3A_238 : memref<10112x128xf32, #tpu.memory_space<vmem_shared>>) offsets(%dma_start3A_235 : memref<128xi32, #tpu.memory_space<vmem>>) semaphore(%dma_start3A_240 : memref<!tpu.dma_semaphore, #tpu.memory_space<semaphore_mem>>) {add = true}
        %dma_wait3A_241 = arith.constant 4 : i32
        %dma_wait3A_242 = arith.constant 0 : i32
        %dma_wait3A_243 = arith.constant 0 : i32
        %dma_wait3A_244 = tpu.memref_slice %arg7[%dma_wait3A_241, %dma_wait3A_243] : memref<8x128xi32, #tpu.memory_space<vmem>> -> memref<1x128xi32, #tpu.memory_space<vmem>>
        %dma_wait3A_245 = tpu.memref_squeeze %dma_wait3A_244 : memref<1x128xi32, #tpu.memory_space<vmem>> -> memref<128xi32, #tpu.memory_space<vmem>>
        %dma_wait3A_246 = arith.constant 0 : i32
        %dma_wait3A_247 = arith.constant 0 : i32
        %dma_wait3A_248 = tpu.memref_slice %arg12[%dma_wait3A_246, %dma_wait3A_247] : memref<10112x128xf32, #tpu.memory_space<vmem_shared>> -> memref<10112x128xf32, #tpu.memory_space<vmem_shared>>
        %dma_wait3A_249 = tpu.memref_slice %arg11[%dma_wait3A_242] : memref<2x!tpu.dma_semaphore, #tpu.memory_space<semaphore_mem>> -> memref<1x!tpu.dma_semaphore, #tpu.memory_space<semaphore_mem>>
        %dma_wait3A_250 = tpu.memref_squeeze %dma_wait3A_249 : memref<1x!tpu.dma_semaphore, #tpu.memory_space<semaphore_mem>> -> memref<!tpu.dma_semaphore, #tpu.memory_space<semaphore_mem>>
        tpu.wait_indirect_dma semaphore(%dma_wait3A_250 : memref<!tpu.dma_semaphore, #tpu.memory_space<semaphore_mem>>) src(%arg8 : memref<128x128xf32, #tpu.memory_space<vmem>>) dst(%dma_wait3A_248 : memref<10112x128xf32, #tpu.memory_space<vmem_shared>>)
        %dma_start3A_251 = arith.constant 6 : i32
        %dma_start3A_252 = arith.constant 0 : i32
        %dma_start3A_253 = arith.constant 0 : i32
        %dma_start3A_254 = tpu.memref_slice %arg6[%dma_start3A_251, %dma_start3A_253] : memref<8x128xi32, #tpu.memory_space<vmem>> -> memref<1x128xi32, #tpu.memory_space<vmem>>
        %dma_start3A_255 = tpu.memref_squeeze %dma_start3A_254 : memref<1x128xi32, #tpu.memory_space<vmem>> -> memref<128xi32, #tpu.memory_space<vmem>>
        %dma_start3A_256 = arith.constant 0 : i32
        %dma_start3A_257 = arith.constant 0 : i32
        %dma_start3A_258 = tpu.memref_slice %arg2[%dma_start3A_256, %dma_start3A_257] : memref<10112x128xf32, #tpu.memory_space<hbm>> -> memref<10112x128xf32, #tpu.memory_space<hbm>>
        %dma_start3A_259 = tpu.memref_slice %arg10[%dma_start3A_252] : memref<2x!tpu.dma_semaphore, #tpu.memory_space<semaphore_mem>> -> memref<1x!tpu.dma_semaphore, #tpu.memory_space<semaphore_mem>>
        %dma_start3A_260 = tpu.memref_squeeze %dma_start3A_259 : memref<1x!tpu.dma_semaphore, #tpu.memory_space<semaphore_mem>> -> memref<!tpu.dma_semaphore, #tpu.memory_space<semaphore_mem>>
        tpu.enqueue_indirect_dma source(%dma_start3A_258 : memref<10112x128xf32, #tpu.memory_space<hbm>>) target(%arg8 : memref<128x128xf32, #tpu.memory_space<vmem>>) offsets(%dma_start3A_255 : memref<128xi32, #tpu.memory_space<vmem>>) semaphore(%dma_start3A_260 : memref<!tpu.dma_semaphore, #tpu.memory_space<semaphore_mem>>)
        %dma_wait3A_261 = arith.constant 5 : i32
        %dma_wait3A_262 = arith.constant 1 : i32
        %dma_wait3A_263 = arith.constant 0 : i32
        %dma_wait3A_264 = tpu.memref_slice %arg6[%dma_wait3A_261, %dma_wait3A_263] : memref<8x128xi32, #tpu.memory_space<vmem>> -> memref<1x128xi32, #tpu.memory_space<vmem>>
        %dma_wait3A_265 = tpu.memref_squeeze %dma_wait3A_264 : memref<1x128xi32, #tpu.memory_space<vmem>> -> memref<128xi32, #tpu.memory_space<vmem>>
        %dma_wait3A_266 = arith.constant 0 : i32
        %dma_wait3A_267 = arith.constant 0 : i32
        %dma_wait3A_268 = tpu.memref_slice %arg2[%dma_wait3A_266, %dma_wait3A_267] : memref<10112x128xf32, #tpu.memory_space<hbm>> -> memref<10112x128xf32, #tpu.memory_space<hbm>>
        %dma_wait3A_269 = tpu.memref_slice %arg10[%dma_wait3A_262] : memref<2x!tpu.dma_semaphore, #tpu.memory_space<semaphore_mem>> -> memref<1x!tpu.dma_semaphore, #tpu.memory_space<semaphore_mem>>
        %dma_wait3A_270 = tpu.memref_squeeze %dma_wait3A_269 : memref<1x!tpu.dma_semaphore, #tpu.memory_space<semaphore_mem>> -> memref<!tpu.dma_semaphore, #tpu.memory_space<semaphore_mem>>
        tpu.wait_indirect_dma semaphore(%dma_wait3A_270 : memref<!tpu.dma_semaphore, #tpu.memory_space<semaphore_mem>>) src(%dma_wait3A_268 : memref<10112x128xf32, #tpu.memory_space<hbm>>) dst(%arg9 : memref<128x128xf32, #tpu.memory_space<vmem>>)
        %dma_start3A_271 = arith.constant 5 : i32
        %dma_start3A_272 = arith.constant 1 : i32
        %dma_start3A_273 = arith.constant 0 : i32
        %dma_start3A_274 = tpu.memref_slice %arg7[%dma_start3A_271, %dma_start3A_273] : memref<8x128xi32, #tpu.memory_space<vmem>> -> memref<1x128xi32, #tpu.memory_space<vmem>>
        %dma_start3A_275 = tpu.memref_squeeze %dma_start3A_274 : memref<1x128xi32, #tpu.memory_space<vmem>> -> memref<128xi32, #tpu.memory_space<vmem>>
        %dma_start3A_276 = arith.constant 0 : i32
        %dma_start3A_277 = arith.constant 0 : i32
        %dma_start3A_278 = tpu.memref_slice %arg12[%dma_start3A_276, %dma_start3A_277] : memref<10112x128xf32, #tpu.memory_space<vmem_shared>> -> memref<10112x128xf32, #tpu.memory_space<vmem_shared>>
        %dma_start3A_279 = tpu.memref_slice %arg11[%dma_start3A_272] : memref<2x!tpu.dma_semaphore, #tpu.memory_space<semaphore_mem>> -> memref<1x!tpu.dma_semaphore, #tpu.memory_space<semaphore_mem>>
        %dma_start3A_280 = tpu.memref_squeeze %dma_start3A_279 : memref<1x!tpu.dma_semaphore, #tpu.memory_space<semaphore_mem>> -> memref<!tpu.dma_semaphore, #tpu.memory_space<semaphore_mem>>
        tpu.enqueue_indirect_dma source(%arg9 : memref<128x128xf32, #tpu.memory_space<vmem>>) target(%dma_start3A_278 : memref<10112x128xf32, #tpu.memory_space<vmem_shared>>) offsets(%dma_start3A_275 : memref<128xi32, #tpu.memory_space<vmem>>) semaphore(%dma_start3A_280 : memref<!tpu.dma_semaphore, #tpu.memory_space<semaphore_mem>>) {add = true}
        %dma_wait3A_281 = arith.constant 5 : i32
        %dma_wait3A_282 = arith.constant 1 : i32
        %dma_wait3A_283 = arith.constant 0 : i32
        %dma_wait3A_284 = tpu.memref_slice %arg7[%dma_wait3A_281, %dma_wait3A_283] : memref<8x128xi32, #tpu.memory_space<vmem>> -> memref<1x128xi32, #tpu.memory_space<vmem>>
        %dma_wait3A_285 = tpu.memref_squeeze %dma_wait3A_284 : memref<1x128xi32, #tpu.memory_space<vmem>> -> memref<128xi32, #tpu.memory_space<vmem>>
        %dma_wait3A_286 = arith.constant 0 : i32
        %dma_wait3A_287 = arith.constant 0 : i32
        %dma_wait3A_288 = tpu.memref_slice %arg12[%dma_wait3A_286, %dma_wait3A_287] : memref<10112x128xf32, #tpu.memory_space<vmem_shared>> -> memref<10112x128xf32, #tpu.memory_space<vmem_shared>>
        %dma_wait3A_289 = tpu.memref_slice %arg11[%dma_wait3A_282] : memref<2x!tpu.dma_semaphore, #tpu.memory_space<semaphore_mem>> -> memref<1x!tpu.dma_semaphore, #tpu.memory_space<semaphore_mem>>
        %dma_wait3A_290 = tpu.memref_squeeze %dma_wait3A_289 : memref<1x!tpu.dma_semaphore, #tpu.memory_space<semaphore_mem>> -> memref<!tpu.dma_semaphore, #tpu.memory_space<semaphore_mem>>
        tpu.wait_indirect_dma semaphore(%dma_wait3A_290 : memref<!tpu.dma_semaphore, #tpu.memory_space<semaphore_mem>>) src(%arg9 : memref<128x128xf32, #tpu.memory_space<vmem>>) dst(%dma_wait3A_288 : memref<10112x128xf32, #tpu.memory_space<vmem_shared>>)
        %dma_start3A_291 = arith.constant 7 : i32
        %dma_start3A_292 = arith.constant 1 : i32
        %dma_start3A_293 = arith.constant 0 : i32
        %dma_start3A_294 = tpu.memref_slice %arg6[%dma_start3A_291, %dma_start3A_293] : memref<8x128xi32, #tpu.memory_space<vmem>> -> memref<1x128xi32, #tpu.memory_space<vmem>>
        %dma_start3A_295 = tpu.memref_squeeze %dma_start3A_294 : memref<1x128xi32, #tpu.memory_space<vmem>> -> memref<128xi32, #tpu.memory_space<vmem>>
        %dma_start3A_296 = arith.constant 0 : i32
        %dma_start3A_297 = arith.constant 0 : i32
        %dma_start3A_298 = tpu.memref_slice %arg2[%dma_start3A_296, %dma_start3A_297] : memref<10112x128xf32, #tpu.memory_space<hbm>> -> memref<10112x128xf32, #tpu.memory_space<hbm>>
        %dma_start3A_299 = tpu.memref_slice %arg10[%dma_start3A_292] : memref<2x!tpu.dma_semaphore, #tpu.memory_space<semaphore_mem>> -> memref<1x!tpu.dma_semaphore, #tpu.memory_space<semaphore_mem>>
        %dma_start3A_300 = tpu.memref_squeeze %dma_start3A_299 : memref<1x!tpu.dma_semaphore, #tpu.memory_space<semaphore_mem>> -> memref<!tpu.dma_semaphore, #tpu.memory_space<semaphore_mem>>
        tpu.enqueue_indirect_dma source(%dma_start3A_298 : memref<10112x128xf32, #tpu.memory_space<hbm>>) target(%arg9 : memref<128x128xf32, #tpu.memory_space<vmem>>) offsets(%dma_start3A_295 : memref<128xi32, #tpu.memory_space<vmem>>) semaphore(%dma_start3A_300 : memref<!tpu.dma_semaphore, #tpu.memory_space<semaphore_mem>>)
        %dma_wait3A_301 = arith.constant 6 : i32
        %dma_wait3A_302 = arith.constant 0 : i32
        %dma_wait3A_303 = arith.constant 0 : i32
        %dma_wait3A_304 = tpu.memref_slice %arg6[%dma_wait3A_301, %dma_wait3A_303] : memref<8x128xi32, #tpu.memory_space<vmem>> -> memref<1x128xi32, #tpu.memory_space<vmem>>
        %dma_wait3A_305 = tpu.memref_squeeze %dma_wait3A_304 : memref<1x128xi32, #tpu.memory_space<vmem>> -> memref<128xi32, #tpu.memory_space<vmem>>
        %dma_wait3A_306 = arith.constant 0 : i32
        %dma_wait3A_307 = arith.constant 0 : i32
        %dma_wait3A_308 = tpu.memref_slice %arg2[%dma_wait3A_306, %dma_wait3A_307] : memref<10112x128xf32, #tpu.memory_space<hbm>> -> memref<10112x128xf32, #tpu.memory_space<hbm>>
        %dma_wait3A_309 = tpu.memref_slice %arg10[%dma_wait3A_302] : memref<2x!tpu.dma_semaphore, #tpu.memory_space<semaphore_mem>> -> memref<1x!tpu.dma_semaphore, #tpu.memory_space<semaphore_mem>>
        %dma_wait3A_310 = tpu.memref_squeeze %dma_wait3A_309 : memref<1x!tpu.dma_semaphore, #tpu.memory_space<semaphore_mem>> -> memref<!tpu.dma_semaphore, #tpu.memory_space<semaphore_mem>>
        tpu.wait_indirect_dma semaphore(%dma_wait3A_310 : memref<!tpu.dma_semaphore, #tpu.memory_space<semaphore_mem>>) src(%dma_wait3A_308 : memref<10112x128xf32, #tpu.memory_space<hbm>>) dst(%arg8 : memref<128x128xf32, #tpu.memory_space<vmem>>)
        %dma_start3A_311 = arith.constant 6 : i32
        %dma_start3A_312 = arith.constant 0 : i32
        %dma_start3A_313 = arith.constant 0 : i32
        %dma_start3A_314 = tpu.memref_slice %arg7[%dma_start3A_311, %dma_start3A_313] : memref<8x128xi32, #tpu.memory_space<vmem>> -> memref<1x128xi32, #tpu.memory_space<vmem>>
        %dma_start3A_315 = tpu.memref_squeeze %dma_start3A_314 : memref<1x128xi32, #tpu.memory_space<vmem>> -> memref<128xi32, #tpu.memory_space<vmem>>
        %dma_start3A_316 = arith.constant 0 : i32
        %dma_start3A_317 = arith.constant 0 : i32
        %dma_start3A_318 = tpu.memref_slice %arg12[%dma_start3A_316, %dma_start3A_317] : memref<10112x128xf32, #tpu.memory_space<vmem_shared>> -> memref<10112x128xf32, #tpu.memory_space<vmem_shared>>
        %dma_start3A_319 = tpu.memref_slice %arg11[%dma_start3A_312] : memref<2x!tpu.dma_semaphore, #tpu.memory_space<semaphore_mem>> -> memref<1x!tpu.dma_semaphore, #tpu.memory_space<semaphore_mem>>
        %dma_start3A_320 = tpu.memref_squeeze %dma_start3A_319 : memref<1x!tpu.dma_semaphore, #tpu.memory_space<semaphore_mem>> -> memref<!tpu.dma_semaphore, #tpu.memory_space<semaphore_mem>>
        tpu.enqueue_indirect_dma source(%arg8 : memref<128x128xf32, #tpu.memory_space<vmem>>) target(%dma_start3A_318 : memref<10112x128xf32, #tpu.memory_space<vmem_shared>>) offsets(%dma_start3A_315 : memref<128xi32, #tpu.memory_space<vmem>>) semaphore(%dma_start3A_320 : memref<!tpu.dma_semaphore, #tpu.memory_space<semaphore_mem>>) {add = true}
        %dma_wait3A_321 = arith.constant 6 : i32
        %dma_wait3A_322 = arith.constant 0 : i32
        %dma_wait3A_323 = arith.constant 0 : i32
        %dma_wait3A_324 = tpu.memref_slice %arg7[%dma_wait3A_321, %dma_wait3A_323] : memref<8x128xi32, #tpu.memory_space<vmem>> -> memref<1x128xi32, #tpu.memory_space<vmem>>
        %dma_wait3A_325 = tpu.memref_squeeze %dma_wait3A_324 : memref<1x128xi32, #tpu.memory_space<vmem>> -> memref<128xi32, #tpu.memory_space<vmem>>
        %dma_wait3A_326 = arith.constant 0 : i32
        %dma_wait3A_327 = arith.constant 0 : i32
        %dma_wait3A_328 = tpu.memref_slice %arg12[%dma_wait3A_326, %dma_wait3A_327] : memref<10112x128xf32, #tpu.memory_space<vmem_shared>> -> memref<10112x128xf32, #tpu.memory_space<vmem_shared>>
        %dma_wait3A_329 = tpu.memref_slice %arg11[%dma_wait3A_322] : memref<2x!tpu.dma_semaphore, #tpu.memory_space<semaphore_mem>> -> memref<1x!tpu.dma_semaphore, #tpu.memory_space<semaphore_mem>>
        %dma_wait3A_330 = tpu.memref_squeeze %dma_wait3A_329 : memref<1x!tpu.dma_semaphore, #tpu.memory_space<semaphore_mem>> -> memref<!tpu.dma_semaphore, #tpu.memory_space<semaphore_mem>>
        tpu.wait_indirect_dma semaphore(%dma_wait3A_330 : memref<!tpu.dma_semaphore, #tpu.memory_space<semaphore_mem>>) src(%arg8 : memref<128x128xf32, #tpu.memory_space<vmem>>) dst(%dma_wait3A_328 : memref<10112x128xf32, #tpu.memory_space<vmem_shared>>)
        %dma_wait3A_331 = arith.constant 7 : i32
        %dma_wait3A_332 = arith.constant 1 : i32
        %dma_wait3A_333 = arith.constant 0 : i32
        %dma_wait3A_334 = tpu.memref_slice %arg6[%dma_wait3A_331, %dma_wait3A_333] : memref<8x128xi32, #tpu.memory_space<vmem>> -> memref<1x128xi32, #tpu.memory_space<vmem>>
        %dma_wait3A_335 = tpu.memref_squeeze %dma_wait3A_334 : memref<1x128xi32, #tpu.memory_space<vmem>> -> memref<128xi32, #tpu.memory_space<vmem>>
        %dma_wait3A_336 = arith.constant 0 : i32
        %dma_wait3A_337 = arith.constant 0 : i32
        %dma_wait3A_338 = tpu.memref_slice %arg2[%dma_wait3A_336, %dma_wait3A_337] : memref<10112x128xf32, #tpu.memory_space<hbm>> -> memref<10112x128xf32, #tpu.memory_space<hbm>>
        %dma_wait3A_339 = tpu.memref_slice %arg10[%dma_wait3A_332] : memref<2x!tpu.dma_semaphore, #tpu.memory_space<semaphore_mem>> -> memref<1x!tpu.dma_semaphore, #tpu.memory_space<semaphore_mem>>
        %dma_wait3A_340 = tpu.memref_squeeze %dma_wait3A_339 : memref<1x!tpu.dma_semaphore, #tpu.memory_space<semaphore_mem>> -> memref<!tpu.dma_semaphore, #tpu.memory_space<semaphore_mem>>
        tpu.wait_indirect_dma semaphore(%dma_wait3A_340 : memref<!tpu.dma_semaphore, #tpu.memory_space<semaphore_mem>>) src(%dma_wait3A_338 : memref<10112x128xf32, #tpu.memory_space<hbm>>) dst(%arg9 : memref<128x128xf32, #tpu.memory_space<vmem>>)
        %dma_start3A_341 = arith.constant 7 : i32
        %dma_start3A_342 = arith.constant 1 : i32
        %dma_start3A_343 = arith.constant 0 : i32
        %dma_start3A_344 = tpu.memref_slice %arg7[%dma_start3A_341, %dma_start3A_343] : memref<8x128xi32, #tpu.memory_space<vmem>> -> memref<1x128xi32, #tpu.memory_space<vmem>>
        %dma_start3A_345 = tpu.memref_squeeze %dma_start3A_344 : memref<1x128xi32, #tpu.memory_space<vmem>> -> memref<128xi32, #tpu.memory_space<vmem>>
        %dma_start3A_346 = arith.constant 0 : i32
        %dma_start3A_347 = arith.constant 0 : i32
        %dma_start3A_348 = tpu.memref_slice %arg12[%dma_start3A_346, %dma_start3A_347] : memref<10112x128xf32, #tpu.memory_space<vmem_shared>> -> memref<10112x128xf32, #tpu.memory_space<vmem_shared>>
        %dma_start3A_349 = tpu.memref_slice %arg11[%dma_start3A_342] : memref<2x!tpu.dma_semaphore, #tpu.memory_space<semaphore_mem>> -> memref<1x!tpu.dma_semaphore, #tpu.memory_space<semaphore_mem>>
        %dma_start3A_350 = tpu.memref_squeeze %dma_start3A_349 : memref<1x!tpu.dma_semaphore, #tpu.memory_space<semaphore_mem>> -> memref<!tpu.dma_semaphore, #tpu.memory_space<semaphore_mem>>
        tpu.enqueue_indirect_dma source(%arg9 : memref<128x128xf32, #tpu.memory_space<vmem>>) target(%dma_start3A_348 : memref<10112x128xf32, #tpu.memory_space<vmem_shared>>) offsets(%dma_start3A_345 : memref<128xi32, #tpu.memory_space<vmem>>) semaphore(%dma_start3A_350 : memref<!tpu.dma_semaphore, #tpu.memory_space<semaphore_mem>>) {add = true}
        %dma_wait3A_351 = arith.constant 7 : i32
        %dma_wait3A_352 = arith.constant 1 : i32
        %dma_wait3A_353 = arith.constant 0 : i32
        %dma_wait3A_354 = tpu.memref_slice %arg7[%dma_wait3A_351, %dma_wait3A_353] : memref<8x128xi32, #tpu.memory_space<vmem>> -> memref<1x128xi32, #tpu.memory_space<vmem>>
        %dma_wait3A_355 = tpu.memref_squeeze %dma_wait3A_354 : memref<1x128xi32, #tpu.memory_space<vmem>> -> memref<128xi32, #tpu.memory_space<vmem>>
        %dma_wait3A_356 = arith.constant 0 : i32
        %dma_wait3A_357 = arith.constant 0 : i32
        %dma_wait3A_358 = tpu.memref_slice %arg12[%dma_wait3A_356, %dma_wait3A_357] : memref<10112x128xf32, #tpu.memory_space<vmem_shared>> -> memref<10112x128xf32, #tpu.memory_space<vmem_shared>>
        %dma_wait3A_359 = tpu.memref_slice %arg11[%dma_wait3A_352] : memref<2x!tpu.dma_semaphore, #tpu.memory_space<semaphore_mem>> -> memref<1x!tpu.dma_semaphore, #tpu.memory_space<semaphore_mem>>
        %dma_wait3A_360 = tpu.memref_squeeze %dma_wait3A_359 : memref<1x!tpu.dma_semaphore, #tpu.memory_space<semaphore_mem>> -> memref<!tpu.dma_semaphore, #tpu.memory_space<semaphore_mem>>
        tpu.wait_indirect_dma semaphore(%dma_wait3A_360 : memref<!tpu.dma_semaphore, #tpu.memory_space<semaphore_mem>>) src(%arg9 : memref<128x128xf32, #tpu.memory_space<vmem>>) dst(%dma_wait3A_358 : memref<10112x128xf32, #tpu.memory_space<vmem_shared>>)
      } else {
      }
    }
    %scan3A_32 = arith.constant 19 : i32
    %barrier3A_33 = arith.constant 0 : index
    tpu.barrier barrier_id(%barrier3A_33)
    "tpu.region"() ({
      %run_scoped3A = tpu.sem_alloc : memref<!tpu.dma_semaphore, #tpu.memory_space<semaphore_mem>>
      %dma_start3A = arith.constant 0 : i32
      %dma_start3A_34 = arith.constant 0 : i32
      %dma_start3A_35 = tpu.memref_slice %arg5[%arg0, %dma_start3A, %dma_start3A_34] : memref<2x10112x128xf32, #tpu.memory_space<hbm>> -> memref<1x10112x128xf32, #tpu.memory_space<hbm>>
      %dma_start3A_36 = tpu.memref_squeeze %dma_start3A_35 : memref<1x10112x128xf32, #tpu.memory_space<hbm>> -> memref<10112x128xf32, #tpu.memory_space<hbm>>
      %dma_start3A_37 = arith.constant 0 : i32
      %dma_start3A_38 = tpu.memref_slice %dma_start3A_36[%mul3A_6, %dma_start3A_37] : memref<10112x128xf32, #tpu.memory_space<hbm>> -> memref<632x128xf32, #tpu.memory_space<hbm>>
      %dma_start3A_39 = arith.constant 0 : i32
      %dma_start3A_40 = tpu.memref_slice %arg12[%mul3A_6, %dma_start3A_39] : memref<10112x128xf32, #tpu.memory_space<vmem_shared>> -> memref<632x128xf32, #tpu.memory_space<vmem_shared>>
      tpu.enqueue_dma source(%dma_start3A_40 : memref<632x128xf32, #tpu.memory_space<vmem_shared>>) target(%dma_start3A_38 : memref<632x128xf32, #tpu.memory_space<hbm>>) target_semaphore(%run_scoped3A : memref<!tpu.dma_semaphore, #tpu.memory_space<semaphore_mem>>)
      %dma_wait3A = arith.constant 0 : i32
      %dma_wait3A_41 = arith.constant 0 : i32
      %dma_wait3A_42 = tpu.memref_slice %arg5[%arg0, %dma_wait3A, %dma_wait3A_41] : memref<2x10112x128xf32, #tpu.memory_space<hbm>> -> memref<1x10112x128xf32, #tpu.memory_space<hbm>>
      %dma_wait3A_43 = tpu.memref_squeeze %dma_wait3A_42 : memref<1x10112x128xf32, #tpu.memory_space<hbm>> -> memref<10112x128xf32, #tpu.memory_space<hbm>>
      %dma_wait3A_44 = arith.constant 0 : i32
      %dma_wait3A_45 = tpu.memref_slice %dma_wait3A_43[%mul3A_6, %dma_wait3A_44] : memref<10112x128xf32, #tpu.memory_space<hbm>> -> memref<632x128xf32, #tpu.memory_space<hbm>>
      %dma_wait3A_46 = arith.constant 0 : i32
      %dma_wait3A_47 = tpu.memref_slice %arg12[%mul3A_6, %dma_wait3A_46] : memref<10112x128xf32, #tpu.memory_space<vmem_shared>> -> memref<632x128xf32, #tpu.memory_space<vmem_shared>>
      tpu.wait_dma2 semaphore(%run_scoped3A : memref<!tpu.dma_semaphore, #tpu.memory_space<semaphore_mem>>) src(%dma_wait3A_47 : memref<632x128xf32, #tpu.memory_space<vmem_shared>>) dst(%dma_wait3A_45 : memref<632x128xf32, #tpu.memory_space<hbm>>)
      tpu.yield
    }) : () -> ()
    return
  }
}

#map = affine_map<(d0, d1) -> (0, 0)>
#map1 = affine_map<(d0, d1) -> (0, 0, 0)>
module attributes {stable_mosaic.version = 14 : i64} {
  func.func @_sc_degree(%arg0: i32, %arg1: i32, %arg2: memref<2560x128xi32, #tpu.memory_space<hbm>>, %arg3: memref<2x10112x128xf32, #tpu.memory_space<hbm>>, %arg4: memref<8x128xi32, #tpu.memory_space<vmem>>, %arg5: memref<128x128xf32, #tpu.memory_space<vmem>>, %arg6: memref<128x128xf32, #tpu.memory_space<vmem>>, %arg7: memref<!tpu.dma_semaphore, #tpu.memory_space<semaphore_mem>>, %arg8: memref<10112x128xf32, #tpu.memory_space<vmem_shared>>) attributes {dimension_semantics = [#tpu.dimension_semantics<core_parallel>, #tpu.dimension_semantics<subcore_parallel>], iteration_bounds = array<i64: 2, 16>, scalar_prefetch = 0 : i64, scratch_operands = 5 : i64, tpu.core_type = #tpu.core_type<sc_vector_subcore>, window_params = [{transform_indices = #map}, {transform_indices = #map1}]} {
    %mul3A = arith.constant 16 : i32
    %mul3A_0 = arith.muli %arg0, %mul3A : i32
    %add3A = arith.addi %mul3A_0, %arg1 : i32
    %scan3A = arith.constant 0 : i32
    %scan3A_1 = arith.constant 128 : i32
    %scan3A_2 = arith.addi %scan3A, %scan3A_1 : i32
    %scan3A_3 = arith.constant 1 : i32
    scf.for %scan3A_30 = %scan3A to %scan3A_2 step %scan3A_3  : i32 {
      %mul3A_31 = arith.constant 1 : i32
      %mul3A_32 = arith.muli %scan3A_30, %mul3A_31 : i32
      %add3A_33 = arith.constant 0 : i32
      %add3A_34 = arith.addi %add3A_33, %mul3A_32 : i32
      %scan3A_35 = arith.constant 0 : i32
      %scan3A_36 = arith.constant 8 : i32
      %scan3A_37 = arith.addi %scan3A_35, %scan3A_36 : i32
      %scan3A_38 = arith.constant 1 : i32
      scf.for %scan3A_40 = %scan3A_35 to %scan3A_37 step %scan3A_38  : i32 {
        %mul3A_41 = arith.constant 16 : i32
        %mul3A_42 = arith.muli %scan3A_40, %mul3A_41 : i32
        %add3A_43 = arith.constant 0 : i32
        %add3A_44 = arith.addi %add3A_43, %mul3A_42 : i32
        %broadcast_in_dim3A = arith.constant 1.000000e+00 : f32
        %broadcast_in_dim3A_45 = vector.broadcast %broadcast_in_dim3A : f32 to vector<1x16xf32>
        %swap3A = arith.index_cast %add3A_34 : i32 to index
        %swap3A_46 = arith.index_cast %add3A_44 : i32 to index
        %swap3A_47 = tpu.vector_load %arg5[%swap3A, %swap3A_46] {strides = array<i32>} : memref<128x128xf32, #tpu.memory_space<vmem>>, vector<1x16xf32>,
        %swap3A_48 = vector.shape_cast %swap3A_47 : vector<1x16xf32> to vector<1x16xf32>
        %swap3A_49 = vector.shape_cast %broadcast_in_dim3A_45 : vector<1x16xf32> to vector<1x16xf32>
        tpu.vector_store %arg5[%swap3A, %swap3A_46], %swap3A_49 {strides = array<i32>} : memref<128x128xf32, #tpu.memory_space<vmem>>, vector<1x16xf32>,
      }
      %scan3A_39 = arith.constant 8 : i32
    }
    %scan3A_4 = arith.constant 128 : i32
    %scan3A_5 = arith.constant 0 : i32
    %scan3A_6 = arith.constant 128 : i32
    %scan3A_7 = arith.addi %scan3A_5, %scan3A_6 : i32
    %scan3A_8 = arith.constant 1 : i32
    scf.for %scan3A_30 = %scan3A_5 to %scan3A_7 step %scan3A_8  : i32 {
      %mul3A_31 = arith.constant 1 : i32
      %mul3A_32 = arith.muli %scan3A_30, %mul3A_31 : i32
      %add3A_33 = arith.constant 0 : i32
      %add3A_34 = arith.addi %add3A_33, %mul3A_32 : i32
      %scan3A_35 = arith.constant 0 : i32
      %scan3A_36 = arith.constant 8 : i32
      %scan3A_37 = arith.addi %scan3A_35, %scan3A_36 : i32
      %scan3A_38 = arith.constant 1 : i32
      scf.for %scan3A_40 = %scan3A_35 to %scan3A_37 step %scan3A_38  : i32 {
        %mul3A_41 = arith.constant 16 : i32
        %mul3A_42 = arith.muli %scan3A_40, %mul3A_41 : i32
        %add3A_43 = arith.constant 0 : i32
        %add3A_44 = arith.addi %add3A_43, %mul3A_42 : i32
        %broadcast_in_dim3A = arith.constant 0.000000e+00 : f32
        %broadcast_in_dim3A_45 = vector.broadcast %broadcast_in_dim3A : f32 to vector<1x16xf32>
        %swap3A = arith.index_cast %add3A_34 : i32 to index
        %swap3A_46 = arith.index_cast %add3A_44 : i32 to index
        %swap3A_47 = tpu.vector_load %arg6[%swap3A, %swap3A_46] {strides = array<i32>} : memref<128x128xf32, #tpu.memory_space<vmem>>, vector<1x16xf32>,
        %swap3A_48 = vector.shape_cast %swap3A_47 : vector<1x16xf32> to vector<1x16xf32>
        %swap3A_49 = vector.shape_cast %broadcast_in_dim3A_45 : vector<1x16xf32> to vector<1x16xf32>
        tpu.vector_store %arg6[%swap3A, %swap3A_46], %swap3A_49 {strides = array<i32>} : memref<128x128xf32, #tpu.memory_space<vmem>>, vector<1x16xf32>,
      }
      %scan3A_39 = arith.constant 8 : i32
    }
    %scan3A_9 = arith.constant 128 : i32
    %mul3A_10 = arith.constant 632 : i32
    %mul3A_11 = arith.muli %arg1, %mul3A_10 : i32
    %add3A_12 = arith.constant 0 : i32
    %add3A_13 = arith.addi %mul3A_11, %add3A_12 : i32
    "tpu.region"() ({
      %run_scoped3A = tpu.sem_alloc : memref<!tpu.dma_semaphore, #tpu.memory_space<semaphore_mem>>
      %dma_start3A = arith.constant 0 : i32
      %dma_start3A_30 = arith.constant 0 : i32
      %dma_start3A_31 = tpu.memref_slice %arg6[%dma_start3A, %dma_start3A_30] : memref<128x128xf32, #tpu.memory_space<vmem>> -> memref<128x128xf32, #tpu.memory_space<vmem>>
      %dma_start3A_32 = arith.constant 0 : i32
      %dma_start3A_33 = tpu.memref_slice %arg8[%add3A_13, %dma_start3A_32] : memref<10112x128xf32, #tpu.memory_space<vmem_shared>> -> memref<128x128xf32, #tpu.memory_space<vmem_shared>>
      %dma_start3A_34 = arith.constant 0 : i32
      %dma_start3A_35 = tpu.memref_slice %arg8[%add3A_13, %dma_start3A_34] : memref<10112x128xf32, #tpu.memory_space<vmem_shared>> -> memref<128x128xf32, #tpu.memory_space<vmem_shared>>
      %dma_start3A_36 = arith.constant 0 : i32
      %dma_start3A_37 = arith.constant 0 : i32
      %dma_start3A_38 = tpu.memref_slice %arg6[%dma_start3A_36, %dma_start3A_37] : memref<128x128xf32, #tpu.memory_space<vmem>> -> memref<128x128xf32, #tpu.memory_space<vmem>>
      tpu.enqueue_dma source(%dma_start3A_38 : memref<128x128xf32, #tpu.memory_space<vmem>>) target(%dma_start3A_35 : memref<128x128xf32, #tpu.memory_space<vmem_shared>>) target_semaphore(%run_scoped3A : memref<!tpu.dma_semaphore, #tpu.memory_space<semaphore_mem>>)
      %dma_wait3A = arith.constant 0 : i32
      %dma_wait3A_39 = arith.constant 0 : i32
      %dma_wait3A_40 = tpu.memref_slice %arg6[%dma_wait3A, %dma_wait3A_39] : memref<128x128xf32, #tpu.memory_space<vmem>> -> memref<128x128xf32, #tpu.memory_space<vmem>>
      %dma_wait3A_41 = arith.constant 0 : i32
      %dma_wait3A_42 = tpu.memref_slice %arg8[%add3A_13, %dma_wait3A_41] : memref<10112x128xf32, #tpu.memory_space<vmem_shared>> -> memref<128x128xf32, #tpu.memory_space<vmem_shared>>
      %dma_wait3A_43 = arith.constant 0 : i32
      %dma_wait3A_44 = tpu.memref_slice %arg8[%add3A_13, %dma_wait3A_43] : memref<10112x128xf32, #tpu.memory_space<vmem_shared>> -> memref<128x128xf32, #tpu.memory_space<vmem_shared>>
      %dma_wait3A_45 = arith.constant 0 : i32
      %dma_wait3A_46 = arith.constant 0 : i32
      %dma_wait3A_47 = tpu.memref_slice %arg6[%dma_wait3A_45, %dma_wait3A_46] : memref<128x128xf32, #tpu.memory_space<vmem>> -> memref<128x128xf32, #tpu.memory_space<vmem>>
      tpu.wait_dma2 semaphore(%run_scoped3A : memref<!tpu.dma_semaphore, #tpu.memory_space<semaphore_mem>>) src(%dma_wait3A_47 : memref<128x128xf32, #tpu.memory_space<vmem>>) dst(%dma_wait3A_44 : memref<128x128xf32, #tpu.memory_space<vmem_shared>>)
      tpu.yield
    }) : () -> ()
    %add3A_14 = arith.constant 128 : i32
    %add3A_15 = arith.addi %mul3A_11, %add3A_14 : i32
    "tpu.region"() ({
      %run_scoped3A = tpu.sem_alloc : memref<!tpu.dma_semaphore, #tpu.memory_space<semaphore_mem>>
      %dma_start3A = arith.constant 0 : i32
      %dma_start3A_30 = arith.constant 0 : i32
      %dma_start3A_31 = tpu.memref_slice %arg6[%dma_start3A, %dma_start3A_30] : memref<128x128xf32, #tpu.memory_space<vmem>> -> memref<128x128xf32, #tpu.memory_space<vmem>>
      %dma_start3A_32 = arith.constant 0 : i32
      %dma_start3A_33 = tpu.memref_slice %arg8[%add3A_15, %dma_start3A_32] : memref<10112x128xf32, #tpu.memory_space<vmem_shared>> -> memref<128x128xf32, #tpu.memory_space<vmem_shared>>
      %dma_start3A_34 = arith.constant 0 : i32
      %dma_start3A_35 = tpu.memref_slice %arg8[%add3A_15, %dma_start3A_34] : memref<10112x128xf32, #tpu.memory_space<vmem_shared>> -> memref<128x128xf32, #tpu.memory_space<vmem_shared>>
      %dma_start3A_36 = arith.constant 0 : i32
      %dma_start3A_37 = arith.constant 0 : i32
      %dma_start3A_38 = tpu.memref_slice %arg6[%dma_start3A_36, %dma_start3A_37] : memref<128x128xf32, #tpu.memory_space<vmem>> -> memref<128x128xf32, #tpu.memory_space<vmem>>
      tpu.enqueue_dma source(%dma_start3A_38 : memref<128x128xf32, #tpu.memory_space<vmem>>) target(%dma_start3A_35 : memref<128x128xf32, #tpu.memory_space<vmem_shared>>) target_semaphore(%run_scoped3A : memref<!tpu.dma_semaphore, #tpu.memory_space<semaphore_mem>>)
      %dma_wait3A = arith.constant 0 : i32
      %dma_wait3A_39 = arith.constant 0 : i32
      %dma_wait3A_40 = tpu.memref_slice %arg6[%dma_wait3A, %dma_wait3A_39] : memref<128x128xf32, #tpu.memory_space<vmem>> -> memref<128x128xf32, #tpu.memory_space<vmem>>
      %dma_wait3A_41 = arith.constant 0 : i32
      %dma_wait3A_42 = tpu.memref_slice %arg8[%add3A_15, %dma_wait3A_41] : memref<10112x128xf32, #tpu.memory_space<vmem_shared>> -> memref<128x128xf32, #tpu.memory_space<vmem_shared>>
      %dma_wait3A_43 = arith.constant 0 : i32
      %dma_wait3A_44 = tpu.memref_slice %arg8[%add3A_15, %dma_wait3A_43] : memref<10112x128xf32, #tpu.memory_space<vmem_shared>> -> memref<128x128xf32, #tpu.memory_space<vmem_shared>>
      %dma_wait3A_45 = arith.constant 0 : i32
      %dma_wait3A_46 = arith.constant 0 : i32
      %dma_wait3A_47 = tpu.memref_slice %arg6[%dma_wait3A_45, %dma_wait3A_46] : memref<128x128xf32, #tpu.memory_space<vmem>> -> memref<128x128xf32, #tpu.memory_space<vmem>>
      tpu.wait_dma2 semaphore(%run_scoped3A : memref<!tpu.dma_semaphore, #tpu.memory_space<semaphore_mem>>) src(%dma_wait3A_47 : memref<128x128xf32, #tpu.memory_space<vmem>>) dst(%dma_wait3A_44 : memref<128x128xf32, #tpu.memory_space<vmem_shared>>)
      tpu.yield
    }) : () -> ()
    %add3A_16 = arith.constant 256 : i32
    %add3A_17 = arith.addi %mul3A_11, %add3A_16 : i32
    "tpu.region"() ({
      %run_scoped3A = tpu.sem_alloc : memref<!tpu.dma_semaphore, #tpu.memory_space<semaphore_mem>>
      %dma_start3A = arith.constant 0 : i32
      %dma_start3A_30 = arith.constant 0 : i32
      %dma_start3A_31 = tpu.memref_slice %arg6[%dma_start3A, %dma_start3A_30] : memref<128x128xf32, #tpu.memory_space<vmem>> -> memref<128x128xf32, #tpu.memory_space<vmem>>
      %dma_start3A_32 = arith.constant 0 : i32
      %dma_start3A_33 = tpu.memref_slice %arg8[%add3A_17, %dma_start3A_32] : memref<10112x128xf32, #tpu.memory_space<vmem_shared>> -> memref<128x128xf32, #tpu.memory_space<vmem_shared>>
      %dma_start3A_34 = arith.constant 0 : i32
      %dma_start3A_35 = tpu.memref_slice %arg8[%add3A_17, %dma_start3A_34] : memref<10112x128xf32, #tpu.memory_space<vmem_shared>> -> memref<128x128xf32, #tpu.memory_space<vmem_shared>>
      %dma_start3A_36 = arith.constant 0 : i32
      %dma_start3A_37 = arith.constant 0 : i32
      %dma_start3A_38 = tpu.memref_slice %arg6[%dma_start3A_36, %dma_start3A_37] : memref<128x128xf32, #tpu.memory_space<vmem>> -> memref<128x128xf32, #tpu.memory_space<vmem>>
      tpu.enqueue_dma source(%dma_start3A_38 : memref<128x128xf32, #tpu.memory_space<vmem>>) target(%dma_start3A_35 : memref<128x128xf32, #tpu.memory_space<vmem_shared>>) target_semaphore(%run_scoped3A : memref<!tpu.dma_semaphore, #tpu.memory_space<semaphore_mem>>)
      %dma_wait3A = arith.constant 0 : i32
      %dma_wait3A_39 = arith.constant 0 : i32
      %dma_wait3A_40 = tpu.memref_slice %arg6[%dma_wait3A, %dma_wait3A_39] : memref<128x128xf32, #tpu.memory_space<vmem>> -> memref<128x128xf32, #tpu.memory_space<vmem>>
      %dma_wait3A_41 = arith.constant 0 : i32
      %dma_wait3A_42 = tpu.memref_slice %arg8[%add3A_17, %dma_wait3A_41] : memref<10112x128xf32, #tpu.memory_space<vmem_shared>> -> memref<128x128xf32, #tpu.memory_space<vmem_shared>>
      %dma_wait3A_43 = arith.constant 0 : i32
      %dma_wait3A_44 = tpu.memref_slice %arg8[%add3A_17, %dma_wait3A_43] : memref<10112x128xf32, #tpu.memory_space<vmem_shared>> -> memref<128x128xf32, #tpu.memory_space<vmem_shared>>
      %dma_wait3A_45 = arith.constant 0 : i32
      %dma_wait3A_46 = arith.constant 0 : i32
      %dma_wait3A_47 = tpu.memref_slice %arg6[%dma_wait3A_45, %dma_wait3A_46] : memref<128x128xf32, #tpu.memory_space<vmem>> -> memref<128x128xf32, #tpu.memory_space<vmem>>
      tpu.wait_dma2 semaphore(%run_scoped3A : memref<!tpu.dma_semaphore, #tpu.memory_space<semaphore_mem>>) src(%dma_wait3A_47 : memref<128x128xf32, #tpu.memory_space<vmem>>) dst(%dma_wait3A_44 : memref<128x128xf32, #tpu.memory_space<vmem_shared>>)
      tpu.yield
    }) : () -> ()
    %add3A_18 = arith.constant 384 : i32
    %add3A_19 = arith.addi %mul3A_11, %add3A_18 : i32
    "tpu.region"() ({
      %run_scoped3A = tpu.sem_alloc : memref<!tpu.dma_semaphore, #tpu.memory_space<semaphore_mem>>
      %dma_start3A = arith.constant 0 : i32
      %dma_start3A_30 = arith.constant 0 : i32
      %dma_start3A_31 = tpu.memref_slice %arg6[%dma_start3A, %dma_start3A_30] : memref<128x128xf32, #tpu.memory_space<vmem>> -> memref<128x128xf32, #tpu.memory_space<vmem>>
      %dma_start3A_32 = arith.constant 0 : i32
      %dma_start3A_33 = tpu.memref_slice %arg8[%add3A_19, %dma_start3A_32] : memref<10112x128xf32, #tpu.memory_space<vmem_shared>> -> memref<128x128xf32, #tpu.memory_space<vmem_shared>>
      %dma_start3A_34 = arith.constant 0 : i32
      %dma_start3A_35 = tpu.memref_slice %arg8[%add3A_19, %dma_start3A_34] : memref<10112x128xf32, #tpu.memory_space<vmem_shared>> -> memref<128x128xf32, #tpu.memory_space<vmem_shared>>
      %dma_start3A_36 = arith.constant 0 : i32
      %dma_start3A_37 = arith.constant 0 : i32
      %dma_start3A_38 = tpu.memref_slice %arg6[%dma_start3A_36, %dma_start3A_37] : memref<128x128xf32, #tpu.memory_space<vmem>> -> memref<128x128xf32, #tpu.memory_space<vmem>>
      tpu.enqueue_dma source(%dma_start3A_38 : memref<128x128xf32, #tpu.memory_space<vmem>>) target(%dma_start3A_35 : memref<128x128xf32, #tpu.memory_space<vmem_shared>>) target_semaphore(%run_scoped3A : memref<!tpu.dma_semaphore, #tpu.memory_space<semaphore_mem>>)
      %dma_wait3A = arith.constant 0 : i32
      %dma_wait3A_39 = arith.constant 0 : i32
      %dma_wait3A_40 = tpu.memref_slice %arg6[%dma_wait3A, %dma_wait3A_39] : memref<128x128xf32, #tpu.memory_space<vmem>> -> memref<128x128xf32, #tpu.memory_space<vmem>>
      %dma_wait3A_41 = arith.constant 0 : i32
      %dma_wait3A_42 = tpu.memref_slice %arg8[%add3A_19, %dma_wait3A_41] : memref<10112x128xf32, #tpu.memory_space<vmem_shared>> -> memref<128x128xf32, #tpu.memory_space<vmem_shared>>
      %dma_wait3A_43 = arith.constant 0 : i32
      %dma_wait3A_44 = tpu.memref_slice %arg8[%add3A_19, %dma_wait3A_43] : memref<10112x128xf32, #tpu.memory_space<vmem_shared>> -> memref<128x128xf32, #tpu.memory_space<vmem_shared>>
      %dma_wait3A_45 = arith.constant 0 : i32
      %dma_wait3A_46 = arith.constant 0 : i32
      %dma_wait3A_47 = tpu.memref_slice %arg6[%dma_wait3A_45, %dma_wait3A_46] : memref<128x128xf32, #tpu.memory_space<vmem>> -> memref<128x128xf32, #tpu.memory_space<vmem>>
      tpu.wait_dma2 semaphore(%run_scoped3A : memref<!tpu.dma_semaphore, #tpu.memory_space<semaphore_mem>>) src(%dma_wait3A_47 : memref<128x128xf32, #tpu.memory_space<vmem>>) dst(%dma_wait3A_44 : memref<128x128xf32, #tpu.memory_space<vmem_shared>>)
      tpu.yield
    }) : () -> ()
    %add3A_20 = arith.constant 512 : i32
    %add3A_21 = arith.addi %mul3A_11, %add3A_20 : i32
    "tpu.region"() ({
      %run_scoped3A = tpu.sem_alloc : memref<!tpu.dma_semaphore, #tpu.memory_space<semaphore_mem>>
      %dma_start3A = arith.constant 0 : i32
      %dma_start3A_30 = arith.constant 0 : i32
      %dma_start3A_31 = tpu.memref_slice %arg6[%dma_start3A, %dma_start3A_30] : memref<128x128xf32, #tpu.memory_space<vmem>> -> memref<120x128xf32, #tpu.memory_space<vmem>>
      %dma_start3A_32 = arith.constant 0 : i32
      %dma_start3A_33 = tpu.memref_slice %arg8[%add3A_21, %dma_start3A_32] : memref<10112x128xf32, #tpu.memory_space<vmem_shared>> -> memref<120x128xf32, #tpu.memory_space<vmem_shared>>
      %dma_start3A_34 = arith.constant 0 : i32
      %dma_start3A_35 = tpu.memref_slice %arg8[%add3A_21, %dma_start3A_34] : memref<10112x128xf32, #tpu.memory_space<vmem_shared>> -> memref<120x128xf32, #tpu.memory_space<vmem_shared>>
      %dma_start3A_36 = arith.constant 0 : i32
      %dma_start3A_37 = arith.constant 0 : i32
      %dma_start3A_38 = tpu.memref_slice %arg6[%dma_start3A_36, %dma_start3A_37] : memref<128x128xf32, #tpu.memory_space<vmem>> -> memref<120x128xf32, #tpu.memory_space<vmem>>
      tpu.enqueue_dma source(%dma_start3A_38 : memref<120x128xf32, #tpu.memory_space<vmem>>) target(%dma_start3A_35 : memref<120x128xf32, #tpu.memory_space<vmem_shared>>) target_semaphore(%run_scoped3A : memref<!tpu.dma_semaphore, #tpu.memory_space<semaphore_mem>>)
      %dma_wait3A = arith.constant 0 : i32
      %dma_wait3A_39 = arith.constant 0 : i32
      %dma_wait3A_40 = tpu.memref_slice %arg6[%dma_wait3A, %dma_wait3A_39] : memref<128x128xf32, #tpu.memory_space<vmem>> -> memref<120x128xf32, #tpu.memory_space<vmem>>
      %dma_wait3A_41 = arith.constant 0 : i32
      %dma_wait3A_42 = tpu.memref_slice %arg8[%add3A_21, %dma_wait3A_41] : memref<10112x128xf32, #tpu.memory_space<vmem_shared>> -> memref<120x128xf32, #tpu.memory_space<vmem_shared>>
      %dma_wait3A_43 = arith.constant 0 : i32
      %dma_wait3A_44 = tpu.memref_slice %arg8[%add3A_21, %dma_wait3A_43] : memref<10112x128xf32, #tpu.memory_space<vmem_shared>> -> memref<120x128xf32, #tpu.memory_space<vmem_shared>>
      %dma_wait3A_45 = arith.constant 0 : i32
      %dma_wait3A_46 = arith.constant 0 : i32
      %dma_wait3A_47 = tpu.memref_slice %arg6[%dma_wait3A_45, %dma_wait3A_46] : memref<128x128xf32, #tpu.memory_space<vmem>> -> memref<120x128xf32, #tpu.memory_space<vmem>>
      tpu.wait_dma2 semaphore(%run_scoped3A : memref<!tpu.dma_semaphore, #tpu.memory_space<semaphore_mem>>) src(%dma_wait3A_47 : memref<120x128xf32, #tpu.memory_space<vmem>>) dst(%dma_wait3A_44 : memref<120x128xf32, #tpu.memory_space<vmem_shared>>)
      tpu.yield
    }) : () -> ()
    %barrier3A = arith.constant 0 : index
    tpu.barrier barrier_id(%barrier3A)
    %mul3A_22 = arith.constant 80 : i32
    %mul3A_23 = arith.muli %add3A, %mul3A_22 : i32
    %scan3A_24 = arith.constant 0 : i32
    %scan3A_25 = arith.constant 10 : i32
    %scan3A_26 = arith.addi %scan3A_24, %scan3A_25 : i32
    %scan3A_27 = arith.constant 1 : i32
    scf.for %scan3A_30 = %scan3A_24 to %scan3A_26 step %scan3A_27  : i32 {
      %mul3A_31 = arith.constant 1 : i32
      %mul3A_32 = arith.muli %scan3A_30, %mul3A_31 : i32
      %add3A_33 = arith.constant 0 : i32
      %add3A_34 = arith.addi %add3A_33, %mul3A_32 : i32
      %mul3A_35 = arith.constant 8 : i32
      %mul3A_36 = arith.muli %add3A_34, %mul3A_35 : i32
      %add3A_37 = arith.addi %mul3A_23, %mul3A_36 : i32
      "tpu.region"() ({
        %run_scoped3A = tpu.sem_alloc : memref<!tpu.dma_semaphore, #tpu.memory_space<semaphore_mem>>
        %dma_start3A_148 = arith.constant 0 : i32
        %dma_start3A_149 = tpu.memref_slice %arg2[%add3A_37, %dma_start3A_148] : memref<2560x128xi32, #tpu.memory_space<hbm>> -> memref<8x128xi32, #tpu.memory_space<hbm>>
        %dma_start3A_150 = arith.constant 0 : i32
        %dma_start3A_151 = tpu.memref_slice %arg2[%add3A_37, %dma_start3A_150] : memref<2560x128xi32, #tpu.memory_space<hbm>> -> memref<8x128xi32, #tpu.memory_space<hbm>>
        tpu.enqueue_dma source(%dma_start3A_151 : memref<8x128xi32, #tpu.memory_space<hbm>>) target(%arg4 : memref<8x128xi32, #tpu.memory_space<vmem>>) target_semaphore(%run_scoped3A : memref<!tpu.dma_semaphore, #tpu.memory_space<semaphore_mem>>)
        %dma_wait3A_152 = arith.constant 0 : i32
        %dma_wait3A_153 = tpu.memref_slice %arg2[%add3A_37, %dma_wait3A_152] : memref<2560x128xi32, #tpu.memory_space<hbm>> -> memref<8x128xi32, #tpu.memory_space<hbm>>
        %dma_wait3A_154 = arith.constant 0 : i32
        %dma_wait3A_155 = tpu.memref_slice %arg2[%add3A_37, %dma_wait3A_154] : memref<2560x128xi32, #tpu.memory_space<hbm>> -> memref<8x128xi32, #tpu.memory_space<hbm>>
        tpu.wait_dma2 semaphore(%run_scoped3A : memref<!tpu.dma_semaphore, #tpu.memory_space<semaphore_mem>>) src(%dma_wait3A_155 : memref<8x128xi32, #tpu.memory_space<hbm>>) dst(%arg4 : memref<8x128xi32, #tpu.memory_space<vmem>>)
        tpu.yield
      }) : () -> ()
      %dma_start3A = arith.constant 0 : i32
      %dma_start3A_38 = arith.constant 0 : i32
      %dma_start3A_39 = tpu.memref_slice %arg4[%dma_start3A, %dma_start3A_38] : memref<8x128xi32, #tpu.memory_space<vmem>> -> memref<1x128xi32, #tpu.memory_space<vmem>>
      %dma_start3A_40 = tpu.memref_squeeze %dma_start3A_39 : memref<1x128xi32, #tpu.memory_space<vmem>> -> memref<128xi32, #tpu.memory_space<vmem>>
      %dma_start3A_41 = arith.constant 0 : i32
      %dma_start3A_42 = arith.constant 0 : i32
      %dma_start3A_43 = tpu.memref_slice %arg8[%dma_start3A_41, %dma_start3A_42] : memref<10112x128xf32, #tpu.memory_space<vmem_shared>> -> memref<10112x128xf32, #tpu.memory_space<vmem_shared>>
      tpu.enqueue_indirect_dma source(%arg5 : memref<128x128xf32, #tpu.memory_space<vmem>>) target(%dma_start3A_43 : memref<10112x128xf32, #tpu.memory_space<vmem_shared>>) offsets(%dma_start3A_40 : memref<128xi32, #tpu.memory_space<vmem>>) semaphore(%arg7 : memref<!tpu.dma_semaphore, #tpu.memory_space<semaphore_mem>>) {add = true}
      %dma_start3A_44 = arith.constant 1 : i32
      %dma_start3A_45 = arith.constant 0 : i32
      %dma_start3A_46 = tpu.memref_slice %arg4[%dma_start3A_44, %dma_start3A_45] : memref<8x128xi32, #tpu.memory_space<vmem>> -> memref<1x128xi32, #tpu.memory_space<vmem>>
      %dma_start3A_47 = tpu.memref_squeeze %dma_start3A_46 : memref<1x128xi32, #tpu.memory_space<vmem>> -> memref<128xi32, #tpu.memory_space<vmem>>
      %dma_start3A_48 = arith.constant 0 : i32
      %dma_start3A_49 = arith.constant 0 : i32
      %dma_start3A_50 = tpu.memref_slice %arg8[%dma_start3A_48, %dma_start3A_49] : memref<10112x128xf32, #tpu.memory_space<vmem_shared>> -> memref<10112x128xf32, #tpu.memory_space<vmem_shared>>
      tpu.enqueue_indirect_dma source(%arg5 : memref<128x128xf32, #tpu.memory_space<vmem>>) target(%dma_start3A_50 : memref<10112x128xf32, #tpu.memory_space<vmem_shared>>) offsets(%dma_start3A_47 : memref<128xi32, #tpu.memory_space<vmem>>) semaphore(%arg7 : memref<!tpu.dma_semaphore, #tpu.memory_space<semaphore_mem>>) {add = true}
      %dma_start3A_51 = arith.constant 2 : i32
      %dma_start3A_52 = arith.constant 0 : i32
      %dma_start3A_53 = tpu.memref_slice %arg4[%dma_start3A_51, %dma_start3A_52] : memref<8x128xi32, #tpu.memory_space<vmem>> -> memref<1x128xi32, #tpu.memory_space<vmem>>
      %dma_start3A_54 = tpu.memref_squeeze %dma_start3A_53 : memref<1x128xi32, #tpu.memory_space<vmem>> -> memref<128xi32, #tpu.memory_space<vmem>>
      %dma_start3A_55 = arith.constant 0 : i32
      %dma_start3A_56 = arith.constant 0 : i32
      %dma_start3A_57 = tpu.memref_slice %arg8[%dma_start3A_55, %dma_start3A_56] : memref<10112x128xf32, #tpu.memory_space<vmem_shared>> -> memref<10112x128xf32, #tpu.memory_space<vmem_shared>>
      tpu.enqueue_indirect_dma source(%arg5 : memref<128x128xf32, #tpu.memory_space<vmem>>) target(%dma_start3A_57 : memref<10112x128xf32, #tpu.memory_space<vmem_shared>>) offsets(%dma_start3A_54 : memref<128xi32, #tpu.memory_space<vmem>>) semaphore(%arg7 : memref<!tpu.dma_semaphore, #tpu.memory_space<semaphore_mem>>) {add = true}
      %dma_start3A_58 = arith.constant 3 : i32
      %dma_start3A_59 = arith.constant 0 : i32
      %dma_start3A_60 = tpu.memref_slice %arg4[%dma_start3A_58, %dma_start3A_59] : memref<8x128xi32, #tpu.memory_space<vmem>> -> memref<1x128xi32, #tpu.memory_space<vmem>>
      %dma_start3A_61 = tpu.memref_squeeze %dma_start3A_60 : memref<1x128xi32, #tpu.memory_space<vmem>> -> memref<128xi32, #tpu.memory_space<vmem>>
      %dma_start3A_62 = arith.constant 0 : i32
      %dma_start3A_63 = arith.constant 0 : i32
      %dma_start3A_64 = tpu.memref_slice %arg8[%dma_start3A_62, %dma_start3A_63] : memref<10112x128xf32, #tpu.memory_space<vmem_shared>> -> memref<10112x128xf32, #tpu.memory_space<vmem_shared>>
      tpu.enqueue_indirect_dma source(%arg5 : memref<128x128xf32, #tpu.memory_space<vmem>>) target(%dma_start3A_64 : memref<10112x128xf32, #tpu.memory_space<vmem_shared>>) offsets(%dma_start3A_61 : memref<128xi32, #tpu.memory_space<vmem>>) semaphore(%arg7 : memref<!tpu.dma_semaphore, #tpu.memory_space<semaphore_mem>>) {add = true}
      %dma_start3A_65 = arith.constant 4 : i32
      %dma_start3A_66 = arith.constant 0 : i32
      %dma_start3A_67 = tpu.memref_slice %arg4[%dma_start3A_65, %dma_start3A_66] : memref<8x128xi32, #tpu.memory_space<vmem>> -> memref<1x128xi32, #tpu.memory_space<vmem>>
      %dma_start3A_68 = tpu.memref_squeeze %dma_start3A_67 : memref<1x128xi32, #tpu.memory_space<vmem>> -> memref<128xi32, #tpu.memory_space<vmem>>
      %dma_start3A_69 = arith.constant 0 : i32
      %dma_start3A_70 = arith.constant 0 : i32
      %dma_start3A_71 = tpu.memref_slice %arg8[%dma_start3A_69, %dma_start3A_70] : memref<10112x128xf32, #tpu.memory_space<vmem_shared>> -> memref<10112x128xf32, #tpu.memory_space<vmem_shared>>
      tpu.enqueue_indirect_dma source(%arg5 : memref<128x128xf32, #tpu.memory_space<vmem>>) target(%dma_start3A_71 : memref<10112x128xf32, #tpu.memory_space<vmem_shared>>) offsets(%dma_start3A_68 : memref<128xi32, #tpu.memory_space<vmem>>) semaphore(%arg7 : memref<!tpu.dma_semaphore, #tpu.memory_space<semaphore_mem>>) {add = true}
      %dma_start3A_72 = arith.constant 5 : i32
      %dma_start3A_73 = arith.constant 0 : i32
      %dma_start3A_74 = tpu.memref_slice %arg4[%dma_start3A_72, %dma_start3A_73] : memref<8x128xi32, #tpu.memory_space<vmem>> -> memref<1x128xi32, #tpu.memory_space<vmem>>
      %dma_start3A_75 = tpu.memref_squeeze %dma_start3A_74 : memref<1x128xi32, #tpu.memory_space<vmem>> -> memref<128xi32, #tpu.memory_space<vmem>>
      %dma_start3A_76 = arith.constant 0 : i32
      %dma_start3A_77 = arith.constant 0 : i32
      %dma_start3A_78 = tpu.memref_slice %arg8[%dma_start3A_76, %dma_start3A_77] : memref<10112x128xf32, #tpu.memory_space<vmem_shared>> -> memref<10112x128xf32, #tpu.memory_space<vmem_shared>>
      tpu.enqueue_indirect_dma source(%arg5 : memref<128x128xf32, #tpu.memory_space<vmem>>) target(%dma_start3A_78 : memref<10112x128xf32, #tpu.memory_space<vmem_shared>>) offsets(%dma_start3A_75 : memref<128xi32, #tpu.memory_space<vmem>>) semaphore(%arg7 : memref<!tpu.dma_semaphore, #tpu.memory_space<semaphore_mem>>) {add = true}
      %dma_start3A_79 = arith.constant 6 : i32
      %dma_start3A_80 = arith.constant 0 : i32
      %dma_start3A_81 = tpu.memref_slice %arg4[%dma_start3A_79, %dma_start3A_80] : memref<8x128xi32, #tpu.memory_space<vmem>> -> memref<1x128xi32, #tpu.memory_space<vmem>>
      %dma_start3A_82 = tpu.memref_squeeze %dma_start3A_81 : memref<1x128xi32, #tpu.memory_space<vmem>> -> memref<128xi32, #tpu.memory_space<vmem>>
      %dma_start3A_83 = arith.constant 0 : i32
      %dma_start3A_84 = arith.constant 0 : i32
      %dma_start3A_85 = tpu.memref_slice %arg8[%dma_start3A_83, %dma_start3A_84] : memref<10112x128xf32, #tpu.memory_space<vmem_shared>> -> memref<10112x128xf32, #tpu.memory_space<vmem_shared>>
      tpu.enqueue_indirect_dma source(%arg5 : memref<128x128xf32, #tpu.memory_space<vmem>>) target(%dma_start3A_85 : memref<10112x128xf32, #tpu.memory_space<vmem_shared>>) offsets(%dma_start3A_82 : memref<128xi32, #tpu.memory_space<vmem>>) semaphore(%arg7 : memref<!tpu.dma_semaphore, #tpu.memory_space<semaphore_mem>>) {add = true}
      %dma_start3A_86 = arith.constant 7 : i32
      %dma_start3A_87 = arith.constant 0 : i32
      %dma_start3A_88 = tpu.memref_slice %arg4[%dma_start3A_86, %dma_start3A_87] : memref<8x128xi32, #tpu.memory_space<vmem>> -> memref<1x128xi32, #tpu.memory_space<vmem>>
      %dma_start3A_89 = tpu.memref_squeeze %dma_start3A_88 : memref<1x128xi32, #tpu.memory_space<vmem>> -> memref<128xi32, #tpu.memory_space<vmem>>
      %dma_start3A_90 = arith.constant 0 : i32
      %dma_start3A_91 = arith.constant 0 : i32
      %dma_start3A_92 = tpu.memref_slice %arg8[%dma_start3A_90, %dma_start3A_91] : memref<10112x128xf32, #tpu.memory_space<vmem_shared>> -> memref<10112x128xf32, #tpu.memory_space<vmem_shared>>
      tpu.enqueue_indirect_dma source(%arg5 : memref<128x128xf32, #tpu.memory_space<vmem>>) target(%dma_start3A_92 : memref<10112x128xf32, #tpu.memory_space<vmem_shared>>) offsets(%dma_start3A_89 : memref<128xi32, #tpu.memory_space<vmem>>) semaphore(%arg7 : memref<!tpu.dma_semaphore, #tpu.memory_space<semaphore_mem>>) {add = true}
      %dma_wait3A = arith.constant 0 : i32
      %dma_wait3A_93 = arith.constant 0 : i32
      %dma_wait3A_94 = tpu.memref_slice %arg4[%dma_wait3A, %dma_wait3A_93] : memref<8x128xi32, #tpu.memory_space<vmem>> -> memref<1x128xi32, #tpu.memory_space<vmem>>
      %dma_wait3A_95 = tpu.memref_squeeze %dma_wait3A_94 : memref<1x128xi32, #tpu.memory_space<vmem>> -> memref<128xi32, #tpu.memory_space<vmem>>
      %dma_wait3A_96 = arith.constant 0 : i32
      %dma_wait3A_97 = arith.constant 0 : i32
      %dma_wait3A_98 = tpu.memref_slice %arg8[%dma_wait3A_96, %dma_wait3A_97] : memref<10112x128xf32, #tpu.memory_space<vmem_shared>> -> memref<10112x128xf32, #tpu.memory_space<vmem_shared>>
      tpu.wait_indirect_dma semaphore(%arg7 : memref<!tpu.dma_semaphore, #tpu.memory_space<semaphore_mem>>) src(%arg5 : memref<128x128xf32, #tpu.memory_space<vmem>>) dst(%dma_wait3A_98 : memref<10112x128xf32, #tpu.memory_space<vmem_shared>>)
      %dma_wait3A_99 = arith.constant 1 : i32
      %dma_wait3A_100 = arith.constant 0 : i32
      %dma_wait3A_101 = tpu.memref_slice %arg4[%dma_wait3A_99, %dma_wait3A_100] : memref<8x128xi32, #tpu.memory_space<vmem>> -> memref<1x128xi32, #tpu.memory_space<vmem>>
      %dma_wait3A_102 = tpu.memref_squeeze %dma_wait3A_101 : memref<1x128xi32, #tpu.memory_space<vmem>> -> memref<128xi32, #tpu.memory_space<vmem>>
      %dma_wait3A_103 = arith.constant 0 : i32
      %dma_wait3A_104 = arith.constant 0 : i32
      %dma_wait3A_105 = tpu.memref_slice %arg8[%dma_wait3A_103, %dma_wait3A_104] : memref<10112x128xf32, #tpu.memory_space<vmem_shared>> -> memref<10112x128xf32, #tpu.memory_space<vmem_shared>>
      tpu.wait_indirect_dma semaphore(%arg7 : memref<!tpu.dma_semaphore, #tpu.memory_space<semaphore_mem>>) src(%arg5 : memref<128x128xf32, #tpu.memory_space<vmem>>) dst(%dma_wait3A_105 : memref<10112x128xf32, #tpu.memory_space<vmem_shared>>)
      %dma_wait3A_106 = arith.constant 2 : i32
      %dma_wait3A_107 = arith.constant 0 : i32
      %dma_wait3A_108 = tpu.memref_slice %arg4[%dma_wait3A_106, %dma_wait3A_107] : memref<8x128xi32, #tpu.memory_space<vmem>> -> memref<1x128xi32, #tpu.memory_space<vmem>>
      %dma_wait3A_109 = tpu.memref_squeeze %dma_wait3A_108 : memref<1x128xi32, #tpu.memory_space<vmem>> -> memref<128xi32, #tpu.memory_space<vmem>>
      %dma_wait3A_110 = arith.constant 0 : i32
      %dma_wait3A_111 = arith.constant 0 : i32
      %dma_wait3A_112 = tpu.memref_slice %arg8[%dma_wait3A_110, %dma_wait3A_111] : memref<10112x128xf32, #tpu.memory_space<vmem_shared>> -> memref<10112x128xf32, #tpu.memory_space<vmem_shared>>
      tpu.wait_indirect_dma semaphore(%arg7 : memref<!tpu.dma_semaphore, #tpu.memory_space<semaphore_mem>>) src(%arg5 : memref<128x128xf32, #tpu.memory_space<vmem>>) dst(%dma_wait3A_112 : memref<10112x128xf32, #tpu.memory_space<vmem_shared>>)
      %dma_wait3A_113 = arith.constant 3 : i32
      %dma_wait3A_114 = arith.constant 0 : i32
      %dma_wait3A_115 = tpu.memref_slice %arg4[%dma_wait3A_113, %dma_wait3A_114] : memref<8x128xi32, #tpu.memory_space<vmem>> -> memref<1x128xi32, #tpu.memory_space<vmem>>
      %dma_wait3A_116 = tpu.memref_squeeze %dma_wait3A_115 : memref<1x128xi32, #tpu.memory_space<vmem>> -> memref<128xi32, #tpu.memory_space<vmem>>
      %dma_wait3A_117 = arith.constant 0 : i32
      %dma_wait3A_118 = arith.constant 0 : i32
      %dma_wait3A_119 = tpu.memref_slice %arg8[%dma_wait3A_117, %dma_wait3A_118] : memref<10112x128xf32, #tpu.memory_space<vmem_shared>> -> memref<10112x128xf32, #tpu.memory_space<vmem_shared>>
      tpu.wait_indirect_dma semaphore(%arg7 : memref<!tpu.dma_semaphore, #tpu.memory_space<semaphore_mem>>) src(%arg5 : memref<128x128xf32, #tpu.memory_space<vmem>>) dst(%dma_wait3A_119 : memref<10112x128xf32, #tpu.memory_space<vmem_shared>>)
      %dma_wait3A_120 = arith.constant 4 : i32
      %dma_wait3A_121 = arith.constant 0 : i32
      %dma_wait3A_122 = tpu.memref_slice %arg4[%dma_wait3A_120, %dma_wait3A_121] : memref<8x128xi32, #tpu.memory_space<vmem>> -> memref<1x128xi32, #tpu.memory_space<vmem>>
      %dma_wait3A_123 = tpu.memref_squeeze %dma_wait3A_122 : memref<1x128xi32, #tpu.memory_space<vmem>> -> memref<128xi32, #tpu.memory_space<vmem>>
      %dma_wait3A_124 = arith.constant 0 : i32
      %dma_wait3A_125 = arith.constant 0 : i32
      %dma_wait3A_126 = tpu.memref_slice %arg8[%dma_wait3A_124, %dma_wait3A_125] : memref<10112x128xf32, #tpu.memory_space<vmem_shared>> -> memref<10112x128xf32, #tpu.memory_space<vmem_shared>>
      tpu.wait_indirect_dma semaphore(%arg7 : memref<!tpu.dma_semaphore, #tpu.memory_space<semaphore_mem>>) src(%arg5 : memref<128x128xf32, #tpu.memory_space<vmem>>) dst(%dma_wait3A_126 : memref<10112x128xf32, #tpu.memory_space<vmem_shared>>)
      %dma_wait3A_127 = arith.constant 5 : i32
      %dma_wait3A_128 = arith.constant 0 : i32
      %dma_wait3A_129 = tpu.memref_slice %arg4[%dma_wait3A_127, %dma_wait3A_128] : memref<8x128xi32, #tpu.memory_space<vmem>> -> memref<1x128xi32, #tpu.memory_space<vmem>>
      %dma_wait3A_130 = tpu.memref_squeeze %dma_wait3A_129 : memref<1x128xi32, #tpu.memory_space<vmem>> -> memref<128xi32, #tpu.memory_space<vmem>>
      %dma_wait3A_131 = arith.constant 0 : i32
      %dma_wait3A_132 = arith.constant 0 : i32
      %dma_wait3A_133 = tpu.memref_slice %arg8[%dma_wait3A_131, %dma_wait3A_132] : memref<10112x128xf32, #tpu.memory_space<vmem_shared>> -> memref<10112x128xf32, #tpu.memory_space<vmem_shared>>
      tpu.wait_indirect_dma semaphore(%arg7 : memref<!tpu.dma_semaphore, #tpu.memory_space<semaphore_mem>>) src(%arg5 : memref<128x128xf32, #tpu.memory_space<vmem>>) dst(%dma_wait3A_133 : memref<10112x128xf32, #tpu.memory_space<vmem_shared>>)
      %dma_wait3A_134 = arith.constant 6 : i32
      %dma_wait3A_135 = arith.constant 0 : i32
      %dma_wait3A_136 = tpu.memref_slice %arg4[%dma_wait3A_134, %dma_wait3A_135] : memref<8x128xi32, #tpu.memory_space<vmem>> -> memref<1x128xi32, #tpu.memory_space<vmem>>
      %dma_wait3A_137 = tpu.memref_squeeze %dma_wait3A_136 : memref<1x128xi32, #tpu.memory_space<vmem>> -> memref<128xi32, #tpu.memory_space<vmem>>
      %dma_wait3A_138 = arith.constant 0 : i32
      %dma_wait3A_139 = arith.constant 0 : i32
      %dma_wait3A_140 = tpu.memref_slice %arg8[%dma_wait3A_138, %dma_wait3A_139] : memref<10112x128xf32, #tpu.memory_space<vmem_shared>> -> memref<10112x128xf32, #tpu.memory_space<vmem_shared>>
      tpu.wait_indirect_dma semaphore(%arg7 : memref<!tpu.dma_semaphore, #tpu.memory_space<semaphore_mem>>) src(%arg5 : memref<128x128xf32, #tpu.memory_space<vmem>>) dst(%dma_wait3A_140 : memref<10112x128xf32, #tpu.memory_space<vmem_shared>>)
      %dma_wait3A_141 = arith.constant 7 : i32
      %dma_wait3A_142 = arith.constant 0 : i32
      %dma_wait3A_143 = tpu.memref_slice %arg4[%dma_wait3A_141, %dma_wait3A_142] : memref<8x128xi32, #tpu.memory_space<vmem>> -> memref<1x128xi32, #tpu.memory_space<vmem>>
      %dma_wait3A_144 = tpu.memref_squeeze %dma_wait3A_143 : memref<1x128xi32, #tpu.memory_space<vmem>> -> memref<128xi32, #tpu.memory_space<vmem>>
      %dma_wait3A_145 = arith.constant 0 : i32
      %dma_wait3A_146 = arith.constant 0 : i32
      %dma_wait3A_147 = tpu.memref_slice %arg8[%dma_wait3A_145, %dma_wait3A_146] : memref<10112x128xf32, #tpu.memory_space<vmem_shared>> -> memref<10112x128xf32, #tpu.memory_space<vmem_shared>>
      tpu.wait_indirect_dma semaphore(%arg7 : memref<!tpu.dma_semaphore, #tpu.memory_space<semaphore_mem>>) src(%arg5 : memref<128x128xf32, #tpu.memory_space<vmem>>) dst(%dma_wait3A_147 : memref<10112x128xf32, #tpu.memory_space<vmem_shared>>)
    }
    %scan3A_28 = arith.constant 10 : i32
    %barrier3A_29 = arith.constant 0 : index
    tpu.barrier barrier_id(%barrier3A_29)
    "tpu.region"() ({
      %run_scoped3A = tpu.sem_alloc : memref<!tpu.dma_semaphore, #tpu.memory_space<semaphore_mem>>
      %dma_start3A = arith.constant 0 : i32
      %dma_start3A_30 = arith.constant 0 : i32
      %dma_start3A_31 = tpu.memref_slice %arg3[%arg0, %dma_start3A, %dma_start3A_30] : memref<2x10112x128xf32, #tpu.memory_space<hbm>> -> memref<1x10112x128xf32, #tpu.memory_space<hbm>>
      %dma_start3A_32 = tpu.memref_squeeze %dma_start3A_31 : memref<1x10112x128xf32, #tpu.memory_space<hbm>> -> memref<10112x128xf32, #tpu.memory_space<hbm>>
      %dma_start3A_33 = arith.constant 0 : i32
      %dma_start3A_34 = tpu.memref_slice %dma_start3A_32[%mul3A_11, %dma_start3A_33] : memref<10112x128xf32, #tpu.memory_space<hbm>> -> memref<632x128xf32, #tpu.memory_space<hbm>>
      %dma_start3A_35 = arith.constant 0 : i32
      %dma_start3A_36 = tpu.memref_slice %arg8[%mul3A_11, %dma_start3A_35] : memref<10112x128xf32, #tpu.memory_space<vmem_shared>> -> memref<632x128xf32, #tpu.memory_space<vmem_shared>>
      tpu.enqueue_dma source(%dma_start3A_36 : memref<632x128xf32, #tpu.memory_space<vmem_shared>>) target(%dma_start3A_34 : memref<632x128xf32, #tpu.memory_space<hbm>>) target_semaphore(%run_scoped3A : memref<!tpu.dma_semaphore, #tpu.memory_space<semaphore_mem>>)
      %dma_wait3A = arith.constant 0 : i32
      %dma_wait3A_37 = arith.constant 0 : i32
      %dma_wait3A_38 = tpu.memref_slice %arg3[%arg0, %dma_wait3A, %dma_wait3A_37] : memref<2x10112x128xf32, #tpu.memory_space<hbm>> -> memref<1x10112x128xf32, #tpu.memory_space<hbm>>
      %dma_wait3A_39 = tpu.memref_squeeze %dma_wait3A_38 : memref<1x10112x128xf32, #tpu.memory_space<hbm>> -> memref<10112x128xf32, #tpu.memory_space<hbm>>
      %dma_wait3A_40 = arith.constant 0 : i32
      %dma_wait3A_41 = tpu.memref_slice %dma_wait3A_39[%mul3A_11, %dma_wait3A_40] : memref<10112x128xf32, #tpu.memory_space<hbm>> -> memref<632x128xf32, #tpu.memory_space<hbm>>
      %dma_wait3A_42 = arith.constant 0 : i32
      %dma_wait3A_43 = tpu.memref_slice %arg8[%mul3A_11, %dma_wait3A_42] : memref<10112x128xf32, #tpu.memory_space<vmem_shared>> -> memref<632x128xf32, #tpu.memory_space<vmem_shared>>
      tpu.wait_dma2 semaphore(%run_scoped3A : memref<!tpu.dma_semaphore, #tpu.memory_space<semaphore_mem>>) src(%dma_wait3A_43 : memref<632x128xf32, #tpu.memory_space<vmem_shared>>) dst(%dma_wait3A_41 : memref<632x128xf32, #tpu.memory_space<hbm>>)
      tpu.yield
    }) : () -> ()
    return
  }
}

#map = affine_map<(d0, d1) -> (0, 0)>
#map1 = affine_map<(d0, d1) -> (0, 0, 0)>
module attributes {stable_mosaic.version = 14 : i64} {
  func.func @_sc_msgpass(%arg0: i32, %arg1: i32, %arg2: memref<10112x128xf32, #tpu.memory_space<hbm>>, %arg3: memref<2560x128xi32, #tpu.memory_space<hbm>>, %arg4: memref<2560x128xi32, #tpu.memory_space<hbm>>, %arg5: memref<2x10112x128xf32, #tpu.memory_space<hbm>>, %arg6: memref<8x128xi32, #tpu.memory_space<vmem>>, %arg7: memref<8x128xi32, #tpu.memory_space<vmem>>, %arg8: memref<128x128xf32, #tpu.memory_space<vmem>>, %arg9: memref<128x128xf32, #tpu.memory_space<vmem>>, %arg10: memref<2x!tpu.dma_semaphore, #tpu.memory_space<semaphore_mem>>, %arg11: memref<2x!tpu.dma_semaphore, #tpu.memory_space<semaphore_mem>>, %arg12: memref<10112x128xf32, #tpu.memory_space<vmem_shared>>) attributes {dimension_semantics = [#tpu.dimension_semantics<core_parallel>, #tpu.dimension_semantics<subcore_parallel>], iteration_bounds = array<i64: 2, 16>, scalar_prefetch = 0 : i64, scratch_operands = 7 : i64, tpu.core_type = #tpu.core_type<sc_vector_subcore>, window_params = [{transform_indices = #map}, {transform_indices = #map}, {transform_indices = #map}, {transform_indices = #map1}]} {
    %mul3A = arith.constant 16 : i32
    %mul3A_0 = arith.muli %arg0, %mul3A : i32
    %add3A = arith.addi %mul3A_0, %arg1 : i32
    %scan3A = arith.constant 0 : i32
    %scan3A_1 = arith.constant 128 : i32
    %scan3A_2 = arith.addi %scan3A, %scan3A_1 : i32
    %scan3A_3 = arith.constant 1 : i32
    scf.for %scan3A_34 = %scan3A to %scan3A_2 step %scan3A_3  : i32 {
      %mul3A_35 = arith.constant 1 : i32
      %mul3A_36 = arith.muli %scan3A_34, %mul3A_35 : i32
      %add3A_37 = arith.constant 0 : i32
      %add3A_38 = arith.addi %add3A_37, %mul3A_36 : i32
      %scan3A_39 = arith.constant 0 : i32
      %scan3A_40 = arith.constant 8 : i32
      %scan3A_41 = arith.addi %scan3A_39, %scan3A_40 : i32
      %scan3A_42 = arith.constant 1 : i32
      scf.for %scan3A_44 = %scan3A_39 to %scan3A_41 step %scan3A_42  : i32 {
        %mul3A_45 = arith.constant 16 : i32
        %mul3A_46 = arith.muli %scan3A_44, %mul3A_45 : i32
        %add3A_47 = arith.constant 0 : i32
        %add3A_48 = arith.addi %add3A_47, %mul3A_46 : i32
        %broadcast_in_dim3A = arith.constant 0.000000e+00 : f32
        %broadcast_in_dim3A_49 = vector.broadcast %broadcast_in_dim3A : f32 to vector<1x16xf32>
        %swap3A = arith.index_cast %add3A_38 : i32 to index
        %swap3A_50 = arith.index_cast %add3A_48 : i32 to index
        %swap3A_51 = tpu.vector_load %arg8[%swap3A, %swap3A_50] {strides = array<i32>} : memref<128x128xf32, #tpu.memory_space<vmem>>, vector<1x16xf32>,
        %swap3A_52 = vector.shape_cast %swap3A_51 : vector<1x16xf32> to vector<1x16xf32>
        %swap3A_53 = vector.shape_cast %broadcast_in_dim3A_49 : vector<1x16xf32> to vector<1x16xf32>
        tpu.vector_store %arg8[%swap3A, %swap3A_50], %swap3A_53 {strides = array<i32>} : memref<128x128xf32, #tpu.memory_space<vmem>>, vector<1x16xf32>,
      }
      %scan3A_43 = arith.constant 8 : i32
    }
    %scan3A_4 = arith.constant 128 : i32
    %mul3A_5 = arith.constant 632 : i32
    %mul3A_6 = arith.muli %arg1, %mul3A_5 : i32
    %add3A_7 = arith.constant 0 : i32
    %add3A_8 = arith.addi %mul3A_6, %add3A_7 : i32
    "tpu.region"() ({
      %run_scoped3A = tpu.sem_alloc : memref<!tpu.dma_semaphore, #tpu.memory_space<semaphore_mem>>
      %dma_start3A = arith.constant 0 : i32
      %dma_start3A_34 = arith.constant 0 : i32
      %dma_start3A_35 = tpu.memref_slice %arg8[%dma_start3A, %dma_start3A_34] : memref<128x128xf32, #tpu.memory_space<vmem>> -> memref<128x128xf32, #tpu.memory_space<vmem>>
      %dma_start3A_36 = arith.constant 0 : i32
      %dma_start3A_37 = tpu.memref_slice %arg12[%add3A_8, %dma_start3A_36] : memref<10112x128xf32, #tpu.memory_space<vmem_shared>> -> memref<128x128xf32, #tpu.memory_space<vmem_shared>>
      %dma_start3A_38 = arith.constant 0 : i32
      %dma_start3A_39 = tpu.memref_slice %arg12[%add3A_8, %dma_start3A_38] : memref<10112x128xf32, #tpu.memory_space<vmem_shared>> -> memref<128x128xf32, #tpu.memory_space<vmem_shared>>
      %dma_start3A_40 = arith.constant 0 : i32
      %dma_start3A_41 = arith.constant 0 : i32
      %dma_start3A_42 = tpu.memref_slice %arg8[%dma_start3A_40, %dma_start3A_41] : memref<128x128xf32, #tpu.memory_space<vmem>> -> memref<128x128xf32, #tpu.memory_space<vmem>>
      tpu.enqueue_dma source(%dma_start3A_42 : memref<128x128xf32, #tpu.memory_space<vmem>>) target(%dma_start3A_39 : memref<128x128xf32, #tpu.memory_space<vmem_shared>>) target_semaphore(%run_scoped3A : memref<!tpu.dma_semaphore, #tpu.memory_space<semaphore_mem>>)
      %dma_wait3A = arith.constant 0 : i32
      %dma_wait3A_43 = arith.constant 0 : i32
      %dma_wait3A_44 = tpu.memref_slice %arg8[%dma_wait3A, %dma_wait3A_43] : memref<128x128xf32, #tpu.memory_space<vmem>> -> memref<128x128xf32, #tpu.memory_space<vmem>>
      %dma_wait3A_45 = arith.constant 0 : i32
      %dma_wait3A_46 = tpu.memref_slice %arg12[%add3A_8, %dma_wait3A_45] : memref<10112x128xf32, #tpu.memory_space<vmem_shared>> -> memref<128x128xf32, #tpu.memory_space<vmem_shared>>
      %dma_wait3A_47 = arith.constant 0 : i32
      %dma_wait3A_48 = tpu.memref_slice %arg12[%add3A_8, %dma_wait3A_47] : memref<10112x128xf32, #tpu.memory_space<vmem_shared>> -> memref<128x128xf32, #tpu.memory_space<vmem_shared>>
      %dma_wait3A_49 = arith.constant 0 : i32
      %dma_wait3A_50 = arith.constant 0 : i32
      %dma_wait3A_51 = tpu.memref_slice %arg8[%dma_wait3A_49, %dma_wait3A_50] : memref<128x128xf32, #tpu.memory_space<vmem>> -> memref<128x128xf32, #tpu.memory_space<vmem>>
      tpu.wait_dma2 semaphore(%run_scoped3A : memref<!tpu.dma_semaphore, #tpu.memory_space<semaphore_mem>>) src(%dma_wait3A_51 : memref<128x128xf32, #tpu.memory_space<vmem>>) dst(%dma_wait3A_48 : memref<128x128xf32, #tpu.memory_space<vmem_shared>>)
      tpu.yield
    }) : () -> ()
    %add3A_9 = arith.constant 128 : i32
    %add3A_10 = arith.addi %mul3A_6, %add3A_9 : i32
    "tpu.region"() ({
      %run_scoped3A = tpu.sem_alloc : memref<!tpu.dma_semaphore, #tpu.memory_space<semaphore_mem>>
      %dma_start3A = arith.constant 0 : i32
      %dma_start3A_34 = arith.constant 0 : i32
      %dma_start3A_35 = tpu.memref_slice %arg8[%dma_start3A, %dma_start3A_34] : memref<128x128xf32, #tpu.memory_space<vmem>> -> memref<128x128xf32, #tpu.memory_space<vmem>>
      %dma_start3A_36 = arith.constant 0 : i32
      %dma_start3A_37 = tpu.memref_slice %arg12[%add3A_10, %dma_start3A_36] : memref<10112x128xf32, #tpu.memory_space<vmem_shared>> -> memref<128x128xf32, #tpu.memory_space<vmem_shared>>
      %dma_start3A_38 = arith.constant 0 : i32
      %dma_start3A_39 = tpu.memref_slice %arg12[%add3A_10, %dma_start3A_38] : memref<10112x128xf32, #tpu.memory_space<vmem_shared>> -> memref<128x128xf32, #tpu.memory_space<vmem_shared>>
      %dma_start3A_40 = arith.constant 0 : i32
      %dma_start3A_41 = arith.constant 0 : i32
      %dma_start3A_42 = tpu.memref_slice %arg8[%dma_start3A_40, %dma_start3A_41] : memref<128x128xf32, #tpu.memory_space<vmem>> -> memref<128x128xf32, #tpu.memory_space<vmem>>
      tpu.enqueue_dma source(%dma_start3A_42 : memref<128x128xf32, #tpu.memory_space<vmem>>) target(%dma_start3A_39 : memref<128x128xf32, #tpu.memory_space<vmem_shared>>) target_semaphore(%run_scoped3A : memref<!tpu.dma_semaphore, #tpu.memory_space<semaphore_mem>>)
      %dma_wait3A = arith.constant 0 : i32
      %dma_wait3A_43 = arith.constant 0 : i32
      %dma_wait3A_44 = tpu.memref_slice %arg8[%dma_wait3A, %dma_wait3A_43] : memref<128x128xf32, #tpu.memory_space<vmem>> -> memref<128x128xf32, #tpu.memory_space<vmem>>
      %dma_wait3A_45 = arith.constant 0 : i32
      %dma_wait3A_46 = tpu.memref_slice %arg12[%add3A_10, %dma_wait3A_45] : memref<10112x128xf32, #tpu.memory_space<vmem_shared>> -> memref<128x128xf32, #tpu.memory_space<vmem_shared>>
      %dma_wait3A_47 = arith.constant 0 : i32
      %dma_wait3A_48 = tpu.memref_slice %arg12[%add3A_10, %dma_wait3A_47] : memref<10112x128xf32, #tpu.memory_space<vmem_shared>> -> memref<128x128xf32, #tpu.memory_space<vmem_shared>>
      %dma_wait3A_49 = arith.constant 0 : i32
      %dma_wait3A_50 = arith.constant 0 : i32
      %dma_wait3A_51 = tpu.memref_slice %arg8[%dma_wait3A_49, %dma_wait3A_50] : memref<128x128xf32, #tpu.memory_space<vmem>> -> memref<128x128xf32, #tpu.memory_space<vmem>>
      tpu.wait_dma2 semaphore(%run_scoped3A : memref<!tpu.dma_semaphore, #tpu.memory_space<semaphore_mem>>) src(%dma_wait3A_51 : memref<128x128xf32, #tpu.memory_space<vmem>>) dst(%dma_wait3A_48 : memref<128x128xf32, #tpu.memory_space<vmem_shared>>)
      tpu.yield
    }) : () -> ()
    %add3A_11 = arith.constant 256 : i32
    %add3A_12 = arith.addi %mul3A_6, %add3A_11 : i32
    "tpu.region"() ({
      %run_scoped3A = tpu.sem_alloc : memref<!tpu.dma_semaphore, #tpu.memory_space<semaphore_mem>>
      %dma_start3A = arith.constant 0 : i32
      %dma_start3A_34 = arith.constant 0 : i32
      %dma_start3A_35 = tpu.memref_slice %arg8[%dma_start3A, %dma_start3A_34] : memref<128x128xf32, #tpu.memory_space<vmem>> -> memref<128x128xf32, #tpu.memory_space<vmem>>
      %dma_start3A_36 = arith.constant 0 : i32
      %dma_start3A_37 = tpu.memref_slice %arg12[%add3A_12, %dma_start3A_36] : memref<10112x128xf32, #tpu.memory_space<vmem_shared>> -> memref<128x128xf32, #tpu.memory_space<vmem_shared>>
      %dma_start3A_38 = arith.constant 0 : i32
      %dma_start3A_39 = tpu.memref_slice %arg12[%add3A_12, %dma_start3A_38] : memref<10112x128xf32, #tpu.memory_space<vmem_shared>> -> memref<128x128xf32, #tpu.memory_space<vmem_shared>>
      %dma_start3A_40 = arith.constant 0 : i32
      %dma_start3A_41 = arith.constant 0 : i32
      %dma_start3A_42 = tpu.memref_slice %arg8[%dma_start3A_40, %dma_start3A_41] : memref<128x128xf32, #tpu.memory_space<vmem>> -> memref<128x128xf32, #tpu.memory_space<vmem>>
      tpu.enqueue_dma source(%dma_start3A_42 : memref<128x128xf32, #tpu.memory_space<vmem>>) target(%dma_start3A_39 : memref<128x128xf32, #tpu.memory_space<vmem_shared>>) target_semaphore(%run_scoped3A : memref<!tpu.dma_semaphore, #tpu.memory_space<semaphore_mem>>)
      %dma_wait3A = arith.constant 0 : i32
      %dma_wait3A_43 = arith.constant 0 : i32
      %dma_wait3A_44 = tpu.memref_slice %arg8[%dma_wait3A, %dma_wait3A_43] : memref<128x128xf32, #tpu.memory_space<vmem>> -> memref<128x128xf32, #tpu.memory_space<vmem>>
      %dma_wait3A_45 = arith.constant 0 : i32
      %dma_wait3A_46 = tpu.memref_slice %arg12[%add3A_12, %dma_wait3A_45] : memref<10112x128xf32, #tpu.memory_space<vmem_shared>> -> memref<128x128xf32, #tpu.memory_space<vmem_shared>>
      %dma_wait3A_47 = arith.constant 0 : i32
      %dma_wait3A_48 = tpu.memref_slice %arg12[%add3A_12, %dma_wait3A_47] : memref<10112x128xf32, #tpu.memory_space<vmem_shared>> -> memref<128x128xf32, #tpu.memory_space<vmem_shared>>
      %dma_wait3A_49 = arith.constant 0 : i32
      %dma_wait3A_50 = arith.constant 0 : i32
      %dma_wait3A_51 = tpu.memref_slice %arg8[%dma_wait3A_49, %dma_wait3A_50] : memref<128x128xf32, #tpu.memory_space<vmem>> -> memref<128x128xf32, #tpu.memory_space<vmem>>
      tpu.wait_dma2 semaphore(%run_scoped3A : memref<!tpu.dma_semaphore, #tpu.memory_space<semaphore_mem>>) src(%dma_wait3A_51 : memref<128x128xf32, #tpu.memory_space<vmem>>) dst(%dma_wait3A_48 : memref<128x128xf32, #tpu.memory_space<vmem_shared>>)
      tpu.yield
    }) : () -> ()
    %add3A_13 = arith.constant 384 : i32
    %add3A_14 = arith.addi %mul3A_6, %add3A_13 : i32
    "tpu.region"() ({
      %run_scoped3A = tpu.sem_alloc : memref<!tpu.dma_semaphore, #tpu.memory_space<semaphore_mem>>
      %dma_start3A = arith.constant 0 : i32
      %dma_start3A_34 = arith.constant 0 : i32
      %dma_start3A_35 = tpu.memref_slice %arg8[%dma_start3A, %dma_start3A_34] : memref<128x128xf32, #tpu.memory_space<vmem>> -> memref<128x128xf32, #tpu.memory_space<vmem>>
      %dma_start3A_36 = arith.constant 0 : i32
      %dma_start3A_37 = tpu.memref_slice %arg12[%add3A_14, %dma_start3A_36] : memref<10112x128xf32, #tpu.memory_space<vmem_shared>> -> memref<128x128xf32, #tpu.memory_space<vmem_shared>>
      %dma_start3A_38 = arith.constant 0 : i32
      %dma_start3A_39 = tpu.memref_slice %arg12[%add3A_14, %dma_start3A_38] : memref<10112x128xf32, #tpu.memory_space<vmem_shared>> -> memref<128x128xf32, #tpu.memory_space<vmem_shared>>
      %dma_start3A_40 = arith.constant 0 : i32
      %dma_start3A_41 = arith.constant 0 : i32
      %dma_start3A_42 = tpu.memref_slice %arg8[%dma_start3A_40, %dma_start3A_41] : memref<128x128xf32, #tpu.memory_space<vmem>> -> memref<128x128xf32, #tpu.memory_space<vmem>>
      tpu.enqueue_dma source(%dma_start3A_42 : memref<128x128xf32, #tpu.memory_space<vmem>>) target(%dma_start3A_39 : memref<128x128xf32, #tpu.memory_space<vmem_shared>>) target_semaphore(%run_scoped3A : memref<!tpu.dma_semaphore, #tpu.memory_space<semaphore_mem>>)
      %dma_wait3A = arith.constant 0 : i32
      %dma_wait3A_43 = arith.constant 0 : i32
      %dma_wait3A_44 = tpu.memref_slice %arg8[%dma_wait3A, %dma_wait3A_43] : memref<128x128xf32, #tpu.memory_space<vmem>> -> memref<128x128xf32, #tpu.memory_space<vmem>>
      %dma_wait3A_45 = arith.constant 0 : i32
      %dma_wait3A_46 = tpu.memref_slice %arg12[%add3A_14, %dma_wait3A_45] : memref<10112x128xf32, #tpu.memory_space<vmem_shared>> -> memref<128x128xf32, #tpu.memory_space<vmem_shared>>
      %dma_wait3A_47 = arith.constant 0 : i32
      %dma_wait3A_48 = tpu.memref_slice %arg12[%add3A_14, %dma_wait3A_47] : memref<10112x128xf32, #tpu.memory_space<vmem_shared>> -> memref<128x128xf32, #tpu.memory_space<vmem_shared>>
      %dma_wait3A_49 = arith.constant 0 : i32
      %dma_wait3A_50 = arith.constant 0 : i32
      %dma_wait3A_51 = tpu.memref_slice %arg8[%dma_wait3A_49, %dma_wait3A_50] : memref<128x128xf32, #tpu.memory_space<vmem>> -> memref<128x128xf32, #tpu.memory_space<vmem>>
      tpu.wait_dma2 semaphore(%run_scoped3A : memref<!tpu.dma_semaphore, #tpu.memory_space<semaphore_mem>>) src(%dma_wait3A_51 : memref<128x128xf32, #tpu.memory_space<vmem>>) dst(%dma_wait3A_48 : memref<128x128xf32, #tpu.memory_space<vmem_shared>>)
      tpu.yield
    }) : () -> ()
    %add3A_15 = arith.constant 512 : i32
    %add3A_16 = arith.addi %mul3A_6, %add3A_15 : i32
    "tpu.region"() ({
      %run_scoped3A = tpu.sem_alloc : memref<!tpu.dma_semaphore, #tpu.memory_space<semaphore_mem>>
      %dma_start3A = arith.constant 0 : i32
      %dma_start3A_34 = arith.constant 0 : i32
      %dma_start3A_35 = tpu.memref_slice %arg8[%dma_start3A, %dma_start3A_34] : memref<128x128xf32, #tpu.memory_space<vmem>> -> memref<120x128xf32, #tpu.memory_space<vmem>>
      %dma_start3A_36 = arith.constant 0 : i32
      %dma_start3A_37 = tpu.memref_slice %arg12[%add3A_16, %dma_start3A_36] : memref<10112x128xf32, #tpu.memory_space<vmem_shared>> -> memref<120x128xf32, #tpu.memory_space<vmem_shared>>
      %dma_start3A_38 = arith.constant 0 : i32
      %dma_start3A_39 = tpu.memref_slice %arg12[%add3A_16, %dma_start3A_38] : memref<10112x128xf32, #tpu.memory_space<vmem_shared>> -> memref<120x128xf32, #tpu.memory_space<vmem_shared>>
      %dma_start3A_40 = arith.constant 0 : i32
      %dma_start3A_41 = arith.constant 0 : i32
      %dma_start3A_42 = tpu.memref_slice %arg8[%dma_start3A_40, %dma_start3A_41] : memref<128x128xf32, #tpu.memory_space<vmem>> -> memref<120x128xf32, #tpu.memory_space<vmem>>
      tpu.enqueue_dma source(%dma_start3A_42 : memref<120x128xf32, #tpu.memory_space<vmem>>) target(%dma_start3A_39 : memref<120x128xf32, #tpu.memory_space<vmem_shared>>) target_semaphore(%run_scoped3A : memref<!tpu.dma_semaphore, #tpu.memory_space<semaphore_mem>>)
      %dma_wait3A = arith.constant 0 : i32
      %dma_wait3A_43 = arith.constant 0 : i32
      %dma_wait3A_44 = tpu.memref_slice %arg8[%dma_wait3A, %dma_wait3A_43] : memref<128x128xf32, #tpu.memory_space<vmem>> -> memref<120x128xf32, #tpu.memory_space<vmem>>
      %dma_wait3A_45 = arith.constant 0 : i32
      %dma_wait3A_46 = tpu.memref_slice %arg12[%add3A_16, %dma_wait3A_45] : memref<10112x128xf32, #tpu.memory_space<vmem_shared>> -> memref<120x128xf32, #tpu.memory_space<vmem_shared>>
      %dma_wait3A_47 = arith.constant 0 : i32
      %dma_wait3A_48 = tpu.memref_slice %arg12[%add3A_16, %dma_wait3A_47] : memref<10112x128xf32, #tpu.memory_space<vmem_shared>> -> memref<120x128xf32, #tpu.memory_space<vmem_shared>>
      %dma_wait3A_49 = arith.constant 0 : i32
      %dma_wait3A_50 = arith.constant 0 : i32
      %dma_wait3A_51 = tpu.memref_slice %arg8[%dma_wait3A_49, %dma_wait3A_50] : memref<128x128xf32, #tpu.memory_space<vmem>> -> memref<120x128xf32, #tpu.memory_space<vmem>>
      tpu.wait_dma2 semaphore(%run_scoped3A : memref<!tpu.dma_semaphore, #tpu.memory_space<semaphore_mem>>) src(%dma_wait3A_51 : memref<120x128xf32, #tpu.memory_space<vmem>>) dst(%dma_wait3A_48 : memref<120x128xf32, #tpu.memory_space<vmem_shared>>)
      tpu.yield
    }) : () -> ()
    %barrier3A = arith.constant 0 : index
    tpu.barrier barrier_id(%barrier3A)
    %eq3A = arith.constant 0 : i32
    %eq3A_17 = arith.cmpi eq, %arg0, %eq3A : i32
    %mul3A_18 = arith.constant 152 : i32
    %mul3A_19 = arith.muli %arg1, %mul3A_18 : i32
    %mul3A_20 = arith.constant 8 : i32
    %mul3A_21 = arith.muli %arg1, %mul3A_20 : i32
    %add3A_22 = arith.constant 2432 : i32
    %add3A_23 = arith.addi %add3A_22, %mul3A_21 : i32
    %select_n3A = arith.select %eq3A_17, %mul3A_19, %add3A_23 : i32
    %eq3A_24 = arith.constant 0 : i32
    %eq3A_25 = arith.cmpi eq, %arg0, %eq3A_24 : i32
    %jit3A = arith.constant 19 : i32
    %jit3A_26 = arith.constant 1 : i32
    %select_n3A_27 = arith.select %eq3A_25, %jit3A, %jit3A_26 : i32
    %scan3A_28 = arith.constant 0 : i32
    %scan3A_29 = arith.constant 19 : i32
    %scan3A_30 = arith.addi %scan3A_28, %scan3A_29 : i32
    %scan3A_31 = arith.constant 1 : i32
    scf.for %scan3A_34 = %scan3A_28 to %scan3A_30 step %scan3A_31  : i32 {
      %mul3A_35 = arith.constant 1 : i32
      %mul3A_36 = arith.muli %scan3A_34, %mul3A_35 : i32
      %add3A_37 = arith.constant 0 : i32
      %add3A_38 = arith.addi %add3A_37, %mul3A_36 : i32
      %lt3A = arith.cmpi slt, %add3A_38, %select_n3A_27 : i32
      %convert_element_type3A = arith.extui %lt3A : i1 to i32
      %cond3A = arith.constant 0 : i32
      %cond3A_39 = arith.cmpi ne, %convert_element_type3A, %cond3A : i32
      scf.if %cond3A_39 {
        %mul3A_40 = arith.constant 8 : i32
        %mul3A_41 = arith.muli %add3A_38, %mul3A_40 : i32
        %add3A_42 = arith.addi %select_n3A, %mul3A_41 : i32
        "tpu.region"() ({
          %run_scoped3A = tpu.sem_alloc : memref<!tpu.dma_semaphore, #tpu.memory_space<semaphore_mem>>
          %dma_start3A_361 = arith.constant 0 : i32
          %dma_start3A_362 = tpu.memref_slice %arg3[%add3A_42, %dma_start3A_361] : memref<2560x128xi32, #tpu.memory_space<hbm>> -> memref<8x128xi32, #tpu.memory_space<hbm>>
          %dma_start3A_363 = arith.constant 0 : i32
          %dma_start3A_364 = tpu.memref_slice %arg3[%add3A_42, %dma_start3A_363] : memref<2560x128xi32, #tpu.memory_space<hbm>> -> memref<8x128xi32, #tpu.memory_space<hbm>>
          tpu.enqueue_dma source(%dma_start3A_364 : memref<8x128xi32, #tpu.memory_space<hbm>>) target(%arg6 : memref<8x128xi32, #tpu.memory_space<vmem>>) target_semaphore(%run_scoped3A : memref<!tpu.dma_semaphore, #tpu.memory_space<semaphore_mem>>)
          %dma_wait3A_365 = arith.constant 0 : i32
          %dma_wait3A_366 = tpu.memref_slice %arg3[%add3A_42, %dma_wait3A_365] : memref<2560x128xi32, #tpu.memory_space<hbm>> -> memref<8x128xi32, #tpu.memory_space<hbm>>
          %dma_wait3A_367 = arith.constant 0 : i32
          %dma_wait3A_368 = tpu.memref_slice %arg3[%add3A_42, %dma_wait3A_367] : memref<2560x128xi32, #tpu.memory_space<hbm>> -> memref<8x128xi32, #tpu.memory_space<hbm>>
          tpu.wait_dma2 semaphore(%run_scoped3A : memref<!tpu.dma_semaphore, #tpu.memory_space<semaphore_mem>>) src(%dma_wait3A_368 : memref<8x128xi32, #tpu.memory_space<hbm>>) dst(%arg6 : memref<8x128xi32, #tpu.memory_space<vmem>>)
          tpu.yield
        }) : () -> ()
        "tpu.region"() ({
          %run_scoped3A = tpu.sem_alloc : memref<!tpu.dma_semaphore, #tpu.memory_space<semaphore_mem>>
          %dma_start3A_361 = arith.constant 0 : i32
          %dma_start3A_362 = tpu.memref_slice %arg4[%add3A_42, %dma_start3A_361] : memref<2560x128xi32, #tpu.memory_space<hbm>> -> memref<8x128xi32, #tpu.memory_space<hbm>>
          %dma_start3A_363 = arith.constant 0 : i32
          %dma_start3A_364 = tpu.memref_slice %arg4[%add3A_42, %dma_start3A_363] : memref<2560x128xi32, #tpu.memory_space<hbm>> -> memref<8x128xi32, #tpu.memory_space<hbm>>
          tpu.enqueue_dma source(%dma_start3A_364 : memref<8x128xi32, #tpu.memory_space<hbm>>) target(%arg7 : memref<8x128xi32, #tpu.memory_space<vmem>>) target_semaphore(%run_scoped3A : memref<!tpu.dma_semaphore, #tpu.memory_space<semaphore_mem>>)
          %dma_wait3A_365 = arith.constant 0 : i32
          %dma_wait3A_366 = tpu.memref_slice %arg4[%add3A_42, %dma_wait3A_365] : memref<2560x128xi32, #tpu.memory_space<hbm>> -> memref<8x128xi32, #tpu.memory_space<hbm>>
          %dma_wait3A_367 = arith.constant 0 : i32
          %dma_wait3A_368 = tpu.memref_slice %arg4[%add3A_42, %dma_wait3A_367] : memref<2560x128xi32, #tpu.memory_space<hbm>> -> memref<8x128xi32, #tpu.memory_space<hbm>>
          tpu.wait_dma2 semaphore(%run_scoped3A : memref<!tpu.dma_semaphore, #tpu.memory_space<semaphore_mem>>) src(%dma_wait3A_368 : memref<8x128xi32, #tpu.memory_space<hbm>>) dst(%arg7 : memref<8x128xi32, #tpu.memory_space<vmem>>)
          tpu.yield
        }) : () -> ()
        %dma_start3A = arith.constant 0 : i32
        %dma_start3A_43 = arith.constant 0 : i32
        %dma_start3A_44 = arith.constant 0 : i32
        %dma_start3A_45 = tpu.memref_slice %arg6[%dma_start3A, %dma_start3A_44] : memref<8x128xi32, #tpu.memory_space<vmem>> -> memref<1x128xi32, #tpu.memory_space<vmem>>
        %dma_start3A_46 = tpu.memref_squeeze %dma_start3A_45 : memref<1x128xi32, #tpu.memory_space<vmem>> -> memref<128xi32, #tpu.memory_space<vmem>>
        %dma_start3A_47 = arith.constant 0 : i32
        %dma_start3A_48 = arith.constant 0 : i32
        %dma_start3A_49 = tpu.memref_slice %arg2[%dma_start3A_47, %dma_start3A_48] : memref<10112x128xf32, #tpu.memory_space<hbm>> -> memref<10112x128xf32, #tpu.memory_space<hbm>>
        %dma_start3A_50 = tpu.memref_slice %arg10[%dma_start3A_43] : memref<2x!tpu.dma_semaphore, #tpu.memory_space<semaphore_mem>> -> memref<1x!tpu.dma_semaphore, #tpu.memory_space<semaphore_mem>>
        %dma_start3A_51 = tpu.memref_squeeze %dma_start3A_50 : memref<1x!tpu.dma_semaphore, #tpu.memory_space<semaphore_mem>> -> memref<!tpu.dma_semaphore, #tpu.memory_space<semaphore_mem>>
        tpu.enqueue_indirect_dma source(%dma_start3A_49 : memref<10112x128xf32, #tpu.memory_space<hbm>>) target(%arg8 : memref<128x128xf32, #tpu.memory_space<vmem>>) offsets(%dma_start3A_46 : memref<128xi32, #tpu.memory_space<vmem>>) semaphore(%dma_start3A_51 : memref<!tpu.dma_semaphore, #tpu.memory_space<semaphore_mem>>)
        %dma_start3A_52 = arith.constant 1 : i32
        %dma_start3A_53 = arith.constant 1 : i32
        %dma_start3A_54 = arith.constant 0 : i32
        %dma_start3A_55 = tpu.memref_slice %arg6[%dma_start3A_52, %dma_start3A_54] : memref<8x128xi32, #tpu.memory_space<vmem>> -> memref<1x128xi32, #tpu.memory_space<vmem>>
        %dma_start3A_56 = tpu.memref_squeeze %dma_start3A_55 : memref<1x128xi32, #tpu.memory_space<vmem>> -> memref<128xi32, #tpu.memory_space<vmem>>
        %dma_start3A_57 = arith.constant 0 : i32
        %dma_start3A_58 = arith.constant 0 : i32
        %dma_start3A_59 = tpu.memref_slice %arg2[%dma_start3A_57, %dma_start3A_58] : memref<10112x128xf32, #tpu.memory_space<hbm>> -> memref<10112x128xf32, #tpu.memory_space<hbm>>
        %dma_start3A_60 = tpu.memref_slice %arg10[%dma_start3A_53] : memref<2x!tpu.dma_semaphore, #tpu.memory_space<semaphore_mem>> -> memref<1x!tpu.dma_semaphore, #tpu.memory_space<semaphore_mem>>
        %dma_start3A_61 = tpu.memref_squeeze %dma_start3A_60 : memref<1x!tpu.dma_semaphore, #tpu.memory_space<semaphore_mem>> -> memref<!tpu.dma_semaphore, #tpu.memory_space<semaphore_mem>>
        tpu.enqueue_indirect_dma source(%dma_start3A_59 : memref<10112x128xf32, #tpu.memory_space<hbm>>) target(%arg9 : memref<128x128xf32, #tpu.memory_space<vmem>>) offsets(%dma_start3A_56 : memref<128xi32, #tpu.memory_space<vmem>>) semaphore(%dma_start3A_61 : memref<!tpu.dma_semaphore, #tpu.memory_space<semaphore_mem>>)
        %dma_wait3A = arith.constant 0 : i32
        %dma_wait3A_62 = arith.constant 0 : i32
        %dma_wait3A_63 = arith.constant 0 : i32
        %dma_wait3A_64 = tpu.memref_slice %arg6[%dma_wait3A, %dma_wait3A_63] : memref<8x128xi32, #tpu.memory_space<vmem>> -> memref<1x128xi32, #tpu.memory_space<vmem>>
        %dma_wait3A_65 = tpu.memref_squeeze %dma_wait3A_64 : memref<1x128xi32, #tpu.memory_space<vmem>> -> memref<128xi32, #tpu.memory_space<vmem>>
        %dma_wait3A_66 = arith.constant 0 : i32
        %dma_wait3A_67 = arith.constant 0 : i32
        %dma_wait3A_68 = tpu.memref_slice %arg2[%dma_wait3A_66, %dma_wait3A_67] : memref<10112x128xf32, #tpu.memory_space<hbm>> -> memref<10112x128xf32, #tpu.memory_space<hbm>>
        %dma_wait3A_69 = tpu.memref_slice %arg10[%dma_wait3A_62] : memref<2x!tpu.dma_semaphore, #tpu.memory_space<semaphore_mem>> -> memref<1x!tpu.dma_semaphore, #tpu.memory_space<semaphore_mem>>
        %dma_wait3A_70 = tpu.memref_squeeze %dma_wait3A_69 : memref<1x!tpu.dma_semaphore, #tpu.memory_space<semaphore_mem>> -> memref<!tpu.dma_semaphore, #tpu.memory_space<semaphore_mem>>
        tpu.wait_indirect_dma semaphore(%dma_wait3A_70 : memref<!tpu.dma_semaphore, #tpu.memory_space<semaphore_mem>>) src(%dma_wait3A_68 : memref<10112x128xf32, #tpu.memory_space<hbm>>) dst(%arg8 : memref<128x128xf32, #tpu.memory_space<vmem>>)
        %dma_start3A_71 = arith.constant 0 : i32
        %dma_start3A_72 = arith.constant 0 : i32
        %dma_start3A_73 = arith.constant 0 : i32
        %dma_start3A_74 = tpu.memref_slice %arg7[%dma_start3A_71, %dma_start3A_73] : memref<8x128xi32, #tpu.memory_space<vmem>> -> memref<1x128xi32, #tpu.memory_space<vmem>>
        %dma_start3A_75 = tpu.memref_squeeze %dma_start3A_74 : memref<1x128xi32, #tpu.memory_space<vmem>> -> memref<128xi32, #tpu.memory_space<vmem>>
        %dma_start3A_76 = arith.constant 0 : i32
        %dma_start3A_77 = arith.constant 0 : i32
        %dma_start3A_78 = tpu.memref_slice %arg12[%dma_start3A_76, %dma_start3A_77] : memref<10112x128xf32, #tpu.memory_space<vmem_shared>> -> memref<10112x128xf32, #tpu.memory_space<vmem_shared>>
        %dma_start3A_79 = tpu.memref_slice %arg11[%dma_start3A_72] : memref<2x!tpu.dma_semaphore, #tpu.memory_space<semaphore_mem>> -> memref<1x!tpu.dma_semaphore, #tpu.memory_space<semaphore_mem>>
        %dma_start3A_80 = tpu.memref_squeeze %dma_start3A_79 : memref<1x!tpu.dma_semaphore, #tpu.memory_space<semaphore_mem>> -> memref<!tpu.dma_semaphore, #tpu.memory_space<semaphore_mem>>
        tpu.enqueue_indirect_dma source(%arg8 : memref<128x128xf32, #tpu.memory_space<vmem>>) target(%dma_start3A_78 : memref<10112x128xf32, #tpu.memory_space<vmem_shared>>) offsets(%dma_start3A_75 : memref<128xi32, #tpu.memory_space<vmem>>) semaphore(%dma_start3A_80 : memref<!tpu.dma_semaphore, #tpu.memory_space<semaphore_mem>>) {add = true}
        %dma_wait3A_81 = arith.constant 0 : i32
        %dma_wait3A_82 = arith.constant 0 : i32
        %dma_wait3A_83 = arith.constant 0 : i32
        %dma_wait3A_84 = tpu.memref_slice %arg7[%dma_wait3A_81, %dma_wait3A_83] : memref<8x128xi32, #tpu.memory_space<vmem>> -> memref<1x128xi32, #tpu.memory_space<vmem>>
        %dma_wait3A_85 = tpu.memref_squeeze %dma_wait3A_84 : memref<1x128xi32, #tpu.memory_space<vmem>> -> memref<128xi32, #tpu.memory_space<vmem>>
        %dma_wait3A_86 = arith.constant 0 : i32
        %dma_wait3A_87 = arith.constant 0 : i32
        %dma_wait3A_88 = tpu.memref_slice %arg12[%dma_wait3A_86, %dma_wait3A_87] : memref<10112x128xf32, #tpu.memory_space<vmem_shared>> -> memref<10112x128xf32, #tpu.memory_space<vmem_shared>>
        %dma_wait3A_89 = tpu.memref_slice %arg11[%dma_wait3A_82] : memref<2x!tpu.dma_semaphore, #tpu.memory_space<semaphore_mem>> -> memref<1x!tpu.dma_semaphore, #tpu.memory_space<semaphore_mem>>
        %dma_wait3A_90 = tpu.memref_squeeze %dma_wait3A_89 : memref<1x!tpu.dma_semaphore, #tpu.memory_space<semaphore_mem>> -> memref<!tpu.dma_semaphore, #tpu.memory_space<semaphore_mem>>
        tpu.wait_indirect_dma semaphore(%dma_wait3A_90 : memref<!tpu.dma_semaphore, #tpu.memory_space<semaphore_mem>>) src(%arg8 : memref<128x128xf32, #tpu.memory_space<vmem>>) dst(%dma_wait3A_88 : memref<10112x128xf32, #tpu.memory_space<vmem_shared>>)
        %dma_start3A_91 = arith.constant 2 : i32
        %dma_start3A_92 = arith.constant 0 : i32
        %dma_start3A_93 = arith.constant 0 : i32
        %dma_start3A_94 = tpu.memref_slice %arg6[%dma_start3A_91, %dma_start3A_93] : memref<8x128xi32, #tpu.memory_space<vmem>> -> memref<1x128xi32, #tpu.memory_space<vmem>>
        %dma_start3A_95 = tpu.memref_squeeze %dma_start3A_94 : memref<1x128xi32, #tpu.memory_space<vmem>> -> memref<128xi32, #tpu.memory_space<vmem>>
        %dma_start3A_96 = arith.constant 0 : i32
        %dma_start3A_97 = arith.constant 0 : i32
        %dma_start3A_98 = tpu.memref_slice %arg2[%dma_start3A_96, %dma_start3A_97] : memref<10112x128xf32, #tpu.memory_space<hbm>> -> memref<10112x128xf32, #tpu.memory_space<hbm>>
        %dma_start3A_99 = tpu.memref_slice %arg10[%dma_start3A_92] : memref<2x!tpu.dma_semaphore, #tpu.memory_space<semaphore_mem>> -> memref<1x!tpu.dma_semaphore, #tpu.memory_space<semaphore_mem>>
        %dma_start3A_100 = tpu.memref_squeeze %dma_start3A_99 : memref<1x!tpu.dma_semaphore, #tpu.memory_space<semaphore_mem>> -> memref<!tpu.dma_semaphore, #tpu.memory_space<semaphore_mem>>
        tpu.enqueue_indirect_dma source(%dma_start3A_98 : memref<10112x128xf32, #tpu.memory_space<hbm>>) target(%arg8 : memref<128x128xf32, #tpu.memory_space<vmem>>) offsets(%dma_start3A_95 : memref<128xi32, #tpu.memory_space<vmem>>) semaphore(%dma_start3A_100 : memref<!tpu.dma_semaphore, #tpu.memory_space<semaphore_mem>>)
        %dma_wait3A_101 = arith.constant 1 : i32
        %dma_wait3A_102 = arith.constant 1 : i32
        %dma_wait3A_103 = arith.constant 0 : i32
        %dma_wait3A_104 = tpu.memref_slice %arg6[%dma_wait3A_101, %dma_wait3A_103] : memref<8x128xi32, #tpu.memory_space<vmem>> -> memref<1x128xi32, #tpu.memory_space<vmem>>
        %dma_wait3A_105 = tpu.memref_squeeze %dma_wait3A_104 : memref<1x128xi32, #tpu.memory_space<vmem>> -> memref<128xi32, #tpu.memory_space<vmem>>
        %dma_wait3A_106 = arith.constant 0 : i32
        %dma_wait3A_107 = arith.constant 0 : i32
        %dma_wait3A_108 = tpu.memref_slice %arg2[%dma_wait3A_106, %dma_wait3A_107] : memref<10112x128xf32, #tpu.memory_space<hbm>> -> memref<10112x128xf32, #tpu.memory_space<hbm>>
        %dma_wait3A_109 = tpu.memref_slice %arg10[%dma_wait3A_102] : memref<2x!tpu.dma_semaphore, #tpu.memory_space<semaphore_mem>> -> memref<1x!tpu.dma_semaphore, #tpu.memory_space<semaphore_mem>>
        %dma_wait3A_110 = tpu.memref_squeeze %dma_wait3A_109 : memref<1x!tpu.dma_semaphore, #tpu.memory_space<semaphore_mem>> -> memref<!tpu.dma_semaphore, #tpu.memory_space<semaphore_mem>>
        tpu.wait_indirect_dma semaphore(%dma_wait3A_110 : memref<!tpu.dma_semaphore, #tpu.memory_space<semaphore_mem>>) src(%dma_wait3A_108 : memref<10112x128xf32, #tpu.memory_space<hbm>>) dst(%arg9 : memref<128x128xf32, #tpu.memory_space<vmem>>)
        %dma_start3A_111 = arith.constant 1 : i32
        %dma_start3A_112 = arith.constant 1 : i32
        %dma_start3A_113 = arith.constant 0 : i32
        %dma_start3A_114 = tpu.memref_slice %arg7[%dma_start3A_111, %dma_start3A_113] : memref<8x128xi32, #tpu.memory_space<vmem>> -> memref<1x128xi32, #tpu.memory_space<vmem>>
        %dma_start3A_115 = tpu.memref_squeeze %dma_start3A_114 : memref<1x128xi32, #tpu.memory_space<vmem>> -> memref<128xi32, #tpu.memory_space<vmem>>
        %dma_start3A_116 = arith.constant 0 : i32
        %dma_start3A_117 = arith.constant 0 : i32
        %dma_start3A_118 = tpu.memref_slice %arg12[%dma_start3A_116, %dma_start3A_117] : memref<10112x128xf32, #tpu.memory_space<vmem_shared>> -> memref<10112x128xf32, #tpu.memory_space<vmem_shared>>
        %dma_start3A_119 = tpu.memref_slice %arg11[%dma_start3A_112] : memref<2x!tpu.dma_semaphore, #tpu.memory_space<semaphore_mem>> -> memref<1x!tpu.dma_semaphore, #tpu.memory_space<semaphore_mem>>
        %dma_start3A_120 = tpu.memref_squeeze %dma_start3A_119 : memref<1x!tpu.dma_semaphore, #tpu.memory_space<semaphore_mem>> -> memref<!tpu.dma_semaphore, #tpu.memory_space<semaphore_mem>>
        tpu.enqueue_indirect_dma source(%arg9 : memref<128x128xf32, #tpu.memory_space<vmem>>) target(%dma_start3A_118 : memref<10112x128xf32, #tpu.memory_space<vmem_shared>>) offsets(%dma_start3A_115 : memref<128xi32, #tpu.memory_space<vmem>>) semaphore(%dma_start3A_120 : memref<!tpu.dma_semaphore, #tpu.memory_space<semaphore_mem>>) {add = true}
        %dma_wait3A_121 = arith.constant 1 : i32
        %dma_wait3A_122 = arith.constant 1 : i32
        %dma_wait3A_123 = arith.constant 0 : i32
        %dma_wait3A_124 = tpu.memref_slice %arg7[%dma_wait3A_121, %dma_wait3A_123] : memref<8x128xi32, #tpu.memory_space<vmem>> -> memref<1x128xi32, #tpu.memory_space<vmem>>
        %dma_wait3A_125 = tpu.memref_squeeze %dma_wait3A_124 : memref<1x128xi32, #tpu.memory_space<vmem>> -> memref<128xi32, #tpu.memory_space<vmem>>
        %dma_wait3A_126 = arith.constant 0 : i32
        %dma_wait3A_127 = arith.constant 0 : i32
        %dma_wait3A_128 = tpu.memref_slice %arg12[%dma_wait3A_126, %dma_wait3A_127] : memref<10112x128xf32, #tpu.memory_space<vmem_shared>> -> memref<10112x128xf32, #tpu.memory_space<vmem_shared>>
        %dma_wait3A_129 = tpu.memref_slice %arg11[%dma_wait3A_122] : memref<2x!tpu.dma_semaphore, #tpu.memory_space<semaphore_mem>> -> memref<1x!tpu.dma_semaphore, #tpu.memory_space<semaphore_mem>>
        %dma_wait3A_130 = tpu.memref_squeeze %dma_wait3A_129 : memref<1x!tpu.dma_semaphore, #tpu.memory_space<semaphore_mem>> -> memref<!tpu.dma_semaphore, #tpu.memory_space<semaphore_mem>>
        tpu.wait_indirect_dma semaphore(%dma_wait3A_130 : memref<!tpu.dma_semaphore, #tpu.memory_space<semaphore_mem>>) src(%arg9 : memref<128x128xf32, #tpu.memory_space<vmem>>) dst(%dma_wait3A_128 : memref<10112x128xf32, #tpu.memory_space<vmem_shared>>)
        %dma_start3A_131 = arith.constant 3 : i32
        %dma_start3A_132 = arith.constant 1 : i32
        %dma_start3A_133 = arith.constant 0 : i32
        %dma_start3A_134 = tpu.memref_slice %arg6[%dma_start3A_131, %dma_start3A_133] : memref<8x128xi32, #tpu.memory_space<vmem>> -> memref<1x128xi32, #tpu.memory_space<vmem>>
        %dma_start3A_135 = tpu.memref_squeeze %dma_start3A_134 : memref<1x128xi32, #tpu.memory_space<vmem>> -> memref<128xi32, #tpu.memory_space<vmem>>
        %dma_start3A_136 = arith.constant 0 : i32
        %dma_start3A_137 = arith.constant 0 : i32
        %dma_start3A_138 = tpu.memref_slice %arg2[%dma_start3A_136, %dma_start3A_137] : memref<10112x128xf32, #tpu.memory_space<hbm>> -> memref<10112x128xf32, #tpu.memory_space<hbm>>
        %dma_start3A_139 = tpu.memref_slice %arg10[%dma_start3A_132] : memref<2x!tpu.dma_semaphore, #tpu.memory_space<semaphore_mem>> -> memref<1x!tpu.dma_semaphore, #tpu.memory_space<semaphore_mem>>
        %dma_start3A_140 = tpu.memref_squeeze %dma_start3A_139 : memref<1x!tpu.dma_semaphore, #tpu.memory_space<semaphore_mem>> -> memref<!tpu.dma_semaphore, #tpu.memory_space<semaphore_mem>>
        tpu.enqueue_indirect_dma source(%dma_start3A_138 : memref<10112x128xf32, #tpu.memory_space<hbm>>) target(%arg9 : memref<128x128xf32, #tpu.memory_space<vmem>>) offsets(%dma_start3A_135 : memref<128xi32, #tpu.memory_space<vmem>>) semaphore(%dma_start3A_140 : memref<!tpu.dma_semaphore, #tpu.memory_space<semaphore_mem>>)
        %dma_wait3A_141 = arith.constant 2 : i32
        %dma_wait3A_142 = arith.constant 0 : i32
        %dma_wait3A_143 = arith.constant 0 : i32
        %dma_wait3A_144 = tpu.memref_slice %arg6[%dma_wait3A_141, %dma_wait3A_143] : memref<8x128xi32, #tpu.memory_space<vmem>> -> memref<1x128xi32, #tpu.memory_space<vmem>>
        %dma_wait3A_145 = tpu.memref_squeeze %dma_wait3A_144 : memref<1x128xi32, #tpu.memory_space<vmem>> -> memref<128xi32, #tpu.memory_space<vmem>>
        %dma_wait3A_146 = arith.constant 0 : i32
        %dma_wait3A_147 = arith.constant 0 : i32
        %dma_wait3A_148 = tpu.memref_slice %arg2[%dma_wait3A_146, %dma_wait3A_147] : memref<10112x128xf32, #tpu.memory_space<hbm>> -> memref<10112x128xf32, #tpu.memory_space<hbm>>
        %dma_wait3A_149 = tpu.memref_slice %arg10[%dma_wait3A_142] : memref<2x!tpu.dma_semaphore, #tpu.memory_space<semaphore_mem>> -> memref<1x!tpu.dma_semaphore, #tpu.memory_space<semaphore_mem>>
        %dma_wait3A_150 = tpu.memref_squeeze %dma_wait3A_149 : memref<1x!tpu.dma_semaphore, #tpu.memory_space<semaphore_mem>> -> memref<!tpu.dma_semaphore, #tpu.memory_space<semaphore_mem>>
        tpu.wait_indirect_dma semaphore(%dma_wait3A_150 : memref<!tpu.dma_semaphore, #tpu.memory_space<semaphore_mem>>) src(%dma_wait3A_148 : memref<10112x128xf32, #tpu.memory_space<hbm>>) dst(%arg8 : memref<128x128xf32, #tpu.memory_space<vmem>>)
        %dma_start3A_151 = arith.constant 2 : i32
        %dma_start3A_152 = arith.constant 0 : i32
        %dma_start3A_153 = arith.constant 0 : i32
        %dma_start3A_154 = tpu.memref_slice %arg7[%dma_start3A_151, %dma_start3A_153] : memref<8x128xi32, #tpu.memory_space<vmem>> -> memref<1x128xi32, #tpu.memory_space<vmem>>
        %dma_start3A_155 = tpu.memref_squeeze %dma_start3A_154 : memref<1x128xi32, #tpu.memory_space<vmem>> -> memref<128xi32, #tpu.memory_space<vmem>>
        %dma_start3A_156 = arith.constant 0 : i32
        %dma_start3A_157 = arith.constant 0 : i32
        %dma_start3A_158 = tpu.memref_slice %arg12[%dma_start3A_156, %dma_start3A_157] : memref<10112x128xf32, #tpu.memory_space<vmem_shared>> -> memref<10112x128xf32, #tpu.memory_space<vmem_shared>>
        %dma_start3A_159 = tpu.memref_slice %arg11[%dma_start3A_152] : memref<2x!tpu.dma_semaphore, #tpu.memory_space<semaphore_mem>> -> memref<1x!tpu.dma_semaphore, #tpu.memory_space<semaphore_mem>>
        %dma_start3A_160 = tpu.memref_squeeze %dma_start3A_159 : memref<1x!tpu.dma_semaphore, #tpu.memory_space<semaphore_mem>> -> memref<!tpu.dma_semaphore, #tpu.memory_space<semaphore_mem>>
        tpu.enqueue_indirect_dma source(%arg8 : memref<128x128xf32, #tpu.memory_space<vmem>>) target(%dma_start3A_158 : memref<10112x128xf32, #tpu.memory_space<vmem_shared>>) offsets(%dma_start3A_155 : memref<128xi32, #tpu.memory_space<vmem>>) semaphore(%dma_start3A_160 : memref<!tpu.dma_semaphore, #tpu.memory_space<semaphore_mem>>) {add = true}
        %dma_wait3A_161 = arith.constant 2 : i32
        %dma_wait3A_162 = arith.constant 0 : i32
        %dma_wait3A_163 = arith.constant 0 : i32
        %dma_wait3A_164 = tpu.memref_slice %arg7[%dma_wait3A_161, %dma_wait3A_163] : memref<8x128xi32, #tpu.memory_space<vmem>> -> memref<1x128xi32, #tpu.memory_space<vmem>>
        %dma_wait3A_165 = tpu.memref_squeeze %dma_wait3A_164 : memref<1x128xi32, #tpu.memory_space<vmem>> -> memref<128xi32, #tpu.memory_space<vmem>>
        %dma_wait3A_166 = arith.constant 0 : i32
        %dma_wait3A_167 = arith.constant 0 : i32
        %dma_wait3A_168 = tpu.memref_slice %arg12[%dma_wait3A_166, %dma_wait3A_167] : memref<10112x128xf32, #tpu.memory_space<vmem_shared>> -> memref<10112x128xf32, #tpu.memory_space<vmem_shared>>
        %dma_wait3A_169 = tpu.memref_slice %arg11[%dma_wait3A_162] : memref<2x!tpu.dma_semaphore, #tpu.memory_space<semaphore_mem>> -> memref<1x!tpu.dma_semaphore, #tpu.memory_space<semaphore_mem>>
        %dma_wait3A_170 = tpu.memref_squeeze %dma_wait3A_169 : memref<1x!tpu.dma_semaphore, #tpu.memory_space<semaphore_mem>> -> memref<!tpu.dma_semaphore, #tpu.memory_space<semaphore_mem>>
        tpu.wait_indirect_dma semaphore(%dma_wait3A_170 : memref<!tpu.dma_semaphore, #tpu.memory_space<semaphore_mem>>) src(%arg8 : memref<128x128xf32, #tpu.memory_space<vmem>>) dst(%dma_wait3A_168 : memref<10112x128xf32, #tpu.memory_space<vmem_shared>>)
        %dma_start3A_171 = arith.constant 4 : i32
        %dma_start3A_172 = arith.constant 0 : i32
        %dma_start3A_173 = arith.constant 0 : i32
        %dma_start3A_174 = tpu.memref_slice %arg6[%dma_start3A_171, %dma_start3A_173] : memref<8x128xi32, #tpu.memory_space<vmem>> -> memref<1x128xi32, #tpu.memory_space<vmem>>
        %dma_start3A_175 = tpu.memref_squeeze %dma_start3A_174 : memref<1x128xi32, #tpu.memory_space<vmem>> -> memref<128xi32, #tpu.memory_space<vmem>>
        %dma_start3A_176 = arith.constant 0 : i32
        %dma_start3A_177 = arith.constant 0 : i32
        %dma_start3A_178 = tpu.memref_slice %arg2[%dma_start3A_176, %dma_start3A_177] : memref<10112x128xf32, #tpu.memory_space<hbm>> -> memref<10112x128xf32, #tpu.memory_space<hbm>>
        %dma_start3A_179 = tpu.memref_slice %arg10[%dma_start3A_172] : memref<2x!tpu.dma_semaphore, #tpu.memory_space<semaphore_mem>> -> memref<1x!tpu.dma_semaphore, #tpu.memory_space<semaphore_mem>>
        %dma_start3A_180 = tpu.memref_squeeze %dma_start3A_179 : memref<1x!tpu.dma_semaphore, #tpu.memory_space<semaphore_mem>> -> memref<!tpu.dma_semaphore, #tpu.memory_space<semaphore_mem>>
        tpu.enqueue_indirect_dma source(%dma_start3A_178 : memref<10112x128xf32, #tpu.memory_space<hbm>>) target(%arg8 : memref<128x128xf32, #tpu.memory_space<vmem>>) offsets(%dma_start3A_175 : memref<128xi32, #tpu.memory_space<vmem>>) semaphore(%dma_start3A_180 : memref<!tpu.dma_semaphore, #tpu.memory_space<semaphore_mem>>)
        %dma_wait3A_181 = arith.constant 3 : i32
        %dma_wait3A_182 = arith.constant 1 : i32
        %dma_wait3A_183 = arith.constant 0 : i32
        %dma_wait3A_184 = tpu.memref_slice %arg6[%dma_wait3A_181, %dma_wait3A_183] : memref<8x128xi32, #tpu.memory_space<vmem>> -> memref<1x128xi32, #tpu.memory_space<vmem>>
        %dma_wait3A_185 = tpu.memref_squeeze %dma_wait3A_184 : memref<1x128xi32, #tpu.memory_space<vmem>> -> memref<128xi32, #tpu.memory_space<vmem>>
        %dma_wait3A_186 = arith.constant 0 : i32
        %dma_wait3A_187 = arith.constant 0 : i32
        %dma_wait3A_188 = tpu.memref_slice %arg2[%dma_wait3A_186, %dma_wait3A_187] : memref<10112x128xf32, #tpu.memory_space<hbm>> -> memref<10112x128xf32, #tpu.memory_space<hbm>>
        %dma_wait3A_189 = tpu.memref_slice %arg10[%dma_wait3A_182] : memref<2x!tpu.dma_semaphore, #tpu.memory_space<semaphore_mem>> -> memref<1x!tpu.dma_semaphore, #tpu.memory_space<semaphore_mem>>
        %dma_wait3A_190 = tpu.memref_squeeze %dma_wait3A_189 : memref<1x!tpu.dma_semaphore, #tpu.memory_space<semaphore_mem>> -> memref<!tpu.dma_semaphore, #tpu.memory_space<semaphore_mem>>
        tpu.wait_indirect_dma semaphore(%dma_wait3A_190 : memref<!tpu.dma_semaphore, #tpu.memory_space<semaphore_mem>>) src(%dma_wait3A_188 : memref<10112x128xf32, #tpu.memory_space<hbm>>) dst(%arg9 : memref<128x128xf32, #tpu.memory_space<vmem>>)
        %dma_start3A_191 = arith.constant 3 : i32
        %dma_start3A_192 = arith.constant 1 : i32
        %dma_start3A_193 = arith.constant 0 : i32
        %dma_start3A_194 = tpu.memref_slice %arg7[%dma_start3A_191, %dma_start3A_193] : memref<8x128xi32, #tpu.memory_space<vmem>> -> memref<1x128xi32, #tpu.memory_space<vmem>>
        %dma_start3A_195 = tpu.memref_squeeze %dma_start3A_194 : memref<1x128xi32, #tpu.memory_space<vmem>> -> memref<128xi32, #tpu.memory_space<vmem>>
        %dma_start3A_196 = arith.constant 0 : i32
        %dma_start3A_197 = arith.constant 0 : i32
        %dma_start3A_198 = tpu.memref_slice %arg12[%dma_start3A_196, %dma_start3A_197] : memref<10112x128xf32, #tpu.memory_space<vmem_shared>> -> memref<10112x128xf32, #tpu.memory_space<vmem_shared>>
        %dma_start3A_199 = tpu.memref_slice %arg11[%dma_start3A_192] : memref<2x!tpu.dma_semaphore, #tpu.memory_space<semaphore_mem>> -> memref<1x!tpu.dma_semaphore, #tpu.memory_space<semaphore_mem>>
        %dma_start3A_200 = tpu.memref_squeeze %dma_start3A_199 : memref<1x!tpu.dma_semaphore, #tpu.memory_space<semaphore_mem>> -> memref<!tpu.dma_semaphore, #tpu.memory_space<semaphore_mem>>
        tpu.enqueue_indirect_dma source(%arg9 : memref<128x128xf32, #tpu.memory_space<vmem>>) target(%dma_start3A_198 : memref<10112x128xf32, #tpu.memory_space<vmem_shared>>) offsets(%dma_start3A_195 : memref<128xi32, #tpu.memory_space<vmem>>) semaphore(%dma_start3A_200 : memref<!tpu.dma_semaphore, #tpu.memory_space<semaphore_mem>>) {add = true}
        %dma_wait3A_201 = arith.constant 3 : i32
        %dma_wait3A_202 = arith.constant 1 : i32
        %dma_wait3A_203 = arith.constant 0 : i32
        %dma_wait3A_204 = tpu.memref_slice %arg7[%dma_wait3A_201, %dma_wait3A_203] : memref<8x128xi32, #tpu.memory_space<vmem>> -> memref<1x128xi32, #tpu.memory_space<vmem>>
        %dma_wait3A_205 = tpu.memref_squeeze %dma_wait3A_204 : memref<1x128xi32, #tpu.memory_space<vmem>> -> memref<128xi32, #tpu.memory_space<vmem>>
        %dma_wait3A_206 = arith.constant 0 : i32
        %dma_wait3A_207 = arith.constant 0 : i32
        %dma_wait3A_208 = tpu.memref_slice %arg12[%dma_wait3A_206, %dma_wait3A_207] : memref<10112x128xf32, #tpu.memory_space<vmem_shared>> -> memref<10112x128xf32, #tpu.memory_space<vmem_shared>>
        %dma_wait3A_209 = tpu.memref_slice %arg11[%dma_wait3A_202] : memref<2x!tpu.dma_semaphore, #tpu.memory_space<semaphore_mem>> -> memref<1x!tpu.dma_semaphore, #tpu.memory_space<semaphore_mem>>
        %dma_wait3A_210 = tpu.memref_squeeze %dma_wait3A_209 : memref<1x!tpu.dma_semaphore, #tpu.memory_space<semaphore_mem>> -> memref<!tpu.dma_semaphore, #tpu.memory_space<semaphore_mem>>
        tpu.wait_indirect_dma semaphore(%dma_wait3A_210 : memref<!tpu.dma_semaphore, #tpu.memory_space<semaphore_mem>>) src(%arg9 : memref<128x128xf32, #tpu.memory_space<vmem>>) dst(%dma_wait3A_208 : memref<10112x128xf32, #tpu.memory_space<vmem_shared>>)
        %dma_start3A_211 = arith.constant 5 : i32
        %dma_start3A_212 = arith.constant 1 : i32
        %dma_start3A_213 = arith.constant 0 : i32
        %dma_start3A_214 = tpu.memref_slice %arg6[%dma_start3A_211, %dma_start3A_213] : memref<8x128xi32, #tpu.memory_space<vmem>> -> memref<1x128xi32, #tpu.memory_space<vmem>>
        %dma_start3A_215 = tpu.memref_squeeze %dma_start3A_214 : memref<1x128xi32, #tpu.memory_space<vmem>> -> memref<128xi32, #tpu.memory_space<vmem>>
        %dma_start3A_216 = arith.constant 0 : i32
        %dma_start3A_217 = arith.constant 0 : i32
        %dma_start3A_218 = tpu.memref_slice %arg2[%dma_start3A_216, %dma_start3A_217] : memref<10112x128xf32, #tpu.memory_space<hbm>> -> memref<10112x128xf32, #tpu.memory_space<hbm>>
        %dma_start3A_219 = tpu.memref_slice %arg10[%dma_start3A_212] : memref<2x!tpu.dma_semaphore, #tpu.memory_space<semaphore_mem>> -> memref<1x!tpu.dma_semaphore, #tpu.memory_space<semaphore_mem>>
        %dma_start3A_220 = tpu.memref_squeeze %dma_start3A_219 : memref<1x!tpu.dma_semaphore, #tpu.memory_space<semaphore_mem>> -> memref<!tpu.dma_semaphore, #tpu.memory_space<semaphore_mem>>
        tpu.enqueue_indirect_dma source(%dma_start3A_218 : memref<10112x128xf32, #tpu.memory_space<hbm>>) target(%arg9 : memref<128x128xf32, #tpu.memory_space<vmem>>) offsets(%dma_start3A_215 : memref<128xi32, #tpu.memory_space<vmem>>) semaphore(%dma_start3A_220 : memref<!tpu.dma_semaphore, #tpu.memory_space<semaphore_mem>>)
        %dma_wait3A_221 = arith.constant 4 : i32
        %dma_wait3A_222 = arith.constant 0 : i32
        %dma_wait3A_223 = arith.constant 0 : i32
        %dma_wait3A_224 = tpu.memref_slice %arg6[%dma_wait3A_221, %dma_wait3A_223] : memref<8x128xi32, #tpu.memory_space<vmem>> -> memref<1x128xi32, #tpu.memory_space<vmem>>
        %dma_wait3A_225 = tpu.memref_squeeze %dma_wait3A_224 : memref<1x128xi32, #tpu.memory_space<vmem>> -> memref<128xi32, #tpu.memory_space<vmem>>
        %dma_wait3A_226 = arith.constant 0 : i32
        %dma_wait3A_227 = arith.constant 0 : i32
        %dma_wait3A_228 = tpu.memref_slice %arg2[%dma_wait3A_226, %dma_wait3A_227] : memref<10112x128xf32, #tpu.memory_space<hbm>> -> memref<10112x128xf32, #tpu.memory_space<hbm>>
        %dma_wait3A_229 = tpu.memref_slice %arg10[%dma_wait3A_222] : memref<2x!tpu.dma_semaphore, #tpu.memory_space<semaphore_mem>> -> memref<1x!tpu.dma_semaphore, #tpu.memory_space<semaphore_mem>>
        %dma_wait3A_230 = tpu.memref_squeeze %dma_wait3A_229 : memref<1x!tpu.dma_semaphore, #tpu.memory_space<semaphore_mem>> -> memref<!tpu.dma_semaphore, #tpu.memory_space<semaphore_mem>>
        tpu.wait_indirect_dma semaphore(%dma_wait3A_230 : memref<!tpu.dma_semaphore, #tpu.memory_space<semaphore_mem>>) src(%dma_wait3A_228 : memref<10112x128xf32, #tpu.memory_space<hbm>>) dst(%arg8 : memref<128x128xf32, #tpu.memory_space<vmem>>)
        %dma_start3A_231 = arith.constant 4 : i32
        %dma_start3A_232 = arith.constant 0 : i32
        %dma_start3A_233 = arith.constant 0 : i32
        %dma_start3A_234 = tpu.memref_slice %arg7[%dma_start3A_231, %dma_start3A_233] : memref<8x128xi32, #tpu.memory_space<vmem>> -> memref<1x128xi32, #tpu.memory_space<vmem>>
        %dma_start3A_235 = tpu.memref_squeeze %dma_start3A_234 : memref<1x128xi32, #tpu.memory_space<vmem>> -> memref<128xi32, #tpu.memory_space<vmem>>
        %dma_start3A_236 = arith.constant 0 : i32
        %dma_start3A_237 = arith.constant 0 : i32
        %dma_start3A_238 = tpu.memref_slice %arg12[%dma_start3A_236, %dma_start3A_237] : memref<10112x128xf32, #tpu.memory_space<vmem_shared>> -> memref<10112x128xf32, #tpu.memory_space<vmem_shared>>
        %dma_start3A_239 = tpu.memref_slice %arg11[%dma_start3A_232] : memref<2x!tpu.dma_semaphore, #tpu.memory_space<semaphore_mem>> -> memref<1x!tpu.dma_semaphore, #tpu.memory_space<semaphore_mem>>
        %dma_start3A_240 = tpu.memref_squeeze %dma_start3A_239 : memref<1x!tpu.dma_semaphore, #tpu.memory_space<semaphore_mem>> -> memref<!tpu.dma_semaphore, #tpu.memory_space<semaphore_mem>>
        tpu.enqueue_indirect_dma source(%arg8 : memref<128x128xf32, #tpu.memory_space<vmem>>) target(%dma_start3A_238 : memref<10112x128xf32, #tpu.memory_space<vmem_shared>>) offsets(%dma_start3A_235 : memref<128xi32, #tpu.memory_space<vmem>>) semaphore(%dma_start3A_240 : memref<!tpu.dma_semaphore, #tpu.memory_space<semaphore_mem>>) {add = true}
        %dma_wait3A_241 = arith.constant 4 : i32
        %dma_wait3A_242 = arith.constant 0 : i32
        %dma_wait3A_243 = arith.constant 0 : i32
        %dma_wait3A_244 = tpu.memref_slice %arg7[%dma_wait3A_241, %dma_wait3A_243] : memref<8x128xi32, #tpu.memory_space<vmem>> -> memref<1x128xi32, #tpu.memory_space<vmem>>
        %dma_wait3A_245 = tpu.memref_squeeze %dma_wait3A_244 : memref<1x128xi32, #tpu.memory_space<vmem>> -> memref<128xi32, #tpu.memory_space<vmem>>
        %dma_wait3A_246 = arith.constant 0 : i32
        %dma_wait3A_247 = arith.constant 0 : i32
        %dma_wait3A_248 = tpu.memref_slice %arg12[%dma_wait3A_246, %dma_wait3A_247] : memref<10112x128xf32, #tpu.memory_space<vmem_shared>> -> memref<10112x128xf32, #tpu.memory_space<vmem_shared>>
        %dma_wait3A_249 = tpu.memref_slice %arg11[%dma_wait3A_242] : memref<2x!tpu.dma_semaphore, #tpu.memory_space<semaphore_mem>> -> memref<1x!tpu.dma_semaphore, #tpu.memory_space<semaphore_mem>>
        %dma_wait3A_250 = tpu.memref_squeeze %dma_wait3A_249 : memref<1x!tpu.dma_semaphore, #tpu.memory_space<semaphore_mem>> -> memref<!tpu.dma_semaphore, #tpu.memory_space<semaphore_mem>>
        tpu.wait_indirect_dma semaphore(%dma_wait3A_250 : memref<!tpu.dma_semaphore, #tpu.memory_space<semaphore_mem>>) src(%arg8 : memref<128x128xf32, #tpu.memory_space<vmem>>) dst(%dma_wait3A_248 : memref<10112x128xf32, #tpu.memory_space<vmem_shared>>)
        %dma_start3A_251 = arith.constant 6 : i32
        %dma_start3A_252 = arith.constant 0 : i32
        %dma_start3A_253 = arith.constant 0 : i32
        %dma_start3A_254 = tpu.memref_slice %arg6[%dma_start3A_251, %dma_start3A_253] : memref<8x128xi32, #tpu.memory_space<vmem>> -> memref<1x128xi32, #tpu.memory_space<vmem>>
        %dma_start3A_255 = tpu.memref_squeeze %dma_start3A_254 : memref<1x128xi32, #tpu.memory_space<vmem>> -> memref<128xi32, #tpu.memory_space<vmem>>
        %dma_start3A_256 = arith.constant 0 : i32
        %dma_start3A_257 = arith.constant 0 : i32
        %dma_start3A_258 = tpu.memref_slice %arg2[%dma_start3A_256, %dma_start3A_257] : memref<10112x128xf32, #tpu.memory_space<hbm>> -> memref<10112x128xf32, #tpu.memory_space<hbm>>
        %dma_start3A_259 = tpu.memref_slice %arg10[%dma_start3A_252] : memref<2x!tpu.dma_semaphore, #tpu.memory_space<semaphore_mem>> -> memref<1x!tpu.dma_semaphore, #tpu.memory_space<semaphore_mem>>
        %dma_start3A_260 = tpu.memref_squeeze %dma_start3A_259 : memref<1x!tpu.dma_semaphore, #tpu.memory_space<semaphore_mem>> -> memref<!tpu.dma_semaphore, #tpu.memory_space<semaphore_mem>>
        tpu.enqueue_indirect_dma source(%dma_start3A_258 : memref<10112x128xf32, #tpu.memory_space<hbm>>) target(%arg8 : memref<128x128xf32, #tpu.memory_space<vmem>>) offsets(%dma_start3A_255 : memref<128xi32, #tpu.memory_space<vmem>>) semaphore(%dma_start3A_260 : memref<!tpu.dma_semaphore, #tpu.memory_space<semaphore_mem>>)
        %dma_wait3A_261 = arith.constant 5 : i32
        %dma_wait3A_262 = arith.constant 1 : i32
        %dma_wait3A_263 = arith.constant 0 : i32
        %dma_wait3A_264 = tpu.memref_slice %arg6[%dma_wait3A_261, %dma_wait3A_263] : memref<8x128xi32, #tpu.memory_space<vmem>> -> memref<1x128xi32, #tpu.memory_space<vmem>>
        %dma_wait3A_265 = tpu.memref_squeeze %dma_wait3A_264 : memref<1x128xi32, #tpu.memory_space<vmem>> -> memref<128xi32, #tpu.memory_space<vmem>>
        %dma_wait3A_266 = arith.constant 0 : i32
        %dma_wait3A_267 = arith.constant 0 : i32
        %dma_wait3A_268 = tpu.memref_slice %arg2[%dma_wait3A_266, %dma_wait3A_267] : memref<10112x128xf32, #tpu.memory_space<hbm>> -> memref<10112x128xf32, #tpu.memory_space<hbm>>
        %dma_wait3A_269 = tpu.memref_slice %arg10[%dma_wait3A_262] : memref<2x!tpu.dma_semaphore, #tpu.memory_space<semaphore_mem>> -> memref<1x!tpu.dma_semaphore, #tpu.memory_space<semaphore_mem>>
        %dma_wait3A_270 = tpu.memref_squeeze %dma_wait3A_269 : memref<1x!tpu.dma_semaphore, #tpu.memory_space<semaphore_mem>> -> memref<!tpu.dma_semaphore, #tpu.memory_space<semaphore_mem>>
        tpu.wait_indirect_dma semaphore(%dma_wait3A_270 : memref<!tpu.dma_semaphore, #tpu.memory_space<semaphore_mem>>) src(%dma_wait3A_268 : memref<10112x128xf32, #tpu.memory_space<hbm>>) dst(%arg9 : memref<128x128xf32, #tpu.memory_space<vmem>>)
        %dma_start3A_271 = arith.constant 5 : i32
        %dma_start3A_272 = arith.constant 1 : i32
        %dma_start3A_273 = arith.constant 0 : i32
        %dma_start3A_274 = tpu.memref_slice %arg7[%dma_start3A_271, %dma_start3A_273] : memref<8x128xi32, #tpu.memory_space<vmem>> -> memref<1x128xi32, #tpu.memory_space<vmem>>
        %dma_start3A_275 = tpu.memref_squeeze %dma_start3A_274 : memref<1x128xi32, #tpu.memory_space<vmem>> -> memref<128xi32, #tpu.memory_space<vmem>>
        %dma_start3A_276 = arith.constant 0 : i32
        %dma_start3A_277 = arith.constant 0 : i32
        %dma_start3A_278 = tpu.memref_slice %arg12[%dma_start3A_276, %dma_start3A_277] : memref<10112x128xf32, #tpu.memory_space<vmem_shared>> -> memref<10112x128xf32, #tpu.memory_space<vmem_shared>>
        %dma_start3A_279 = tpu.memref_slice %arg11[%dma_start3A_272] : memref<2x!tpu.dma_semaphore, #tpu.memory_space<semaphore_mem>> -> memref<1x!tpu.dma_semaphore, #tpu.memory_space<semaphore_mem>>
        %dma_start3A_280 = tpu.memref_squeeze %dma_start3A_279 : memref<1x!tpu.dma_semaphore, #tpu.memory_space<semaphore_mem>> -> memref<!tpu.dma_semaphore, #tpu.memory_space<semaphore_mem>>
        tpu.enqueue_indirect_dma source(%arg9 : memref<128x128xf32, #tpu.memory_space<vmem>>) target(%dma_start3A_278 : memref<10112x128xf32, #tpu.memory_space<vmem_shared>>) offsets(%dma_start3A_275 : memref<128xi32, #tpu.memory_space<vmem>>) semaphore(%dma_start3A_280 : memref<!tpu.dma_semaphore, #tpu.memory_space<semaphore_mem>>) {add = true}
        %dma_wait3A_281 = arith.constant 5 : i32
        %dma_wait3A_282 = arith.constant 1 : i32
        %dma_wait3A_283 = arith.constant 0 : i32
        %dma_wait3A_284 = tpu.memref_slice %arg7[%dma_wait3A_281, %dma_wait3A_283] : memref<8x128xi32, #tpu.memory_space<vmem>> -> memref<1x128xi32, #tpu.memory_space<vmem>>
        %dma_wait3A_285 = tpu.memref_squeeze %dma_wait3A_284 : memref<1x128xi32, #tpu.memory_space<vmem>> -> memref<128xi32, #tpu.memory_space<vmem>>
        %dma_wait3A_286 = arith.constant 0 : i32
        %dma_wait3A_287 = arith.constant 0 : i32
        %dma_wait3A_288 = tpu.memref_slice %arg12[%dma_wait3A_286, %dma_wait3A_287] : memref<10112x128xf32, #tpu.memory_space<vmem_shared>> -> memref<10112x128xf32, #tpu.memory_space<vmem_shared>>
        %dma_wait3A_289 = tpu.memref_slice %arg11[%dma_wait3A_282] : memref<2x!tpu.dma_semaphore, #tpu.memory_space<semaphore_mem>> -> memref<1x!tpu.dma_semaphore, #tpu.memory_space<semaphore_mem>>
        %dma_wait3A_290 = tpu.memref_squeeze %dma_wait3A_289 : memref<1x!tpu.dma_semaphore, #tpu.memory_space<semaphore_mem>> -> memref<!tpu.dma_semaphore, #tpu.memory_space<semaphore_mem>>
        tpu.wait_indirect_dma semaphore(%dma_wait3A_290 : memref<!tpu.dma_semaphore, #tpu.memory_space<semaphore_mem>>) src(%arg9 : memref<128x128xf32, #tpu.memory_space<vmem>>) dst(%dma_wait3A_288 : memref<10112x128xf32, #tpu.memory_space<vmem_shared>>)
        %dma_start3A_291 = arith.constant 7 : i32
        %dma_start3A_292 = arith.constant 1 : i32
        %dma_start3A_293 = arith.constant 0 : i32
        %dma_start3A_294 = tpu.memref_slice %arg6[%dma_start3A_291, %dma_start3A_293] : memref<8x128xi32, #tpu.memory_space<vmem>> -> memref<1x128xi32, #tpu.memory_space<vmem>>
        %dma_start3A_295 = tpu.memref_squeeze %dma_start3A_294 : memref<1x128xi32, #tpu.memory_space<vmem>> -> memref<128xi32, #tpu.memory_space<vmem>>
        %dma_start3A_296 = arith.constant 0 : i32
        %dma_start3A_297 = arith.constant 0 : i32
        %dma_start3A_298 = tpu.memref_slice %arg2[%dma_start3A_296, %dma_start3A_297] : memref<10112x128xf32, #tpu.memory_space<hbm>> -> memref<10112x128xf32, #tpu.memory_space<hbm>>
        %dma_start3A_299 = tpu.memref_slice %arg10[%dma_start3A_292] : memref<2x!tpu.dma_semaphore, #tpu.memory_space<semaphore_mem>> -> memref<1x!tpu.dma_semaphore, #tpu.memory_space<semaphore_mem>>
        %dma_start3A_300 = tpu.memref_squeeze %dma_start3A_299 : memref<1x!tpu.dma_semaphore, #tpu.memory_space<semaphore_mem>> -> memref<!tpu.dma_semaphore, #tpu.memory_space<semaphore_mem>>
        tpu.enqueue_indirect_dma source(%dma_start3A_298 : memref<10112x128xf32, #tpu.memory_space<hbm>>) target(%arg9 : memref<128x128xf32, #tpu.memory_space<vmem>>) offsets(%dma_start3A_295 : memref<128xi32, #tpu.memory_space<vmem>>) semaphore(%dma_start3A_300 : memref<!tpu.dma_semaphore, #tpu.memory_space<semaphore_mem>>)
        %dma_wait3A_301 = arith.constant 6 : i32
        %dma_wait3A_302 = arith.constant 0 : i32
        %dma_wait3A_303 = arith.constant 0 : i32
        %dma_wait3A_304 = tpu.memref_slice %arg6[%dma_wait3A_301, %dma_wait3A_303] : memref<8x128xi32, #tpu.memory_space<vmem>> -> memref<1x128xi32, #tpu.memory_space<vmem>>
        %dma_wait3A_305 = tpu.memref_squeeze %dma_wait3A_304 : memref<1x128xi32, #tpu.memory_space<vmem>> -> memref<128xi32, #tpu.memory_space<vmem>>
        %dma_wait3A_306 = arith.constant 0 : i32
        %dma_wait3A_307 = arith.constant 0 : i32
        %dma_wait3A_308 = tpu.memref_slice %arg2[%dma_wait3A_306, %dma_wait3A_307] : memref<10112x128xf32, #tpu.memory_space<hbm>> -> memref<10112x128xf32, #tpu.memory_space<hbm>>
        %dma_wait3A_309 = tpu.memref_slice %arg10[%dma_wait3A_302] : memref<2x!tpu.dma_semaphore, #tpu.memory_space<semaphore_mem>> -> memref<1x!tpu.dma_semaphore, #tpu.memory_space<semaphore_mem>>
        %dma_wait3A_310 = tpu.memref_squeeze %dma_wait3A_309 : memref<1x!tpu.dma_semaphore, #tpu.memory_space<semaphore_mem>> -> memref<!tpu.dma_semaphore, #tpu.memory_space<semaphore_mem>>
        tpu.wait_indirect_dma semaphore(%dma_wait3A_310 : memref<!tpu.dma_semaphore, #tpu.memory_space<semaphore_mem>>) src(%dma_wait3A_308 : memref<10112x128xf32, #tpu.memory_space<hbm>>) dst(%arg8 : memref<128x128xf32, #tpu.memory_space<vmem>>)
        %dma_start3A_311 = arith.constant 6 : i32
        %dma_start3A_312 = arith.constant 0 : i32
        %dma_start3A_313 = arith.constant 0 : i32
        %dma_start3A_314 = tpu.memref_slice %arg7[%dma_start3A_311, %dma_start3A_313] : memref<8x128xi32, #tpu.memory_space<vmem>> -> memref<1x128xi32, #tpu.memory_space<vmem>>
        %dma_start3A_315 = tpu.memref_squeeze %dma_start3A_314 : memref<1x128xi32, #tpu.memory_space<vmem>> -> memref<128xi32, #tpu.memory_space<vmem>>
        %dma_start3A_316 = arith.constant 0 : i32
        %dma_start3A_317 = arith.constant 0 : i32
        %dma_start3A_318 = tpu.memref_slice %arg12[%dma_start3A_316, %dma_start3A_317] : memref<10112x128xf32, #tpu.memory_space<vmem_shared>> -> memref<10112x128xf32, #tpu.memory_space<vmem_shared>>
        %dma_start3A_319 = tpu.memref_slice %arg11[%dma_start3A_312] : memref<2x!tpu.dma_semaphore, #tpu.memory_space<semaphore_mem>> -> memref<1x!tpu.dma_semaphore, #tpu.memory_space<semaphore_mem>>
        %dma_start3A_320 = tpu.memref_squeeze %dma_start3A_319 : memref<1x!tpu.dma_semaphore, #tpu.memory_space<semaphore_mem>> -> memref<!tpu.dma_semaphore, #tpu.memory_space<semaphore_mem>>
        tpu.enqueue_indirect_dma source(%arg8 : memref<128x128xf32, #tpu.memory_space<vmem>>) target(%dma_start3A_318 : memref<10112x128xf32, #tpu.memory_space<vmem_shared>>) offsets(%dma_start3A_315 : memref<128xi32, #tpu.memory_space<vmem>>) semaphore(%dma_start3A_320 : memref<!tpu.dma_semaphore, #tpu.memory_space<semaphore_mem>>) {add = true}
        %dma_wait3A_321 = arith.constant 6 : i32
        %dma_wait3A_322 = arith.constant 0 : i32
        %dma_wait3A_323 = arith.constant 0 : i32
        %dma_wait3A_324 = tpu.memref_slice %arg7[%dma_wait3A_321, %dma_wait3A_323] : memref<8x128xi32, #tpu.memory_space<vmem>> -> memref<1x128xi32, #tpu.memory_space<vmem>>
        %dma_wait3A_325 = tpu.memref_squeeze %dma_wait3A_324 : memref<1x128xi32, #tpu.memory_space<vmem>> -> memref<128xi32, #tpu.memory_space<vmem>>
        %dma_wait3A_326 = arith.constant 0 : i32
        %dma_wait3A_327 = arith.constant 0 : i32
        %dma_wait3A_328 = tpu.memref_slice %arg12[%dma_wait3A_326, %dma_wait3A_327] : memref<10112x128xf32, #tpu.memory_space<vmem_shared>> -> memref<10112x128xf32, #tpu.memory_space<vmem_shared>>
        %dma_wait3A_329 = tpu.memref_slice %arg11[%dma_wait3A_322] : memref<2x!tpu.dma_semaphore, #tpu.memory_space<semaphore_mem>> -> memref<1x!tpu.dma_semaphore, #tpu.memory_space<semaphore_mem>>
        %dma_wait3A_330 = tpu.memref_squeeze %dma_wait3A_329 : memref<1x!tpu.dma_semaphore, #tpu.memory_space<semaphore_mem>> -> memref<!tpu.dma_semaphore, #tpu.memory_space<semaphore_mem>>
        tpu.wait_indirect_dma semaphore(%dma_wait3A_330 : memref<!tpu.dma_semaphore, #tpu.memory_space<semaphore_mem>>) src(%arg8 : memref<128x128xf32, #tpu.memory_space<vmem>>) dst(%dma_wait3A_328 : memref<10112x128xf32, #tpu.memory_space<vmem_shared>>)
        %dma_wait3A_331 = arith.constant 7 : i32
        %dma_wait3A_332 = arith.constant 1 : i32
        %dma_wait3A_333 = arith.constant 0 : i32
        %dma_wait3A_334 = tpu.memref_slice %arg6[%dma_wait3A_331, %dma_wait3A_333] : memref<8x128xi32, #tpu.memory_space<vmem>> -> memref<1x128xi32, #tpu.memory_space<vmem>>
        %dma_wait3A_335 = tpu.memref_squeeze %dma_wait3A_334 : memref<1x128xi32, #tpu.memory_space<vmem>> -> memref<128xi32, #tpu.memory_space<vmem>>
        %dma_wait3A_336 = arith.constant 0 : i32
        %dma_wait3A_337 = arith.constant 0 : i32
        %dma_wait3A_338 = tpu.memref_slice %arg2[%dma_wait3A_336, %dma_wait3A_337] : memref<10112x128xf32, #tpu.memory_space<hbm>> -> memref<10112x128xf32, #tpu.memory_space<hbm>>
        %dma_wait3A_339 = tpu.memref_slice %arg10[%dma_wait3A_332] : memref<2x!tpu.dma_semaphore, #tpu.memory_space<semaphore_mem>> -> memref<1x!tpu.dma_semaphore, #tpu.memory_space<semaphore_mem>>
        %dma_wait3A_340 = tpu.memref_squeeze %dma_wait3A_339 : memref<1x!tpu.dma_semaphore, #tpu.memory_space<semaphore_mem>> -> memref<!tpu.dma_semaphore, #tpu.memory_space<semaphore_mem>>
        tpu.wait_indirect_dma semaphore(%dma_wait3A_340 : memref<!tpu.dma_semaphore, #tpu.memory_space<semaphore_mem>>) src(%dma_wait3A_338 : memref<10112x128xf32, #tpu.memory_space<hbm>>) dst(%arg9 : memref<128x128xf32, #tpu.memory_space<vmem>>)
        %dma_start3A_341 = arith.constant 7 : i32
        %dma_start3A_342 = arith.constant 1 : i32
        %dma_start3A_343 = arith.constant 0 : i32
        %dma_start3A_344 = tpu.memref_slice %arg7[%dma_start3A_341, %dma_start3A_343] : memref<8x128xi32, #tpu.memory_space<vmem>> -> memref<1x128xi32, #tpu.memory_space<vmem>>
        %dma_start3A_345 = tpu.memref_squeeze %dma_start3A_344 : memref<1x128xi32, #tpu.memory_space<vmem>> -> memref<128xi32, #tpu.memory_space<vmem>>
        %dma_start3A_346 = arith.constant 0 : i32
        %dma_start3A_347 = arith.constant 0 : i32
        %dma_start3A_348 = tpu.memref_slice %arg12[%dma_start3A_346, %dma_start3A_347] : memref<10112x128xf32, #tpu.memory_space<vmem_shared>> -> memref<10112x128xf32, #tpu.memory_space<vmem_shared>>
        %dma_start3A_349 = tpu.memref_slice %arg11[%dma_start3A_342] : memref<2x!tpu.dma_semaphore, #tpu.memory_space<semaphore_mem>> -> memref<1x!tpu.dma_semaphore, #tpu.memory_space<semaphore_mem>>
        %dma_start3A_350 = tpu.memref_squeeze %dma_start3A_349 : memref<1x!tpu.dma_semaphore, #tpu.memory_space<semaphore_mem>> -> memref<!tpu.dma_semaphore, #tpu.memory_space<semaphore_mem>>
        tpu.enqueue_indirect_dma source(%arg9 : memref<128x128xf32, #tpu.memory_space<vmem>>) target(%dma_start3A_348 : memref<10112x128xf32, #tpu.memory_space<vmem_shared>>) offsets(%dma_start3A_345 : memref<128xi32, #tpu.memory_space<vmem>>) semaphore(%dma_start3A_350 : memref<!tpu.dma_semaphore, #tpu.memory_space<semaphore_mem>>) {add = true}
        %dma_wait3A_351 = arith.constant 7 : i32
        %dma_wait3A_352 = arith.constant 1 : i32
        %dma_wait3A_353 = arith.constant 0 : i32
        %dma_wait3A_354 = tpu.memref_slice %arg7[%dma_wait3A_351, %dma_wait3A_353] : memref<8x128xi32, #tpu.memory_space<vmem>> -> memref<1x128xi32, #tpu.memory_space<vmem>>
        %dma_wait3A_355 = tpu.memref_squeeze %dma_wait3A_354 : memref<1x128xi32, #tpu.memory_space<vmem>> -> memref<128xi32, #tpu.memory_space<vmem>>
        %dma_wait3A_356 = arith.constant 0 : i32
        %dma_wait3A_357 = arith.constant 0 : i32
        %dma_wait3A_358 = tpu.memref_slice %arg12[%dma_wait3A_356, %dma_wait3A_357] : memref<10112x128xf32, #tpu.memory_space<vmem_shared>> -> memref<10112x128xf32, #tpu.memory_space<vmem_shared>>
        %dma_wait3A_359 = tpu.memref_slice %arg11[%dma_wait3A_352] : memref<2x!tpu.dma_semaphore, #tpu.memory_space<semaphore_mem>> -> memref<1x!tpu.dma_semaphore, #tpu.memory_space<semaphore_mem>>
        %dma_wait3A_360 = tpu.memref_squeeze %dma_wait3A_359 : memref<1x!tpu.dma_semaphore, #tpu.memory_space<semaphore_mem>> -> memref<!tpu.dma_semaphore, #tpu.memory_space<semaphore_mem>>
        tpu.wait_indirect_dma semaphore(%dma_wait3A_360 : memref<!tpu.dma_semaphore, #tpu.memory_space<semaphore_mem>>) src(%arg9 : memref<128x128xf32, #tpu.memory_space<vmem>>) dst(%dma_wait3A_358 : memref<10112x128xf32, #tpu.memory_space<vmem_shared>>)
      } else {
      }
    }
    %scan3A_32 = arith.constant 19 : i32
    %barrier3A_33 = arith.constant 0 : index
    tpu.barrier barrier_id(%barrier3A_33)
    "tpu.region"() ({
      %run_scoped3A = tpu.sem_alloc : memref<!tpu.dma_semaphore, #tpu.memory_space<semaphore_mem>>
      %dma_start3A = arith.constant 0 : i32
      %dma_start3A_34 = arith.constant 0 : i32
      %dma_start3A_35 = tpu.memref_slice %arg5[%arg0, %dma_start3A, %dma_start3A_34] : memref<2x10112x128xf32, #tpu.memory_space<hbm>> -> memref<1x10112x128xf32, #tpu.memory_space<hbm>>
      %dma_start3A_36 = tpu.memref_squeeze %dma_start3A_35 : memref<1x10112x128xf32, #tpu.memory_space<hbm>> -> memref<10112x128xf32, #tpu.memory_space<hbm>>
      %dma_start3A_37 = arith.constant 0 : i32
      %dma_start3A_38 = tpu.memref_slice %dma_start3A_36[%mul3A_6, %dma_start3A_37] : memref<10112x128xf32, #tpu.memory_space<hbm>> -> memref<632x128xf32, #tpu.memory_space<hbm>>
      %dma_start3A_39 = arith.constant 0 : i32
      %dma_start3A_40 = tpu.memref_slice %arg12[%mul3A_6, %dma_start3A_39] : memref<10112x128xf32, #tpu.memory_space<vmem_shared>> -> memref<632x128xf32, #tpu.memory_space<vmem_shared>>
      tpu.enqueue_dma source(%dma_start3A_40 : memref<632x128xf32, #tpu.memory_space<vmem_shared>>) target(%dma_start3A_38 : memref<632x128xf32, #tpu.memory_space<hbm>>) target_semaphore(%run_scoped3A : memref<!tpu.dma_semaphore, #tpu.memory_space<semaphore_mem>>)
      %dma_wait3A = arith.constant 0 : i32
      %dma_wait3A_41 = arith.constant 0 : i32
      %dma_wait3A_42 = tpu.memref_slice %arg5[%arg0, %dma_wait3A, %dma_wait3A_41] : memref<2x10112x128xf32, #tpu.memory_space<hbm>> -> memref<1x10112x128xf32, #tpu.memory_space<hbm>>
      %dma_wait3A_43 = tpu.memref_squeeze %dma_wait3A_42 : memref<1x10112x128xf32, #tpu.memory_space<hbm>> -> memref<10112x128xf32, #tpu.memory_space<hbm>>
      %dma_wait3A_44 = arith.constant 0 : i32
      %dma_wait3A_45 = tpu.memref_slice %dma_wait3A_43[%mul3A_6, %dma_wait3A_44] : memref<10112x128xf32, #tpu.memory_space<hbm>> -> memref<632x128xf32, #tpu.memory_space<hbm>>
      %dma_wait3A_46 = arith.constant 0 : i32
      %dma_wait3A_47 = tpu.memref_slice %arg12[%mul3A_6, %dma_wait3A_46] : memref<10112x128xf32, #tpu.memory_space<vmem_shared>> -> memref<632x128xf32, #tpu.memory_space<vmem_shared>>
      tpu.wait_dma2 semaphore(%run_scoped3A : memref<!tpu.dma_semaphore, #tpu.memory_space<semaphore_mem>>) src(%dma_wait3A_47 : memref<632x128xf32, #tpu.memory_space<vmem_shared>>) dst(%dma_wait3A_45 : memref<632x128xf32, #tpu.memory_space<hbm>>)
      tpu.yield
    }) : () -> ()
    return
  }
}

module attributes {stable_mosaic.version = 14 : i64} {
  func.func @_mm_body(%arg0: memref<10112x128xf32, #tpu.memory_space<vmem>>, %arg1: memref<128x128xf32, #tpu.memory_space<vmem>>, %arg2: memref<10112x128xf32, #tpu.memory_space<vmem>>) attributes {dimension_semantics = [], scalar_prefetch = 0 : i64, scratch_operands = 0 : i64, tpu.core_type = #tpu.core_type<tc>} {
    %get3A = arith.constant 0 : index
    %get3A_0 = arith.constant 0 : index
    %get3A_1 = vector.load %arg0[%get3A, %get3A_0] : memref<10112x128xf32, #tpu.memory_space<vmem>>, vector<10112x128xf32>
    %get3A_2 = arith.constant 0 : index
    %get3A_3 = arith.constant 0 : index
    %get3A_4 = vector.load %arg1[%get3A_2, %get3A_3] : memref<128x128xf32, #tpu.memory_space<vmem>>, vector<128x128xf32>
    %dot_general3A = arith.constant dense<0.000000e+00> : vector<10112x128xf32>
    %dot_general3A_5 = tpu.matmul %get3A_1, %get3A_4, %dot_general3A {dimension_numbers = #tpu.dot_dimension_numbers<[1], [0], [0], [1], [0, 0, 1, 1], [], []>, transpose_lhs_hint = false} : vector<10112x128xf32>, vector<128x128xf32>, vector<10112x128xf32> -> vector<10112x128xf32>
    %swap3A = arith.constant 0 : index
    %swap3A_6 = arith.constant 0 : index
    %swap3A_7 = vector.load %arg2[%swap3A, %swap3A_6] : memref<10112x128xf32, #tpu.memory_space<vmem>>, vector<10112x128xf32>
    tpu.vector_store %arg2[%swap3A, %swap3A_6], %dot_general3A_5 {strides = array<i32>} : memref<10112x128xf32, #tpu.memory_space<vmem>>, vector<10112x128xf32>,
    return
  }
}

module attributes {stable_mosaic.version = 14 : i64} {
  func.func @_q_body(%arg0: memref<2x10112x128xf32, #tpu.memory_space<vmem>>, %arg1: memref<10112x128xf32, #tpu.memory_space<vmem>>, %arg2: memref<10112x128xf32, #tpu.memory_space<vmem>>) attributes {dimension_semantics = [], scalar_prefetch = 0 : i64, scratch_operands = 0 : i64, tpu.core_type = #tpu.core_type<tc>} {
    %get3A = arith.constant 0 : index
    %get3A_0 = arith.constant 0 : index
    %get3A_1 = arith.constant 0 : index
    %get3A_2 = vector.load %arg0[%get3A, %get3A_0, %get3A_1] : memref<2x10112x128xf32, #tpu.memory_space<vmem>>, vector<2x10112x128xf32>
    %slice3A = vector.extract_strided_slice %get3A_2 {offsets = [0, 0, 0], sizes = [1, 10112, 1], strides = [1, 1, 1]} : vector<2x10112x128xf32> to vector<1x10112x1xf32>
    %squeeze3A = vector.shape_cast %slice3A : vector<1x10112x1xf32> to vector<10112x1xf32>
    %slice3A_3 = vector.extract_strided_slice %get3A_2 {offsets = [1, 0, 0], sizes = [1, 10112, 1], strides = [1, 1, 1]} : vector<2x10112x128xf32> to vector<1x10112x1xf32>
    %squeeze3A_4 = vector.shape_cast %slice3A_3 : vector<1x10112x1xf32> to vector<10112x1xf32>
    %add3A = arith.addf %squeeze3A, %squeeze3A_4 : vector<10112x1xf32>
    %add3A_5 = arith.constant 1.000000e+00 : f32
    %add3A_6 = vector.broadcast %add3A_5 : f32 to vector<10112x1xf32>
    %add3A_7 = arith.addf %add3A, %add3A_6 : vector<10112x1xf32>
    %rsqrt3A = math.rsqrt %add3A_7 : vector<10112x1xf32>
    %iota3A = tpu.iota {dimensions = array<i32: 0>} : vector<10112x1xi32>
    %lt3A = arith.constant 10000 : i32
    %lt3A_8 = vector.broadcast %lt3A : i32 to vector<10112x1xi32>
    %lt3A_9 = arith.cmpi slt, %iota3A, %lt3A_8 : vector<10112x1xi32>
    %get3A_10 = arith.constant 0 : index
    %get3A_11 = arith.constant 0 : index
    %get3A_12 = vector.load %arg1[%get3A_10, %get3A_11] : memref<10112x128xf32, #tpu.memory_space<vmem>>, vector<10112x128xf32>
    %mul3A = vector.broadcast %rsqrt3A : vector<10112x1xf32> to vector<10112x128xf32>
    %mul3A_13 = arith.mulf %mul3A, %get3A_12 : vector<10112x128xf32>
    %jit3A = arith.constant 0.000000e+00 : f32
    %broadcast_in_dim3A = vector.shape_cast %lt3A_9 : vector<10112x1xi1> to vector<10112x1xi1>
    %broadcast_in_dim3A_14 = vector.broadcast %broadcast_in_dim3A : vector<10112x1xi1> to vector<10112x128xi1>
    %broadcast_in_dim3A_15 = vector.broadcast %jit3A : f32 to vector<10112x128xf32>
    %select_n3A = arith.select %broadcast_in_dim3A_14, %mul3A_13, %broadcast_in_dim3A_15 : vector<10112x128xi1>, vector<10112x128xf32>
    %swap3A = arith.constant 0 : index
    %swap3A_16 = arith.constant 0 : index
    %swap3A_17 = vector.load %arg2[%swap3A, %swap3A_16] : memref<10112x128xf32, #tpu.memory_space<vmem>>, vector<10112x128xf32>
    tpu.vector_store %arg2[%swap3A, %swap3A_16], %select_n3A {strides = array<i32>} : memref<10112x128xf32, #tpu.memory_space<vmem>>, vector<10112x128xf32>,
    return
  }
}

module attributes {stable_mosaic.version = 14 : i64} {
  func.func @_comb1_body(%arg0: memref<2x10112x128xf32, #tpu.memory_space<vmem>>, %arg1: memref<2x10112x128xf32, #tpu.memory_space<vmem>>, %arg2: memref<10112x128xf32, #tpu.memory_space<vmem>>, %arg3: memref<1x128xf32, #tpu.memory_space<vmem>>, %arg4: memref<128x128xf32, #tpu.memory_space<vmem>>, %arg5: memref<10112x128xf32, #tpu.memory_space<vmem>>, %arg6: memref<10112x128xf32, #tpu.memory_space<vmem>>) attributes {dimension_semantics = [], scalar_prefetch = 0 : i64, scratch_operands = 0 : i64, tpu.core_type = #tpu.core_type<tc>} {
    %get3A = arith.constant 0 : index
    %get3A_0 = arith.constant 0 : index
    %get3A_1 = arith.constant 0 : index
    %get3A_2 = vector.load %arg0[%get3A, %get3A_0, %get3A_1] : memref<2x10112x128xf32, #tpu.memory_space<vmem>>, vector<2x10112x128xf32>
    %slice3A = vector.extract_strided_slice %get3A_2 {offsets = [0, 0, 0], sizes = [1, 10112, 1], strides = [1, 1, 1]} : vector<2x10112x128xf32> to vector<1x10112x1xf32>
    %squeeze3A = vector.shape_cast %slice3A : vector<1x10112x1xf32> to vector<10112x1xf32>
    %slice3A_3 = vector.extract_strided_slice %get3A_2 {offsets = [1, 0, 0], sizes = [1, 10112, 1], strides = [1, 1, 1]} : vector<2x10112x128xf32> to vector<1x10112x1xf32>
    %squeeze3A_4 = vector.shape_cast %slice3A_3 : vector<1x10112x1xf32> to vector<10112x1xf32>
    %add3A = arith.addf %squeeze3A, %squeeze3A_4 : vector<10112x1xf32>
    %add3A_5 = arith.constant 1.000000e+00 : f32
    %add3A_6 = vector.broadcast %add3A_5 : f32 to vector<10112x1xf32>
    %add3A_7 = arith.addf %add3A, %add3A_6 : vector<10112x1xf32>
    %rsqrt3A = math.rsqrt %add3A_7 : vector<10112x1xf32>
    %get3A_8 = arith.constant 0 : index
    %get3A_9 = arith.constant 0 : index
    %get3A_10 = arith.constant 0 : index
    %get3A_11 = vector.load %arg1[%get3A_8, %get3A_9, %get3A_10] : memref<2x10112x128xf32, #tpu.memory_space<vmem>>, vector<1x10112x128xf32>
    %get3A_12 = vector.shape_cast %get3A_11 : vector<1x10112x128xf32> to vector<10112x128xf32>
    %get3A_13 = arith.constant 1 : index
    %get3A_14 = arith.constant 0 : index
    %get3A_15 = arith.constant 0 : index
    %get3A_16 = vector.load %arg1[%get3A_13, %get3A_14, %get3A_15] : memref<2x10112x128xf32, #tpu.memory_space<vmem>>, vector<1x10112x128xf32>
    %get3A_17 = vector.shape_cast %get3A_16 : vector<1x10112x128xf32> to vector<10112x128xf32>
    %add3A_18 = arith.addf %get3A_12, %get3A_17 : vector<10112x128xf32>
    %mul3A = vector.broadcast %rsqrt3A : vector<10112x1xf32> to vector<10112x128xf32>
    %mul3A_19 = arith.mulf %mul3A, %add3A_18 : vector<10112x128xf32>
    %mul3A_20 = arith.mulf %rsqrt3A, %rsqrt3A : vector<10112x1xf32>
    %get3A_21 = arith.constant 0 : index
    %get3A_22 = arith.constant 0 : index
    %get3A_23 = vector.load %arg2[%get3A_21, %get3A_22] : memref<10112x128xf32, #tpu.memory_space<vmem>>, vector<10112x128xf32>
    %mul3A_24 = vector.broadcast %mul3A_20 : vector<10112x1xf32> to vector<10112x128xf32>
    %mul3A_25 = arith.mulf %mul3A_24, %get3A_23 : vector<10112x128xf32>
    %add3A_26 = arith.addf %mul3A_19, %mul3A_25 : vector<10112x128xf32>
    %get3A_27 = arith.constant 0 : index
    %get3A_28 = arith.constant 0 : index
    %get3A_29 = vector.load %arg3[%get3A_27, %get3A_28] : memref<1x128xf32, #tpu.memory_space<vmem>>, vector<1x128xf32>
    %add3A_30 = vector.broadcast %get3A_29 : vector<1x128xf32> to vector<10112x128xf32>
    %add3A_31 = arith.addf %add3A_26, %add3A_30 : vector<10112x128xf32>
    %max3A = arith.constant 0.000000e+00 : f32
    %max3A_32 = vector.broadcast %max3A : f32 to vector<10112x128xf32>
    %max3A_33 = arith.maximumf %add3A_31, %max3A_32 : vector<10112x128xf32>
    %get3A_34 = arith.constant 0 : index
    %get3A_35 = arith.constant 0 : index
    %get3A_36 = vector.load %arg4[%get3A_34, %get3A_35] : memref<128x128xf32, #tpu.memory_space<vmem>>, vector<128x128xf32>
    %dot_general3A = arith.constant dense<0.000000e+00> : vector<10112x128xf32>
    %dot_general3A_37 = tpu.matmul %max3A_33, %get3A_36, %dot_general3A {dimension_numbers = #tpu.dot_dimension_numbers<[1], [0], [0], [1], [0, 0, 1, 1], [], []>, transpose_lhs_hint = false} : vector<10112x128xf32>, vector<128x128xf32>, vector<10112x128xf32> -> vector<10112x128xf32>
    %swap3A = arith.constant 0 : index
    %swap3A_38 = arith.constant 0 : index
    %swap3A_39 = vector.load %arg5[%swap3A, %swap3A_38] : memref<10112x128xf32, #tpu.memory_space<vmem>>, vector<10112x128xf32>
    tpu.vector_store %arg5[%swap3A, %swap3A_38], %dot_general3A_37 {strides = array<i32>} : memref<10112x128xf32, #tpu.memory_space<vmem>>, vector<10112x128xf32>,
    %iota3A = tpu.iota {dimensions = array<i32: 0>} : vector<10112x1xi32>
    %lt3A = arith.constant 10000 : i32
    %lt3A_40 = vector.broadcast %lt3A : i32 to vector<10112x1xi32>
    %lt3A_41 = arith.cmpi slt, %iota3A, %lt3A_40 : vector<10112x1xi32>
    %mul3A_42 = vector.broadcast %rsqrt3A : vector<10112x1xf32> to vector<10112x128xf32>
    %mul3A_43 = arith.mulf %mul3A_42, %dot_general3A_37 : vector<10112x128xf32>
    %jit3A = arith.constant 0.000000e+00 : f32
    %broadcast_in_dim3A = vector.shape_cast %lt3A_41 : vector<10112x1xi1> to vector<10112x1xi1>
    %broadcast_in_dim3A_44 = vector.broadcast %broadcast_in_dim3A : vector<10112x1xi1> to vector<10112x128xi1>
    %broadcast_in_dim3A_45 = vector.broadcast %jit3A : f32 to vector<10112x128xf32>
    %select_n3A = arith.select %broadcast_in_dim3A_44, %mul3A_43, %broadcast_in_dim3A_45 : vector<10112x128xi1>, vector<10112x128xf32>
    %swap3A_46 = arith.constant 0 : index
    %swap3A_47 = arith.constant 0 : index
    %swap3A_48 = vector.load %arg6[%swap3A_46, %swap3A_47] : memref<10112x128xf32, #tpu.memory_space<vmem>>, vector<10112x128xf32>
    tpu.vector_store %arg6[%swap3A_46, %swap3A_47], %select_n3A {strides = array<i32>} : memref<10112x128xf32, #tpu.memory_space<vmem>>, vector<10112x128xf32>,
    return
  }
}

module attributes {stable_mosaic.version = 14 : i64} {
  func.func @_comb2_body(%arg0: memref<2x10112x128xf32, #tpu.memory_space<vmem>>, %arg1: memref<2x10112x128xf32, #tpu.memory_space<vmem>>, %arg2: memref<10112x128xf32, #tpu.memory_space<vmem>>, %arg3: memref<1x128xf32, #tpu.memory_space<vmem>>, %arg4: memref<10000x128xf32, #tpu.memory_space<vmem>>) attributes {dimension_semantics = [], scalar_prefetch = 0 : i64, scratch_operands = 0 : i64, tpu.core_type = #tpu.core_type<tc>} {
    %get3A = arith.constant 0 : index
    %get3A_0 = arith.constant 0 : index
    %get3A_1 = arith.constant 0 : index
    %get3A_2 = vector.load %arg0[%get3A, %get3A_0, %get3A_1] : memref<2x10112x128xf32, #tpu.memory_space<vmem>>, vector<2x10112x128xf32>
    %slice3A = vector.extract_strided_slice %get3A_2 {offsets = [0, 0, 0], sizes = [1, 10112, 1], strides = [1, 1, 1]} : vector<2x10112x128xf32> to vector<1x10112x1xf32>
    %squeeze3A = vector.shape_cast %slice3A : vector<1x10112x1xf32> to vector<10112x1xf32>
    %slice3A_3 = vector.extract_strided_slice %get3A_2 {offsets = [1, 0, 0], sizes = [1, 10112, 1], strides = [1, 1, 1]} : vector<2x10112x128xf32> to vector<1x10112x1xf32>
    %squeeze3A_4 = vector.shape_cast %slice3A_3 : vector<1x10112x1xf32> to vector<10112x1xf32>
    %add3A = arith.addf %squeeze3A, %squeeze3A_4 : vector<10112x1xf32>
    %add3A_5 = arith.constant 1.000000e+00 : f32
    %add3A_6 = vector.broadcast %add3A_5 : f32 to vector<10112x1xf32>
    %add3A_7 = arith.addf %add3A, %add3A_6 : vector<10112x1xf32>
    %rsqrt3A = math.rsqrt %add3A_7 : vector<10112x1xf32>
    %get3A_8 = arith.constant 0 : index
    %get3A_9 = arith.constant 0 : index
    %get3A_10 = arith.constant 0 : index
    %get3A_11 = vector.load %arg1[%get3A_8, %get3A_9, %get3A_10] : memref<2x10112x128xf32, #tpu.memory_space<vmem>>, vector<1x10112x128xf32>
    %get3A_12 = vector.shape_cast %get3A_11 : vector<1x10112x128xf32> to vector<10112x128xf32>
    %get3A_13 = arith.constant 1 : index
    %get3A_14 = arith.constant 0 : index
    %get3A_15 = arith.constant 0 : index
    %get3A_16 = vector.load %arg1[%get3A_13, %get3A_14, %get3A_15] : memref<2x10112x128xf32, #tpu.memory_space<vmem>>, vector<1x10112x128xf32>
    %get3A_17 = vector.shape_cast %get3A_16 : vector<1x10112x128xf32> to vector<10112x128xf32>
    %add3A_18 = arith.addf %get3A_12, %get3A_17 : vector<10112x128xf32>
    %mul3A = vector.broadcast %rsqrt3A : vector<10112x1xf32> to vector<10112x128xf32>
    %mul3A_19 = arith.mulf %mul3A, %add3A_18 : vector<10112x128xf32>
    %mul3A_20 = arith.mulf %rsqrt3A, %rsqrt3A : vector<10112x1xf32>
    %get3A_21 = arith.constant 0 : index
    %get3A_22 = arith.constant 0 : index
    %get3A_23 = vector.load %arg2[%get3A_21, %get3A_22] : memref<10112x128xf32, #tpu.memory_space<vmem>>, vector<10112x128xf32>
    %mul3A_24 = vector.broadcast %mul3A_20 : vector<10112x1xf32> to vector<10112x128xf32>
    %mul3A_25 = arith.mulf %mul3A_24, %get3A_23 : vector<10112x128xf32>
    %add3A_26 = arith.addf %mul3A_19, %mul3A_25 : vector<10112x128xf32>
    %get3A_27 = arith.constant 0 : index
    %get3A_28 = arith.constant 0 : index
    %get3A_29 = vector.load %arg3[%get3A_27, %get3A_28] : memref<1x128xf32, #tpu.memory_space<vmem>>, vector<1x128xf32>
    %add3A_30 = vector.broadcast %get3A_29 : vector<1x128xf32> to vector<10112x128xf32>
    %add3A_31 = arith.addf %add3A_26, %add3A_30 : vector<10112x128xf32>
    %slice3A_32 = vector.extract_strided_slice %add3A_31 {offsets = [0, 0], sizes = [10000, 128], strides = [1, 1]} : vector<10112x128xf32> to vector<10000x128xf32>
    %swap3A = arith.constant 0 : index
    %swap3A_33 = arith.constant 0 : index
    %swap3A_34 = vector.load %arg4[%swap3A, %swap3A_33] : memref<10000x128xf32, #tpu.memory_space<vmem>>, vector<10000x128xf32>
    tpu.vector_store %arg4[%swap3A, %swap3A_33], %slice3A_32 {strides = array<i32>} : memref<10000x128xf32, #tpu.memory_space<vmem>>, vector<10000x128xf32>,
    return
  }
}

</mosaic_0001>

<sc_bundles>
// kernel: kernel.12.cloned.1.call-start
scs
__scs_entry_jumppad:
0x0: {  	(pc) =	sbr.rel $0x88, $3  }
0x1: {  	(tag) =	ssettag $0x0;
	lr =	simm.s32 $0x1  }
0x2: {  	[smem:$0x3F9B] =	sst lr;
	_ =	strace $0xD0000000  }
0x3: {  	_ = 	snop  }
0x4: {  	_ = 	snop  }
0x5: {  	_ = 	snop  }
0x6: {  	_ = 	snop  }
0x7: {  	_ = 	snop  }
__scs_overlays_trampoline_lowered:
0x8: {  	[smem:$0x3FAA] =	sst s0  }
0x9: {  	[smem:$0x3FAB] =	sst s1  }
0xa: {  	[smem:$0x3FAC] =	sst s2  }
0xb: {  	[smem:$0x3FAD] =	sst s3  }
0xc: {  	[smem:$0x3FAE] =	sst s4  }
0xd: {  	[smem:$0x3FAF] =	sst s5  }
0xe: {  	[smem:$0x3FB0] =	sst s6  }
0xf: {  	[smem:$0x3FB1] =	sst s7  }
0x10: {  	[smem:$0x3FB2] =	sst s8  }
0x11: {  	[smem:$0x3FB3] =	sst s9;
	s0 =	simm.s32 @!p0 $0x0  }
0x12: {  	s1 =	sld [smem:$0x3F99];
	s0 =	simm.s32 @p0 $0x1  }
0x13: {  	[smem:$0x3FB4] =	sst s0;
	s0 =	simm.s32 @!p1 $0x0  }
0x14: {  	s2 =	sld [smem:$0x3F98];
	s0 =	simm.s32 @p1 $0x1  }
0x15: {  	[smem:$0x3FB5] =	sst s0;
	s0 =	simm.s32 @!p2 $0x0  }
0x16: {  	s3 =	sld [smem:$0x3FDB];
	s0 =	simm.s32 @p2 $0x1  }
0x17: {  	s4 =	simm.s32 $0x1BF5;
	[smem:$0x3FB7] =	sst s0  }
0x18: {  	s0 =	sld [smem:$0x3F9A];
	_ =	swait.ge [sflag:s4], $0x0  }
0x19: {  	s7 =	sld [smem:$0x3F9B]  }
0x1a: {  	s8 =	sadd.s32 $0xFFFFE003, lr  }
0x1b: {  	s9 =	sadd.s32 $0xFFFFFEF7, lr;
	s5 =	simm.s32 $0xFFFFFFFF;
	p2 =	slt.u32 s8, $0xFFFFF086  }
0x1c: {  	p1 =	slt.u32 s9, $0xF7A;
	s5 =	simm.s32 @!p2 $0x0  }
0x1d: {  	s5 =	simm.s32 @p1 $0x1;
	p0 =	seq.s32 s7, s2  }
0x1e: {  	s7 =	smul.u32 @!p0 $0xF7A, s2;
	p2 =	seq.s32 @!p0 s5, $0x0  }
0x1f: {  	s9 =	smul.u32 $0xF7A, s1;
	s8 =	simm.s32 @!p0 $0x1BF5;
	p2 =	por !p2, p0  }
0x20: {  	[sflag:s8] =	ssyncset.s32 @!p0 $0xFFFFF086;
	s6 =	sadd.s32 @!p0 s3, s7;
	s7 =	simm.s32 @!p0 $0x108  }
0x21: {  	s3 =	sadd.s32 s3, s9;
	s6 =	sadd.s32 @!p0 $0x88, s6;
	s7 =	simm.s32 @p2 $0x1082  }
0x22: {  	[simem:s7], [sflag:s8] =	dma.local @!p0 [hbm:s6], $0xF7A  }
0x23: {  	s9 =	sor.u32 $0xD0000000, s2;
	s6 =	simm.s32 $0x108;
	_ =	swait.ge @!p0 [sflag:s8], $0x0  }
0x24: {  	s3 =	sadd.s32 $0x88, s3;
	s6 =	simm.s32 @!p1 $0x1082;
	[sflag:s4] =	ssyncset.s32 $0xFFFFF086  }
0x25: {  	[simem:s6], [sflag:s4] =	dma.local [hbm:s3], $0xF7A  }
0x26: {  	[smem:$0x3F9B] =	sst s1;
	(tag) =	ssettag s2;
	_ =	strace s9  }
0x27: {  	s1 =	sld [smem:$0x3FAB]  }
0x28: {  	s2 =	sld [smem:$0x3FAC]  }
0x29: {  	s4 =	sld [smem:$0x3FAE]  }
0x2a: {  	p0 =	seq.s32 s5, $0x0;
	s5 =	sld [smem:$0x3FAF]  }
0x2b: {  	s6 =	sld [smem:$0x3FB0]  }
0x2c: {  	s7 =	sld [smem:$0x3FB1]  }
0x2d: {  	s3 =	simm.s32 $0x108;
	s8 =	sld [smem:$0x3FB2]  }
0x2e: {  	s3 =	simm.s32 @!p0 $0x1082;
	s9 =	sld [smem:$0x3FB3]  }
0x2f: {  	lr =	sadd.s32 s0, s3;
	s0 =	sld [smem:$0x3FAA]  }
0x30: {  	s3 =	sld [smem:$0x3FAD]  }
0x31: {  	[smem:$0x3FB6] =	sst s10  }
0x32: {  	s10 =	sld [smem:$0x3FB4];
	_ =	sdelay $0x3  }
0x33: {  	p0 =	seq.s32 s10, $0x1;
	s10 =	sld [smem:$0x3FB6];
	_ =	sdelay $0x3  }
0x34: {  	[smem:$0x3FB6] =	sst s10  }
0x35: {  	s10 =	sld [smem:$0x3FB5];
	_ =	sdelay $0x3  }
0x36: {  	p1 =	seq.s32 s10, $0x1;
	s10 =	sld [smem:$0x3FB6];
	_ =	sdelay $0x3  }
0x37: {  	[smem:$0x3FB6] =	sst s10  }
0x38: {  	s10 =	sld [smem:$0x3FB7]  }
0x39: {  	_ = 	snop;
	(pc) =	sbr.ind lr, $3  }
0x3a: {  	_ = 	snop  }
0x3b: {  	_ = 	snop  }
0x3c: {  	p2 =	seq.s32 s10, $0x1;
	s10 =	sld [smem:$0x3FB6]  }
0x3d: {  	_ =	shalt  }
0x3e: {  	_ =	shalt  }
0x3f: {  	_ =	shalt  }
0x40: {  	_ =	shalt  }
0x41: {  	_ =	shalt  }
0x42: {  	_ =	shalt  }
0x43: {  	_ =	shalt  }
0x44: {  	_ =	shalt  }
0x45: {  	_ =	shalt  }
0x46: {  	_ =	shalt  }
0x47: {  	_ =	shalt  }
0x48: {  	_ =	shalt  }
0x49: {  	_ =	shalt  }
0x4a: {  	_ =	shalt  }
0x4b: {  	_ =	shalt  }
0x4c: {  	_ =	shalt  }
0x4d: {  	_ =	shalt  }
0x4e: {  	_ =	shalt  }
0x4f: {  	_ =	shalt  }
0x50: {  	_ =	shalt  }
0x51: {  	_ =	shalt  }
0x52: {  	_ =	shalt  }
0x53: {  	_ =	shalt  }
0x54: {  	_ =	shalt  }
0x55: {  	_ =	shalt  }
0x56: {  	_ =	shalt  }
0x57: {  	_ =	shalt  }
0x58: {  	_ =	shalt  }
0x59: {  	_ =	shalt  }
0x5a: {  	_ =	shalt  }
0x5b: {  	_ =	shalt  }
0x5c: {  	_ =	shalt  }
0x5d: {  	_ =	shalt  }
0x5e: {  	_ =	shalt  }
0x5f: {  	_ =	shalt  }
0x60: {  	_ =	shalt  }
0x61: {  	_ =	shalt  }
0x62: {  	_ =	shalt  }
0x63: {  	_ =	shalt  }
0x64: {  	_ =	shalt  }
0x65: {  	_ =	shalt  }
0x66: {  	_ =	shalt  }
0x67: {  	_ =	shalt  }
0x68: {  	_ =	shalt  }
0x69: {  	_ =	shalt  }
0x6a: {  	_ =	shalt  }
0x6b: {  	_ =	shalt  }
0x6c: {  	_ =	shalt  }
0x6d: {  	_ =	shalt  }
0x6e: {  	_ =	shalt  }
0x6f: {  	_ =	shalt  }
0x70: {  	_ =	shalt  }
0x71: {  	_ =	shalt  }
0x72: {  	_ =	shalt  }
0x73: {  	_ =	shalt  }
0x74: {  	_ =	shalt  }
0x75: {  	_ =	shalt  }
0x76: {  	_ =	shalt  }
0x77: {  	_ =	shalt  }
0x78: {  	_ =	shalt  }
0x79: {  	_ =	shalt  }
0x7a: {  	_ =	shalt  }
0x7b: {  	_ =	shalt  }
0x7c: {  	_ =	shalt  }
0x7d: {  	_ =	shalt  }
0x7e: {  	_ =	shalt  }
0x7f: {  	_ =	shalt  }
0x80: {  	_ =	shalt  }
0x81: {  	_ =	shalt  }
0x82: {  	_ =	shalt  }
0x83: {  	_ =	shalt  }
0x84: {  	_ =	shalt  }
0x85: {  	_ =	shalt  }
0x86: {  	_ =	shalt  }
0x87: {  	_ =	shalt  }
.Lfunc_end0:
.L_simem_size_0:
called_computation.1_lowered:
.L_overlay_start_0:
0x88: {  	s2 =	sld [smem:$0x3FD9]  }
0x89: {  	s3 =	sld [smem:$0x3FFE];
	_ =	sdelay $0x1  }
0x8a: {  	s1 =	srdreg.scid  }
0x8b: {  	s0 =	sand.u32 $0x1, s1  }
0x8c: {  	s17 =	sshll.u32 s0, $0xA;
	s2 =	sadd.s32 s3, s2  }
0x8d: {  	s2 =	sadd.s32 s2, s17  }
0x8e: {  	[smem:$0x3FC2] =	sst s2  }
0x8f: {  	_ = 	snop  }
0x90: {  	s2 =	sld [smem:$0x3FD0];
	(tm) =	ssettm $0x1  }
0x91: {  	s18 =	sld [smem:$0x3FFB];
	_ =	sdelay $0x3  }
0x92: {  	_ =	strace s18  }
0x93: {  	s3 =	sld [smem:$0x3FFC];
	_ =	sdelay $0x3  }
0x94: {  	_ =	strace s3  }
0x95: {  	s3 =	sld [smem:$0x3FFD];
	_ =	sdelay $0x3  }
0x96: {  	_ =	strace s3  }
0x97: {  	_ =	strace $0x8FFFFFFF  }
0x98: {  	s19 =	sld [smem:$0x3FDB];
	_ =	sdelay $0x1  }
0x99: {  	s4 =	simm.s32 $_scs_section_size  }
0x9a: {  	s5 =	simm.s32 $_size__tile_overlayer_lowered;
	s6 =	simm.s32 $_tile_overlayer_lowered  }
0x9b: {  	s22 =	simm.s32 $0x1BFF;
	s21 =	sshll.u32 s6, $0x1;
	s3 =	sadd.s32 s4, s19  }
0x9c: {  	s7 =	simm.s32 $0x0;
	s20 =	sshll.u32 s5, $0x1;
	s5 =	sadd.s32 s21, s3  }
0x9d: {  	[timem:s7], [sflag:s22] =	dma.local [hbm:s5], s20  }
0x9e: {  	_ =	swait.ge [sflag:s22], s20  }
0x9f: {  	s4 =	ssub.s32 $0x0, s20;
	[sflag:s22] =	ssyncset.done $0x0  }
0xa0: {  	[sflag:s22] =	ssyncadd.s32 s4;
	_ =	sdelay $0x1  }
0xa1: {  	s23 =	simm.s32 $0x1B8B  }
0xa2: {  	_ =	swait.ge [sflag:s23], $0x1  }
0xa3: {  	[sflag:s23] =	ssyncset.done $0x0  }
0xa4: {  	s25 =	simm.s32 $0x1B8E;
	s24 =	sld [smem:$0x3FFE];
	[sflag:s23] =	ssyncadd.s32 $0xFFFFFFFF  }
0xa5: {  	s26 =	simm.s32 $execute0_lowered;
	[smem:$0x3FD2] =	sst s25  }
0xa6: {  	s5 =	sshll.u32 s26, $0x1;
	_ =	strace $0x80000049;
	[dreg:$0x1] =	wrdreg $0xFFFFFFFF  }
0xa7: {  	s28 =	simm.s32 $_size_execute0_lowered;
	s3 =	sadd.s32 s3, s5;
	[dreg:$0x0] =	wrdreg $0x0  }
0xa8: {  	s5 =	sshll.u32 s28, $0x1;
	[dreg:$0x2] =	wrdreg s3  }
0xa9: {  	[dreg:$0x3] =	wrdreg s5  }
0xaa: {  	[dreg:$0x4] =	wrdreg $0xC0  }
0xab: {  	_ =	task [dreg:s7], $0x5FFFF  }
0xac: {  	[dreg:$0x1] =	wrdreg $0xFFFFFFFF  }
0xad: {  	[dreg:$0x0] =	wrdreg $0x60  }
0xae: {  	[dreg:$0x2] =	wrdreg s24  }
0xaf: {  	[dreg:$0x3] =	wrdreg s2  }
0xb0: {  	[dreg:$0x4] =	wrdreg $0x88000  }
0xb1: {  	[dreg:$0x5] =	wrdreg $0x9  }
0xb2: {  	_ =	task.clear_ibuf [dreg:s7], $0x6FFFF;
	_ =	strace $0x90000049  }
0xb3: {  	s29 =	simm.s32 $0x9;
	_ =	strace $0x8000004B  }
0xb4: {  	_ =	swait.ge [sflag:s29], $0x1  }
0xb5: {  	[sflag:s29] =	ssyncadd.s32 $0xFFFFFFFF  }
0xb6: {  	_ =	strace $0x9000004B  }
0xb7: {  	_ =	sfence  }
0xb8: {  	s30 =	sld [smem:$0x0];
	_ =	sdelay $0x2  }
0xb9: {  	s31 =	sshll.u32 s1, $0xD;
	s1 =	sshrl.u32 s1, $0x2  }
0xba: {  	s3 =	sand.u32 $0x4000, s31;
	s1 =	sadd.s32 s1, s30  }
0xbb: {  	s0 =	sor.u32 s3, s0;
	s1 =	sshll.u32 s1, $0x11  }
0xbc: {  	s0 =	sor.u32 s1, s0  }
0xbd: {  	s0 =	sadd.s32 $0x8F2B, s0  }
0xbe: {  	[sflag:s0] =	ssyncadd.remote.s32 $0x1  }
0xbf: {  	_ =	sfence.sel $0xFFFF  }
0xc0: {  	[dreg:$0x0] =	wrdreg $0xFFFFFFFF;
	(pc) =	sbr.abs _section_cstart, $3  }
0xc1: {  	[dreg:$0x1] =	wrdreg $0xFFFFFFFF  }
0xc2: {  	_ =	task.clear_ibuf [dreg:s7], $0x2FFFF;
	_ =	strace $0x9FFFFFFF  }
0xc3: {  	(tm) =	ssettm $0x7FFFFFFF  }
tec
execute0_lowered:
.L_overlay_start_1:
0x0: {  	(tag) =	ssettag $0x1  }
0x1: {  	s0 =	rddreg [dreg:$0x0]  }
0x2: {  	s1 =	rddreg [dreg:$0x1]  }
0x3: {  	s2 =	rddreg [dreg:$0x2]  }
0x4: {  	s3 =	simm.s32 $0x0;
	s4 =	srdreg.scid;
	s11 =	stileid.u32  }
0x5: {  	s14 =	simm.s32 $0x800;
	s15 =	simm.s32 $0x5;
	s16 =	simm.s32 $0x400  }
0x6: {  	s17 =	simm.s32 $0x80;
	s18 =	simm.s32 $0x4800;
	s28 =	simm.s32 $0x500  }
0x7: {  	s29 =	simm.s32 $0x200;
	s5 =	sand.u32 $0x1, s4;
	s4 =	smul.u32 $0x98, s11  }
0x8: {  	s30 =	simm.s32 $0x580;
	s31 =	simm.s32 $0x280;
	s7 =	smul.u32 $0x4F000, s11  }
0x9: {  	s6 =	sshll.u32 s11, $0x3;
	[smem:$0x7FF] =	sst s3;
	s25 =	smul.u32 $0x2780, s11  }
0xa: {  	s11 =	simm.s32 $0x0;
	p0 =	seq.s32 s5, $0x0;
	s6 =	sor.u32 $0x980, s6  }
0xb: {  	_ =	strace $0x8000004A;
	s8 =	smul.u32 $0x27800, s5;
	s10 =	ssub.s32 $0x2, s5  }
0xc: {  	s6 =	smov.u32 @p0 s4;
	s4 =	sadd.s32 $0x5BA00, s0;
	s19 =	sshrl.u32 s7, $0x2  }
0xd: {  	s20 =	sshrl.u32 s10, $0x1;
	s6 =	sshll.u32 s6, $0x4;
	s5 =	sadd.s32 s19, s2  }
0xe: {  	s7 =	ssub.s32 s10, s20;
	s10 =	simm.s32 $0x13;
	s19 =	simm.s32 $0x1  }
0xf: {  	s20 =	simm.s32 $0x3;
	s9 =	sadd.s32 s6, s0;
	s21 =	sadd.s32 $0x4000, s5  }
0x10: {  	s0 =	sadd.s32 s8, s0;
	s22 =	sadd.s32 $0x8000, s5;
	[dreg:$0x4] =	wrdreg s21  }
0x11: {  	s23 =	sadd.s32 $0xC000, s5;
	s24 =	sadd.s32 $0x10000, s5;
	[dreg:$0x5] =	wrdreg s22  }
0x12: {  	s10 =	simm.s32 @!p0 $0x1;
	s7 =	smax.u32 s7, $0x1;
	[dreg:$0x6] =	wrdreg s23  }
0x13: {  	s1 =	sadd.s32 s6, s1;
	s6 =	simm.s32 $0x680;
	[dreg:$0x7] =	wrdreg s24  }
0x14: {  	s8 =	simm.s32 $0x700;
	s0 =	sadd.s32 $0x83200, s0;
	[dreg:$0x8] =	wrdreg s7  }
.Ltmp0:
0x15: {  	s26 =	sadd.s32 $0x2A00, s9;
	[dreg:$0xa] =	wrdreg s1;
	(pc) =	sbr.rel .LBB2_1-.Ltmp0, $4  }
0x16: {  	s21 =	simm.s32 $0x100;
	s22 =	simm.s32 $0x2;
	s23 =	simm.s32 $0x480  }
0x17: {  	s1 =	simm.s32 $0x300;
	s7 =	simm.s32 $0x380;
	s9 =	simm.s32 $0x780  }
0x18: {  	[dreg:$0x9] =	wrdreg s26;
	s0 =	sadd.s32 s25, s0;
	s25 =	simm.s32 $0x4  }
0x19: {  	v0 =	vimm.f32 $0.0e+00;
	s26 =	simm.s32 $0x180;
	[dreg:$0xb] =	wrdreg s0;
	s0 =	simm.s32 $0x600  }
.LBB2_7:
0x1a: {  	s12 =	stileid.u32  }
0x1b: {  	[bflag:$0x0] =	sbarrier.arrive $0xFFFF;
	s12 =	sshll.u32 s12, $0x6  }
0x1c: {  	s13 =	sshrl.u32 s5, $0x3;
	s24 =	rddreg [dreg:$0xb];
	s12 =	sor.u32 $0x1C05, s12  }
0x1d: {  	[hbm:s24], [sflag:s12] =	dma.local [spmem:s13], $0x2780  }
0x1e: {  	_ =	swait.ge [sflag:s15], $0x2780  }
0x1f: {  	s11 =	sadd.s32 $0x1, s11;
	s24 =	rddreg [dreg:$0x8]  }
0x20: {  	p0 =	sne.s32 s11, s24  }
.Ltmp1:
0x21: {  	_ = 	snop;
	(pc) =	sbr.rel @!p0 .LBB2_8-.Ltmp1, $3  }
0x22: {  	_ =	sdelay $0x1  }
0x23: {  	[sflag:s15] =	ssyncset.done $0x0  }
0x24: {  	[sflag:s15] =	ssyncadd.s32 $0xFFFFD880  }
.LBB2_1:
0x25: {  	s12 =	simm.s32 $0x0;
	s13 =	simm.s32 $0x200  }
.LBB2_2:
0x26: {  	p0 =	sne.s32 s13, $0xFE00;
	[tilespmem:s12+$0x870] =	vst v0  }
0x27: {  	[tilespmem:s12+$0x800] =	vst v0  }
0x28: {  	[tilespmem:s12+$0x810] =	vst v0  }
.Ltmp2:
0x29: {  	[tilespmem:s12+$0x820] =	vst v0;
	(pc) =	sbr.rel @p0 .LBB2_2-.Ltmp2, $4  }
0x2a: {  	[tilespmem:s12+$0x830] =	vst v0  }
0x2b: {  	[tilespmem:s12+$0x840] =	vst v0  }
0x2c: {  	[tilespmem:s12+$0x850] =	vst v0  }
0x2d: {  	[tilespmem:s12+$0x860] =	vst v0;
	s12 =	sshra.s32 s13, $0x2;
	s13 =	sadd.s32 $0x200, s13  }
0x2e: {  	[tilespmem:s12+$0x870] =	vst v0  }
0x2f: {  	[tilespmem:s12+$0x800] =	vst v0  }
0x30: {  	[tilespmem:s12+$0x810] =	vst v0  }
0x31: {  	[tilespmem:s12+$0x820] =	vst v0  }
0x32: {  	[tilespmem:s12+$0x830] =	vst v0  }
0x33: {  	[tilespmem:s12+$0x840] =	vst v0  }
0x34: {  	[tilespmem:s12+$0x850] =	vst v0  }
0x35: {  	[tilespmem:s12+$0x860] =	vst v0  }
0x36: {  	[spmem:s5] =	stream.linear.scatter [tilespmem:s14], [sflag:$0x5], $0x4000, $0x38;
	[tilespmem:$0x1C400] =	vst v63  }
0x37: {  	_ =	swait.ge [sflag:s15], $0x4000  }
0x38: {  	[sflag:s15] =	ssyncset.done $0x0  }
0x39: {  	s13 =	rddreg [dreg:$0x4];
	[sflag:s15] =	ssyncadd.s32 $0xFFFFC000  }
0x3a: {  	[spmem:s13] =	stream.linear.scatter [tilespmem:s14], [sflag:$0x5], $0x4000, $0x38;
	[tilespmem:$0x1C400] =	vst v63  }
0x3b: {  	_ =	swait.ge [sflag:s15], $0x4000  }
0x3c: {  	[sflag:s15] =	ssyncset.done $0x0  }
0x3d: {  	s24 =	rddreg [dreg:$0x5];
	[sflag:s15] =	ssyncadd.s32 $0xFFFFC000  }
0x3e: {  	[spmem:s24] =	stream.linear.scatter [tilespmem:s14], [sflag:$0x5], $0x4000, $0x38;
	[tilespmem:$0x1C400] =	vst v63  }
0x3f: {  	_ =	swait.ge [sflag:s15], $0x4000  }
0x40: {  	[sflag:s15] =	ssyncset.done $0x0  }
0x41: {  	s13 =	rddreg [dreg:$0x6];
	[sflag:s15] =	ssyncadd.s32 $0xFFFFC000  }
0x42: {  	[spmem:s13] =	stream.linear.scatter [tilespmem:s14], [sflag:$0x5], $0x4000, $0x38;
	[tilespmem:$0x1C400] =	vst v63  }
0x43: {  	_ =	swait.ge [sflag:s15], $0x4000  }
0x44: {  	[sflag:s15] =	ssyncset.done $0x0  }
0x45: {  	s24 =	rddreg [dreg:$0x7];
	[sflag:s15] =	ssyncadd.s32 $0xFFFFC000  }
0x46: {  	[spmem:s24] =	stream.linear.scatter [tilespmem:s14], [sflag:$0x5], $0x3C00, $0x38;
	[tilespmem:$0x1C400] =	vst v63  }
0x47: {  	_ =	swait.ge [sflag:s15], $0x3C00  }
.Ltmp3:
0x48: {  	[sflag:s15] =	ssyncset.done $0x0;
	(pc) =	sbr.rel .LBB2_4-.Ltmp3, $4  }
0x49: {  	[sflag:s15] =	ssyncadd.s32 $0xFFFFC400  }
0x4a: {  	[bflag:$0x0] =	sbarrier.arrive $0xFFFF  }
0x4b: {  	s13 =	rddreg [dreg:$0xa]  }
0x4c: {  	s12 =	simm.s32 $0x0;
	s24 =	rddreg [dreg:$0x9]  }
.LBB2_6:
0x4d: {  	s12 =	sadd.s32 $0x1, s12  }
0x4e: {  	p0 =	sne.s32 s12, $0x13  }
.Ltmp4:
0x4f: {  	_ = 	snop;
	(pc) =	sbr.rel @!p0 .LBB2_7-.Ltmp4, $2  }
0x50: {  	_ =	sdelay $0x2  }
0x51: {  	s24 =	sadd.s32 $0x80, s24;
	s13 =	sadd.s32 $0x80, s13  }
.LBB2_4:
0x52: {  	p0 =	sge.u32 s12, s10  }
.Ltmp5:
0x53: {  	_ = 	snop;
	(pc) =	sbr.rel @p0 .LBB2_6-.Ltmp5, $1  }
0x54: {  	_ =	sdelay $0x3  }
0x55: {  	[tilespmem:s3], [sflag:$0x5] =	stream.linear.gather [hbm4b:s13+s3], $0x400, $0x38;
	[tilespmem:$0x1C400] =	vst v63  }
0x56: {  	_ =	swait.ge [sflag:s15], $0x400  }
0x57: {  	[sflag:s15] =	ssyncset.done $0x0  }
0x58: {  	[sflag:s15] =	ssyncadd.s32 $0xFFFFFC00  }
0x59: {  	[tilespmem:s16], [sflag:$0x5] =	stream.linear.gather [hbm4b:s24+s3], $0x400, $0x38;
	[tilespmem:$0x1C400] =	vst v63  }
0x5a: {  	_ =	swait.ge [sflag:s15], $0x400  }
0x5b: {  	[sflag:s15] =	ssyncset.done $0x0  }
0x5c: {  	[sflag:s15] =	ssyncadd.s32 $0xFFFFFC00  }
0x5d: {  	[tilespmem:s14], [sflag:$0x1] =	stream.indirect.gather [hbm4b:s4+s17], $0x80, s3, s17, $0xb8;
	[tilespmem:$0x1C400] =	vst v63  }
0x5e: {  	_ = 	snop  }
0x5f: {  	[tilespmem:s18], [sflag:$0x2] =	stream.indirect.gather [hbm4b:s4+s17], $0x80, s17, s17, $0xb8;
	[tilespmem:$0x1C400] =	vst v63  }
0x60: {  	_ =	swait.ge [sflag:s19], $0x4000  }
0x61: {  	[sflag:s19] =	ssyncset.done $0x0  }
0x62: {  	[sflag:s19] =	ssyncadd.s32 $0xFFFFC000  }
0x63: {  	[spmem:s2] =	stream.indirect.scatter.add.f32 [tilespmem:s14], [sflag:$0x3], $0x80, s16, s17, $0xb8;
	[tilespmem:$0x1C400] =	vst v63  }
0x64: {  	_ =	swait.ge [sflag:s20], $0x4000  }
0x65: {  	[sflag:s20] =	ssyncset.done $0x0  }
0x66: {  	[sflag:s20] =	ssyncadd.s32 $0xFFFFC000  }
0x67: {  	[tilespmem:s14], [sflag:$0x1] =	stream.indirect.gather [hbm4b:s4+s17], $0x80, s21, s17, $0xb8;
	[tilespmem:$0x1C400] =	vst v63  }
0x68: {  	_ =	swait.ge [sflag:s22], $0x4000  }
0x69: {  	[sflag:s22] =	ssyncset.done $0x0  }
0x6a: {  	[sflag:s22] =	ssyncadd.s32 $0xFFFFC000  }
0x6b: {  	[spmem:s2] =	stream.indirect.scatter.add.f32 [tilespmem:s18], [sflag:$0x4], $0x80, s23, s17, $0xb8;
	[tilespmem:$0x1C400] =	vst v63  }
0x6c: {  	_ =	swait.ge [sflag:s25], $0x4000  }
0x6d: {  	[sflag:s25] =	ssyncset.done $0x0  }
0x6e: {  	[sflag:s25] =	ssyncadd.s32 $0xFFFFC000  }
0x6f: {  	[tilespmem:s18], [sflag:$0x2] =	stream.indirect.gather [hbm4b:s4+s17], $0x80, s26, s17, $0xb8;
	[tilespmem:$0x1C400] =	vst v63  }
0x70: {  	_ =	swait.ge [sflag:s19], $0x4000  }
0x71: {  	[sflag:s19] =	ssyncset.done $0x0  }
0x72: {  	[sflag:s19] =	ssyncadd.s32 $0xFFFFC000  }
0x73: {  	[spmem:s2] =	stream.indirect.scatter.add.f32 [tilespmem:s14], [sflag:$0x3], $0x80, s28, s17, $0xb8;
	[tilespmem:$0x1C400] =	vst v63  }
0x74: {  	_ =	swait.ge [sflag:s20], $0x4000  }
0x75: {  	[sflag:s20] =	ssyncset.done $0x0  }
0x76: {  	[sflag:s20] =	ssyncadd.s32 $0xFFFFC000  }
0x77: {  	[tilespmem:s14], [sflag:$0x1] =	stream.indirect.gather [hbm4b:s4+s17], $0x80, s29, s17, $0xb8;
	[tilespmem:$0x1C400] =	vst v63  }
0x78: {  	_ =	swait.ge [sflag:s22], $0x4000  }
0x79: {  	[sflag:s22] =	ssyncset.done $0x0  }
0x7a: {  	[sflag:s22] =	ssyncadd.s32 $0xFFFFC000  }
0x7b: {  	[spmem:s2] =	stream.indirect.scatter.add.f32 [tilespmem:s18], [sflag:$0x4], $0x80, s30, s17, $0xb8;
	[tilespmem:$0x1C400] =	vst v63  }
0x7c: {  	_ =	swait.ge [sflag:s25], $0x4000  }
0x7d: {  	[sflag:s25] =	ssyncset.done $0x0  }
0x7e: {  	[sflag:s25] =	ssyncadd.s32 $0xFFFFC000  }
0x7f: {  	[tilespmem:s18], [sflag:$0x2] =	stream.indirect.gather [hbm4b:s4+s17], $0x80, s31, s17, $0xb8;
	[tilespmem:$0x1C400] =	vst v63  }
0x80: {  	_ =	swait.ge [sflag:s19], $0x4000  }
0x81: {  	[sflag:s19] =	ssyncset.done $0x0  }
0x82: {  	[sflag:s19] =	ssyncadd.s32 $0xFFFFC000  }
0x83: {  	[spmem:s2] =	stream.indirect.scatter.add.f32 [tilespmem:s14], [sflag:$0x3], $0x80, s0, s17, $0xb8;
	[tilespmem:$0x1C400] =	vst v63  }
0x84: {  	_ =	swait.ge [sflag:s20], $0x4000  }
0x85: {  	[sflag:s20] =	ssyncset.done $0x0  }
0x86: {  	[sflag:s20] =	ssyncadd.s32 $0xFFFFC000  }
0x87: {  	[tilespmem:s14], [sflag:$0x1] =	stream.indirect.gather [hbm4b:s4+s17], $0x80, s1, s17, $0xb8;
	[tilespmem:$0x1C400] =	vst v63  }
0x88: {  	_ =	swait.ge [sflag:s22], $0x4000  }
0x89: {  	[sflag:s22] =	ssyncset.done $0x0  }
0x8a: {  	[sflag:s22] =	ssyncadd.s32 $0xFFFFC000  }
0x8b: {  	[spmem:s2] =	stream.indirect.scatter.add.f32 [tilespmem:s18], [sflag:$0x4], $0x80, s6, s17, $0xb8;
	[tilespmem:$0x1C400] =	vst v63  }
0x8c: {  	_ =	swait.ge [sflag:s25], $0x4000  }
0x8d: {  	[sflag:s25] =	ssyncset.done $0x0  }
0x8e: {  	[sflag:s25] =	ssyncadd.s32 $0xFFFFC000  }
0x8f: {  	[tilespmem:s18], [sflag:$0x2] =	stream.indirect.gather [hbm4b:s4+s17], $0x80, s7, s17, $0xb8;
	[tilespmem:$0x1C400] =	vst v63  }
0x90: {  	_ =	swait.ge [sflag:s19], $0x4000  }
0x91: {  	[sflag:s19] =	ssyncset.done $0x0  }
0x92: {  	[sflag:s19] =	ssyncadd.s32 $0xFFFFC000  }
0x93: {  	[spmem:s2] =	stream.indirect.scatter.add.f32 [tilespmem:s14], [sflag:$0x3], $0x80, s8, s17, $0xb8;
	[tilespmem:$0x1C400] =	vst v63  }
0x94: {  	_ =	swait.ge [sflag:s20], $0x4000  }
0x95: {  	[sflag:s20] =	ssyncset.done $0x0  }
0x96: {  	[sflag:s20] =	ssyncadd.s32 $0xFFFFC000  }
0x97: {  	_ =	swait.ge [sflag:s22], $0x4000  }
0x98: {  	[sflag:s22] =	ssyncset.done $0x0  }
.Ltmp6:
0x99: {  	[sflag:s22] =	ssyncadd.s32 $0xFFFFC000;
	(pc) =	sbr.rel .LBB2_6-.Ltmp6, $4  }
0x9a: {  	[spmem:s2] =	stream.indirect.scatter.add.f32 [tilespmem:s18], [sflag:$0x4], $0x80, s9, s17, $0xb8;
	[tilespmem:$0x1C400] =	vst v63  }
0x9b: {  	_ =	swait.ge [sflag:s25], $0x4000  }
0x9c: {  	[sflag:s25] =	ssyncset.done $0x0  }
0x9d: {  	[sflag:s25] =	ssyncadd.s32 $0xFFFFC000  }
.LBB2_8:
0x9e: {  	_ =	sfence.sel $0x180000  }
0x9f: {  	[bflag:$0x0] =	sbarrier.arrive $0xFFFF  }
0xa0: {  	_ =	strace $0x9000004A  }
0xa1: {  	s0 =	stileid.u32;
	[bflag:$0x2] =	sbarrier.arrive $0xFFFF  }
0xa2: {  	p0 =	sne.s32 s0, $0x0;
	s0 =	rddreg [dreg:$0x3]  }
0xa3: {  	s0 =	sadd.s32 @!p0 $0x100000, s0  }
0xa4: {  	[sflag:s0] =	ssyncadd.tile.s32 @!p0 $0x1;
	_ =	shalt  }
.Lfunc_end2:
_tile_overlayer_lowered:
.L_overlay_start_2:
0xa5: {  	(tag) =	ssettag $0x2  }
0xa6: {  	s0 =	rddreg [dreg:$0x0];
	s2 =	stileid.u32  }
0xa7: {  	s1 =	rddreg [dreg:$0x1];
	p0 =	sne.s32 s2, $0x0  }
0xa8: {  	s3 =	rddreg [dreg:$0x2];
	[bflag:$0x3] =	sbarrier.arrive $0xFFFF;
	s2 =	simm.s32 @!p0 $0x1C05  }
0xa9: {  	[timem:s3], [sflag:s2] =	dma.local @!p0 [hbm:s0], s1  }
0xaa: {  	s0 =	simm.s32 @!p0 $0x5  }
0xab: {  	_ =	swait.ge @!p0 [sflag:s0], s1  }
0xac: {  	s1 =	ssub.s32 @!p0 $0x0, s1;
	[sflag:s0] =	ssyncset.done @!p0 $0x0  }
0xad: {  	[sflag:s0] =	ssyncadd.s32 @!p0 s1  }
0xae: {  	[bflag:$0x3] =	sbarrier.arrive $0xFFFF  }
0xaf: {  	_ =	shalt  }

// kernel: kernel.15.cloned.1.call-start
scs
__scs_entry_jumppad:
0x0: {  	(pc) =	sbr.rel $0x88, $3  }
0x1: {  	(tag) =	ssettag $0x0;
	lr =	simm.s32 $0x1  }
0x2: {  	[smem:$0x3F9B] =	sst lr;
	_ =	strace $0xD0000000  }
0x3: {  	_ = 	snop  }
0x4: {  	_ = 	snop  }
0x5: {  	_ = 	snop  }
0x6: {  	_ = 	snop  }
0x7: {  	_ = 	snop  }
__scs_overlays_trampoline_lowered:
0x8: {  	[smem:$0x3FAA] =	sst s0  }
0x9: {  	[smem:$0x3FAB] =	sst s1  }
0xa: {  	[smem:$0x3FAC] =	sst s2  }
0xb: {  	[smem:$0x3FAD] =	sst s3  }
0xc: {  	[smem:$0x3FAE] =	sst s4  }
0xd: {  	[smem:$0x3FAF] =	sst s5  }
0xe: {  	[smem:$0x3FB0] =	sst s6  }
0xf: {  	[smem:$0x3FB1] =	sst s7  }
0x10: {  	[smem:$0x3FB2] =	sst s8  }
0x11: {  	[smem:$0x3FB3] =	sst s9;
	s0 =	simm.s32 @!p0 $0x0  }
0x12: {  	s1 =	sld [smem:$0x3F99];
	s0 =	simm.s32 @p0 $0x1  }
0x13: {  	[smem:$0x3FB4] =	sst s0;
	s0 =	simm.s32 @!p1 $0x0  }
0x14: {  	s2 =	sld [smem:$0x3F98];
	s0 =	simm.s32 @p1 $0x1  }
0x15: {  	[smem:$0x3FB5] =	sst s0;
	s0 =	simm.s32 @!p2 $0x0  }
0x16: {  	s3 =	sld [smem:$0x3FDB];
	s0 =	simm.s32 @p2 $0x1  }
0x17: {  	s4 =	simm.s32 $0x1BF5;
	[smem:$0x3FB7] =	sst s0  }
0x18: {  	s0 =	sld [smem:$0x3F9A];
	_ =	swait.ge [sflag:s4], $0x0  }
0x19: {  	s7 =	sld [smem:$0x3F9B]  }
0x1a: {  	s8 =	sadd.s32 $0xFFFFE003, lr  }
0x1b: {  	s9 =	sadd.s32 $0xFFFFFEF7, lr;
	s5 =	simm.s32 $0xFFFFFFFF;
	p2 =	slt.u32 s8, $0xFFFFF086  }
0x1c: {  	p1 =	slt.u32 s9, $0xF7A;
	s5 =	simm.s32 @!p2 $0x0  }
0x1d: {  	s5 =	simm.s32 @p1 $0x1;
	p0 =	seq.s32 s7, s2  }
0x1e: {  	s7 =	smul.u32 @!p0 $0xF7A, s2;
	p2 =	seq.s32 @!p0 s5, $0x0  }
0x1f: {  	s9 =	smul.u32 $0xF7A, s1;
	s8 =	simm.s32 @!p0 $0x1BF5;
	p2 =	por !p2, p0  }
0x20: {  	[sflag:s8] =	ssyncset.s32 @!p0 $0xFFFFF086;
	s6 =	sadd.s32 @!p0 s3, s7;
	s7 =	simm.s32 @!p0 $0x108  }
0x21: {  	s3 =	sadd.s32 s3, s9;
	s6 =	sadd.s32 @!p0 $0x88, s6;
	s7 =	simm.s32 @p2 $0x1082  }
0x22: {  	[simem:s7], [sflag:s8] =	dma.local @!p0 [hbm:s6], $0xF7A  }
0x23: {  	s9 =	sor.u32 $0xD0000000, s2;
	s6 =	simm.s32 $0x108;
	_ =	swait.ge @!p0 [sflag:s8], $0x0  }
0x24: {  	s3 =	sadd.s32 $0x88, s3;
	s6 =	simm.s32 @!p1 $0x1082;
	[sflag:s4] =	ssyncset.s32 $0xFFFFF086  }
0x25: {  	[simem:s6], [sflag:s4] =	dma.local [hbm:s3], $0xF7A  }
0x26: {  	[smem:$0x3F9B] =	sst s1;
	(tag) =	ssettag s2;
	_ =	strace s9  }
0x27: {  	s1 =	sld [smem:$0x3FAB]  }
0x28: {  	s2 =	sld [smem:$0x3FAC]  }
0x29: {  	s4 =	sld [smem:$0x3FAE]  }
0x2a: {  	p0 =	seq.s32 s5, $0x0;
	s5 =	sld [smem:$0x3FAF]  }
0x2b: {  	s6 =	sld [smem:$0x3FB0]  }
0x2c: {  	s7 =	sld [smem:$0x3FB1]  }
0x2d: {  	s3 =	simm.s32 $0x108;
	s8 =	sld [smem:$0x3FB2]  }
0x2e: {  	s3 =	simm.s32 @!p0 $0x1082;
	s9 =	sld [smem:$0x3FB3]  }
0x2f: {  	lr =	sadd.s32 s0, s3;
	s0 =	sld [smem:$0x3FAA]  }
0x30: {  	s3 =	sld [smem:$0x3FAD]  }
0x31: {  	[smem:$0x3FB6] =	sst s10  }
0x32: {  	s10 =	sld [smem:$0x3FB4];
	_ =	sdelay $0x3  }
0x33: {  	p0 =	seq.s32 s10, $0x1;
	s10 =	sld [smem:$0x3FB6];
	_ =	sdelay $0x3  }
0x34: {  	[smem:$0x3FB6] =	sst s10  }
0x35: {  	s10 =	sld [smem:$0x3FB5];
	_ =	sdelay $0x3  }
0x36: {  	p1 =	seq.s32 s10, $0x1;
	s10 =	sld [smem:$0x3FB6];
	_ =	sdelay $0x3  }
0x37: {  	[smem:$0x3FB6] =	sst s10  }
0x38: {  	s10 =	sld [smem:$0x3FB7]  }
0x39: {  	_ = 	snop;
	(pc) =	sbr.ind lr, $3  }
0x3a: {  	_ = 	snop  }
0x3b: {  	_ = 	snop  }
0x3c: {  	p2 =	seq.s32 s10, $0x1;
	s10 =	sld [smem:$0x3FB6]  }
0x3d: {  	_ =	shalt  }
0x3e: {  	_ =	shalt  }
0x3f: {  	_ =	shalt  }
0x40: {  	_ =	shalt  }
0x41: {  	_ =	shalt  }
0x42: {  	_ =	shalt  }
0x43: {  	_ =	shalt  }
0x44: {  	_ =	shalt  }
0x45: {  	_ =	shalt  }
0x46: {  	_ =	shalt  }
0x47: {  	_ =	shalt  }
0x48: {  	_ =	shalt  }
0x49: {  	_ =	shalt  }
0x4a: {  	_ =	shalt  }
0x4b: {  	_ =	shalt  }
0x4c: {  	_ =	shalt  }
0x4d: {  	_ =	shalt  }
0x4e: {  	_ =	shalt  }
0x4f: {  	_ =	shalt  }
0x50: {  	_ =	shalt  }
0x51: {  	_ =	shalt  }
0x52: {  	_ =	shalt  }
0x53: {  	_ =	shalt  }
0x54: {  	_ =	shalt  }
0x55: {  	_ =	shalt  }
0x56: {  	_ =	shalt  }
0x57: {  	_ =	shalt  }
0x58: {  	_ =	shalt  }
0x59: {  	_ =	shalt  }
0x5a: {  	_ =	shalt  }
0x5b: {  	_ =	shalt  }
0x5c: {  	_ =	shalt  }
0x5d: {  	_ =	shalt  }
0x5e: {  	_ =	shalt  }
0x5f: {  	_ =	shalt  }
0x60: {  	_ =	shalt  }
0x61: {  	_ =	shalt  }
0x62: {  	_ =	shalt  }
0x63: {  	_ =	shalt  }
0x64: {  	_ =	shalt  }
0x65: {  	_ =	shalt  }
0x66: {  	_ =	shalt  }
0x67: {  	_ =	shalt  }
0x68: {  	_ =	shalt  }
0x69: {  	_ =	shalt  }
0x6a: {  	_ =	shalt  }
0x6b: {  	_ =	shalt  }
0x6c: {  	_ =	shalt  }
0x6d: {  	_ =	shalt  }
0x6e: {  	_ =	shalt  }
0x6f: {  	_ =	shalt  }
0x70: {  	_ =	shalt  }
0x71: {  	_ =	shalt  }
0x72: {  	_ =	shalt  }
0x73: {  	_ =	shalt  }
0x74: {  	_ =	shalt  }
0x75: {  	_ =	shalt  }
0x76: {  	_ =	shalt  }
0x77: {  	_ =	shalt  }
0x78: {  	_ =	shalt  }
0x79: {  	_ =	shalt  }
0x7a: {  	_ =	shalt  }
0x7b: {  	_ =	shalt  }
0x7c: {  	_ =	shalt  }
0x7d: {  	_ =	shalt  }
0x7e: {  	_ =	shalt  }
0x7f: {  	_ =	shalt  }
0x80: {  	_ =	shalt  }
0x81: {  	_ =	shalt  }
0x82: {  	_ =	shalt  }
0x83: {  	_ =	shalt  }
0x84: {  	_ =	shalt  }
0x85: {  	_ =	shalt  }
0x86: {  	_ =	shalt  }
0x87: {  	_ =	shalt  }
.Lfunc_end0:
.L_simem_size_0:
called_computation.2_lowered:
.L_overlay_start_0:
0x88: {  	s2 =	sld [smem:$0x3FD9]  }
0x89: {  	s3 =	sld [smem:$0x3FFE];
	_ =	sdelay $0x1  }
0x8a: {  	s1 =	srdreg.scid  }
0x8b: {  	s0 =	sand.u32 $0x1, s1  }
0x8c: {  	s17 =	sshll.u32 s0, $0xA;
	s2 =	sadd.s32 s3, s2  }
0x8d: {  	s2 =	sadd.s32 s2, s17  }
0x8e: {  	[smem:$0x3FC2] =	sst s2  }
0x8f: {  	_ = 	snop  }
0x90: {  	s2 =	sld [smem:$0x3FD0];
	(tm) =	ssettm $0x1  }
0x91: {  	s18 =	sld [smem:$0x3FFB];
	_ =	sdelay $0x3  }
0x92: {  	_ =	strace s18  }
0x93: {  	s3 =	sld [smem:$0x3FFC];
	_ =	sdelay $0x3  }
0x94: {  	_ =	strace s3  }
0x95: {  	s3 =	sld [smem:$0x3FFD];
	_ =	sdelay $0x3  }
0x96: {  	_ =	strace s3  }
0x97: {  	_ =	strace $0x8FFFFFFF  }
0x98: {  	s19 =	sld [smem:$0x3FDB];
	_ =	sdelay $0x1  }
0x99: {  	s4 =	simm.s32 $_scs_section_size  }
0x9a: {  	s5 =	simm.s32 $_size__tile_overlayer_lowered;
	s6 =	simm.s32 $_tile_overlayer_lowered  }
0x9b: {  	s22 =	simm.s32 $0x1BFF;
	s21 =	sshll.u32 s6, $0x1;
	s3 =	sadd.s32 s4, s19  }
0x9c: {  	s7 =	simm.s32 $0x0;
	s20 =	sshll.u32 s5, $0x1;
	s5 =	sadd.s32 s21, s3  }
0x9d: {  	[timem:s7], [sflag:s22] =	dma.local [hbm:s5], s20  }
0x9e: {  	_ =	swait.ge [sflag:s22], s20  }
0x9f: {  	s4 =	ssub.s32 $0x0, s20;
	[sflag:s22] =	ssyncset.done $0x0  }
0xa0: {  	[sflag:s22] =	ssyncadd.s32 s4;
	_ =	sdelay $0x1  }
0xa1: {  	s23 =	simm.s32 $0x1B8B  }
0xa2: {  	_ =	swait.ge [sflag:s23], $0x1  }
0xa3: {  	[sflag:s23] =	ssyncset.done $0x0  }
0xa4: {  	s25 =	simm.s32 $0x1B8E;
	s24 =	sld [smem:$0x3FFE];
	[sflag:s23] =	ssyncadd.s32 $0xFFFFFFFF  }
0xa5: {  	s26 =	simm.s32 $execute0_lowered;
	[smem:$0x3FD2] =	sst s25  }
0xa6: {  	s5 =	sshll.u32 s26, $0x1;
	_ =	strace $0x8000004C;
	[dreg:$0x1] =	wrdreg $0xFFFFFFFF  }
0xa7: {  	s28 =	simm.s32 $_size_execute0_lowered;
	s3 =	sadd.s32 s3, s5;
	[dreg:$0x0] =	wrdreg $0x0  }
0xa8: {  	s5 =	sshll.u32 s28, $0x1;
	[dreg:$0x2] =	wrdreg s3  }
0xa9: {  	[dreg:$0x3] =	wrdreg s5  }
0xaa: {  	[dreg:$0x4] =	wrdreg $0xC0  }
0xab: {  	_ =	task [dreg:s7], $0x5FFFF  }
0xac: {  	[dreg:$0x1] =	wrdreg $0xFFFFFFFF  }
0xad: {  	[dreg:$0x0] =	wrdreg $0x60  }
0xae: {  	[dreg:$0x2] =	wrdreg s24  }
0xaf: {  	[dreg:$0x3] =	wrdreg s2  }
0xb0: {  	[dreg:$0x4] =	wrdreg $0x88000  }
0xb1: {  	[dreg:$0x5] =	wrdreg $0x9  }
0xb2: {  	_ =	task.clear_ibuf [dreg:s7], $0x6FFFF;
	_ =	strace $0x9000004C  }
0xb3: {  	s29 =	simm.s32 $0x9;
	_ =	strace $0x8000004E  }
0xb4: {  	_ =	swait.ge [sflag:s29], $0x1  }
0xb5: {  	[sflag:s29] =	ssyncadd.s32 $0xFFFFFFFF  }
0xb6: {  	_ =	strace $0x9000004E  }
0xb7: {  	_ =	sfence  }
0xb8: {  	s30 =	sld [smem:$0x0];
	_ =	sdelay $0x2  }
0xb9: {  	s31 =	sshll.u32 s1, $0xD;
	s1 =	sshrl.u32 s1, $0x2  }
0xba: {  	s3 =	sand.u32 $0x4000, s31;
	s1 =	sadd.s32 s1, s30  }
0xbb: {  	s0 =	sor.u32 s3, s0;
	s1 =	sshll.u32 s1, $0x11  }
0xbc: {  	s0 =	sor.u32 s1, s0  }
0xbd: {  	s0 =	sadd.s32 $0x8F2B, s0  }
0xbe: {  	[sflag:s0] =	ssyncadd.remote.s32 $0x1  }
0xbf: {  	_ =	sfence.sel $0xFFFF  }
0xc0: {  	[dreg:$0x0] =	wrdreg $0xFFFFFFFF;
	(pc) =	sbr.abs _section_cstart, $3  }
0xc1: {  	[dreg:$0x1] =	wrdreg $0xFFFFFFFF  }
0xc2: {  	_ =	task.clear_ibuf [dreg:s7], $0x2FFFF;
	_ =	strace $0x9FFFFFFF  }
0xc3: {  	(tm) =	ssettm $0x7FFFFFFF  }
tec
execute0_lowered:
.L_overlay_start_1:
0x0: {  	(tag) =	ssettag $0x1  }
0x1: {  	s0 =	rddreg [dreg:$0x0]  }
0x2: {  	s1 =	rddreg [dreg:$0x1]  }
0x3: {  	s2 =	rddreg [dreg:$0x2]  }
0x4: {  	s3 =	simm.s32 $0x0;
	s4 =	srdreg.scid;
	s11 =	stileid.u32  }
0x5: {  	s14 =	simm.s32 $0x800;
	s15 =	simm.s32 $0x5;
	s16 =	simm.s32 $0x400  }
0x6: {  	s17 =	simm.s32 $0x80;
	s18 =	simm.s32 $0x4800;
	s28 =	simm.s32 $0x500  }
0x7: {  	s29 =	simm.s32 $0x200;
	s5 =	sand.u32 $0x1, s4;
	s4 =	smul.u32 $0x98, s11  }
0x8: {  	s30 =	simm.s32 $0x580;
	s31 =	simm.s32 $0x280;
	s7 =	smul.u32 $0x4F000, s11  }
0x9: {  	s6 =	sshll.u32 s11, $0x3;
	[smem:$0x7FF] =	sst s3;
	s25 =	smul.u32 $0x2780, s11  }
0xa: {  	s11 =	simm.s32 $0x0;
	p0 =	seq.s32 s5, $0x0;
	s6 =	sor.u32 $0x980, s6  }
0xb: {  	_ =	strace $0x8000004D;
	s8 =	smul.u32 $0x27800, s5;
	s10 =	ssub.s32 $0x2, s5  }
0xc: {  	s6 =	smov.u32 @p0 s4;
	s4 =	sadd.s32 $0x5BA00, s0;
	s19 =	sshrl.u32 s7, $0x2  }
0xd: {  	s20 =	sshrl.u32 s10, $0x1;
	s6 =	sshll.u32 s6, $0x4;
	s5 =	sadd.s32 s19, s2  }
0xe: {  	s7 =	ssub.s32 s10, s20;
	s10 =	simm.s32 $0x13;
	s19 =	simm.s32 $0x1  }
0xf: {  	s20 =	simm.s32 $0x3;
	s9 =	sadd.s32 s6, s0;
	s21 =	sadd.s32 $0x4000, s5  }
0x10: {  	s0 =	sadd.s32 s8, s0;
	s22 =	sadd.s32 $0x8000, s5;
	[dreg:$0x4] =	wrdreg s21  }
0x11: {  	s23 =	sadd.s32 $0xC000, s5;
	s24 =	sadd.s32 $0x10000, s5;
	[dreg:$0x5] =	wrdreg s22  }
0x12: {  	s10 =	simm.s32 @!p0 $0x1;
	s7 =	smax.u32 s7, $0x1;
	[dreg:$0x6] =	wrdreg s23  }
0x13: {  	s1 =	sadd.s32 s6, s1;
	s6 =	simm.s32 $0x680;
	[dreg:$0x7] =	wrdreg s24  }
0x14: {  	s8 =	simm.s32 $0x700;
	s0 =	sadd.s32 $0x83200, s0;
	[dreg:$0x8] =	wrdreg s7  }
.Ltmp0:
0x15: {  	s26 =	sadd.s32 $0x2A00, s9;
	[dreg:$0xa] =	wrdreg s1;
	(pc) =	sbr.rel .LBB2_1-.Ltmp0, $4  }
0x16: {  	s21 =	simm.s32 $0x100;
	s22 =	simm.s32 $0x2;
	s23 =	simm.s32 $0x480  }
0x17: {  	s1 =	simm.s32 $0x300;
	s7 =	simm.s32 $0x380;
	s9 =	simm.s32 $0x780  }
0x18: {  	[dreg:$0x9] =	wrdreg s26;
	s0 =	sadd.s32 s25, s0;
	s25 =	simm.s32 $0x4  }
0x19: {  	v0 =	vimm.f32 $0.0e+00;
	s26 =	simm.s32 $0x180;
	[dreg:$0xb] =	wrdreg s0;
	s0 =	simm.s32 $0x600  }
.LBB2_7:
0x1a: {  	s12 =	stileid.u32  }
0x1b: {  	[bflag:$0x0] =	sbarrier.arrive $0xFFFF;
	s12 =	sshll.u32 s12, $0x6  }
0x1c: {  	s13 =	sshrl.u32 s5, $0x3;
	s24 =	rddreg [dreg:$0xb];
	s12 =	sor.u32 $0x1C05, s12  }
0x1d: {  	[hbm:s24], [sflag:s12] =	dma.local [spmem:s13], $0x2780  }
0x1e: {  	_ =	swait.ge [sflag:s15], $0x2780  }
0x1f: {  	s11 =	sadd.s32 $0x1, s11;
	s24 =	rddreg [dreg:$0x8]  }
0x20: {  	p0 =	sne.s32 s11, s24  }
.Ltmp1:
0x21: {  	_ = 	snop;
	(pc) =	sbr.rel @!p0 .LBB2_8-.Ltmp1, $3  }
0x22: {  	_ =	sdelay $0x1  }
0x23: {  	[sflag:s15] =	ssyncset.done $0x0  }
0x24: {  	[sflag:s15] =	ssyncadd.s32 $0xFFFFD880  }
.LBB2_1:
0x25: {  	s12 =	simm.s32 $0x0;
	s13 =	simm.s32 $0x200  }
.LBB2_2:
0x26: {  	p0 =	sne.s32 s13, $0xFE00;
	[tilespmem:s12+$0x870] =	vst v0  }
0x27: {  	[tilespmem:s12+$0x800] =	vst v0  }
0x28: {  	[tilespmem:s12+$0x810] =	vst v0  }
.Ltmp2:
0x29: {  	[tilespmem:s12+$0x820] =	vst v0;
	(pc) =	sbr.rel @p0 .LBB2_2-.Ltmp2, $4  }
0x2a: {  	[tilespmem:s12+$0x830] =	vst v0  }
0x2b: {  	[tilespmem:s12+$0x840] =	vst v0  }
0x2c: {  	[tilespmem:s12+$0x850] =	vst v0  }
0x2d: {  	[tilespmem:s12+$0x860] =	vst v0;
	s12 =	sshra.s32 s13, $0x2;
	s13 =	sadd.s32 $0x200, s13  }
0x2e: {  	[tilespmem:s12+$0x870] =	vst v0  }
0x2f: {  	[tilespmem:s12+$0x800] =	vst v0  }
0x30: {  	[tilespmem:s12+$0x810] =	vst v0  }
0x31: {  	[tilespmem:s12+$0x820] =	vst v0  }
0x32: {  	[tilespmem:s12+$0x830] =	vst v0  }
0x33: {  	[tilespmem:s12+$0x840] =	vst v0  }
0x34: {  	[tilespmem:s12+$0x850] =	vst v0  }
0x35: {  	[tilespmem:s12+$0x860] =	vst v0  }
0x36: {  	[spmem:s5] =	stream.linear.scatter [tilespmem:s14], [sflag:$0x5], $0x4000, $0x38;
	[tilespmem:$0x1C400] =	vst v63  }
0x37: {  	_ =	swait.ge [sflag:s15], $0x4000  }
0x38: {  	[sflag:s15] =	ssyncset.done $0x0  }
0x39: {  	s13 =	rddreg [dreg:$0x4];
	[sflag:s15] =	ssyncadd.s32 $0xFFFFC000  }
0x3a: {  	[spmem:s13] =	stream.linear.scatter [tilespmem:s14], [sflag:$0x5], $0x4000, $0x38;
	[tilespmem:$0x1C400] =	vst v63  }
0x3b: {  	_ =	swait.ge [sflag:s15], $0x4000  }
0x3c: {  	[sflag:s15] =	ssyncset.done $0x0  }
0x3d: {  	s24 =	rddreg [dreg:$0x5];
	[sflag:s15] =	ssyncadd.s32 $0xFFFFC000  }
0x3e: {  	[spmem:s24] =	stream.linear.scatter [tilespmem:s14], [sflag:$0x5], $0x4000, $0x38;
	[tilespmem:$0x1C400] =	vst v63  }
0x3f: {  	_ =	swait.ge [sflag:s15], $0x4000  }
0x40: {  	[sflag:s15] =	ssyncset.done $0x0  }
0x41: {  	s13 =	rddreg [dreg:$0x6];
	[sflag:s15] =	ssyncadd.s32 $0xFFFFC000  }
0x42: {  	[spmem:s13] =	stream.linear.scatter [tilespmem:s14], [sflag:$0x5], $0x4000, $0x38;
	[tilespmem:$0x1C400] =	vst v63  }
0x43: {  	_ =	swait.ge [sflag:s15], $0x4000  }
0x44: {  	[sflag:s15] =	ssyncset.done $0x0  }
0x45: {  	s24 =	rddreg [dreg:$0x7];
	[sflag:s15] =	ssyncadd.s32 $0xFFFFC000  }
0x46: {  	[spmem:s24] =	stream.linear.scatter [tilespmem:s14], [sflag:$0x5], $0x3C00, $0x38;
	[tilespmem:$0x1C400] =	vst v63  }
0x47: {  	_ =	swait.ge [sflag:s15], $0x3C00  }
.Ltmp3:
0x48: {  	[sflag:s15] =	ssyncset.done $0x0;
	(pc) =	sbr.rel .LBB2_4-.Ltmp3, $4  }
0x49: {  	[sflag:s15] =	ssyncadd.s32 $0xFFFFC400  }
0x4a: {  	[bflag:$0x0] =	sbarrier.arrive $0xFFFF  }
0x4b: {  	s13 =	rddreg [dreg:$0xa]  }
0x4c: {  	s12 =	simm.s32 $0x0;
	s24 =	rddreg [dreg:$0x9]  }
.LBB2_6:
0x4d: {  	s12 =	sadd.s32 $0x1, s12  }
0x4e: {  	p0 =	sne.s32 s12, $0x13  }
.Ltmp4:
0x4f: {  	_ = 	snop;
	(pc) =	sbr.rel @!p0 .LBB2_7-.Ltmp4, $2  }
0x50: {  	_ =	sdelay $0x2  }
0x51: {  	s24 =	sadd.s32 $0x80, s24;
	s13 =	sadd.s32 $0x80, s13  }
.LBB2_4:
0x52: {  	p0 =	sge.u32 s12, s10  }
.Ltmp5:
0x53: {  	_ = 	snop;
	(pc) =	sbr.rel @p0 .LBB2_6-.Ltmp5, $1  }
0x54: {  	_ =	sdelay $0x3  }
0x55: {  	[tilespmem:s3], [sflag:$0x5] =	stream.linear.gather [hbm4b:s13+s3], $0x400, $0x38;
	[tilespmem:$0x1C400] =	vst v63  }
0x56: {  	_ =	swait.ge [sflag:s15], $0x400  }
0x57: {  	[sflag:s15] =	ssyncset.done $0x0  }
0x58: {  	[sflag:s15] =	ssyncadd.s32 $0xFFFFFC00  }
0x59: {  	[tilespmem:s16], [sflag:$0x5] =	stream.linear.gather [hbm4b:s24+s3], $0x400, $0x38;
	[tilespmem:$0x1C400] =	vst v63  }
0x5a: {  	_ =	swait.ge [sflag:s15], $0x400  }
0x5b: {  	[sflag:s15] =	ssyncset.done $0x0  }
0x5c: {  	[sflag:s15] =	ssyncadd.s32 $0xFFFFFC00  }
0x5d: {  	[tilespmem:s14], [sflag:$0x1] =	stream.indirect.gather [hbm4b:s4+s17], $0x80, s3, s17, $0xb8;
	[tilespmem:$0x1C400] =	vst v63  }
0x5e: {  	_ = 	snop  }
0x5f: {  	[tilespmem:s18], [sflag:$0x2] =	stream.indirect.gather [hbm4b:s4+s17], $0x80, s17, s17, $0xb8;
	[tilespmem:$0x1C400] =	vst v63  }
0x60: {  	_ =	swait.ge [sflag:s19], $0x4000  }
0x61: {  	[sflag:s19] =	ssyncset.done $0x0  }
0x62: {  	[sflag:s19] =	ssyncadd.s32 $0xFFFFC000  }
0x63: {  	[spmem:s2] =	stream.indirect.scatter.add.f32 [tilespmem:s14], [sflag:$0x3], $0x80, s16, s17, $0xb8;
	[tilespmem:$0x1C400] =	vst v63  }
0x64: {  	_ =	swait.ge [sflag:s20], $0x4000  }
0x65: {  	[sflag:s20] =	ssyncset.done $0x0  }
0x66: {  	[sflag:s20] =	ssyncadd.s32 $0xFFFFC000  }
0x67: {  	[tilespmem:s14], [sflag:$0x1] =	stream.indirect.gather [hbm4b:s4+s17], $0x80, s21, s17, $0xb8;
	[tilespmem:$0x1C400] =	vst v63  }
0x68: {  	_ =	swait.ge [sflag:s22], $0x4000  }
0x69: {  	[sflag:s22] =	ssyncset.done $0x0  }
0x6a: {  	[sflag:s22] =	ssyncadd.s32 $0xFFFFC000  }
0x6b: {  	[spmem:s2] =	stream.indirect.scatter.add.f32 [tilespmem:s18], [sflag:$0x4], $0x80, s23, s17, $0xb8;
	[tilespmem:$0x1C400] =	vst v63  }
0x6c: {  	_ =	swait.ge [sflag:s25], $0x4000  }
0x6d: {  	[sflag:s25] =	ssyncset.done $0x0  }
0x6e: {  	[sflag:s25] =	ssyncadd.s32 $0xFFFFC000  }
0x6f: {  	[tilespmem:s18], [sflag:$0x2] =	stream.indirect.gather [hbm4b:s4+s17], $0x80, s26, s17, $0xb8;
	[tilespmem:$0x1C400] =	vst v63  }
0x70: {  	_ =	swait.ge [sflag:s19], $0x4000  }
0x71: {  	[sflag:s19] =	ssyncset.done $0x0  }
0x72: {  	[sflag:s19] =	ssyncadd.s32 $0xFFFFC000  }
0x73: {  	[spmem:s2] =	stream.indirect.scatter.add.f32 [tilespmem:s14], [sflag:$0x3], $0x80, s28, s17, $0xb8;
	[tilespmem:$0x1C400] =	vst v63  }
0x74: {  	_ =	swait.ge [sflag:s20], $0x4000  }
0x75: {  	[sflag:s20] =	ssyncset.done $0x0  }
0x76: {  	[sflag:s20] =	ssyncadd.s32 $0xFFFFC000  }
0x77: {  	[tilespmem:s14], [sflag:$0x1] =	stream.indirect.gather [hbm4b:s4+s17], $0x80, s29, s17, $0xb8;
	[tilespmem:$0x1C400] =	vst v63  }
0x78: {  	_ =	swait.ge [sflag:s22], $0x4000  }
0x79: {  	[sflag:s22] =	ssyncset.done $0x0  }
0x7a: {  	[sflag:s22] =	ssyncadd.s32 $0xFFFFC000  }
0x7b: {  	[spmem:s2] =	stream.indirect.scatter.add.f32 [tilespmem:s18], [sflag:$0x4], $0x80, s30, s17, $0xb8;
	[tilespmem:$0x1C400] =	vst v63  }
0x7c: {  	_ =	swait.ge [sflag:s25], $0x4000  }
0x7d: {  	[sflag:s25] =	ssyncset.done $0x0  }
0x7e: {  	[sflag:s25] =	ssyncadd.s32 $0xFFFFC000  }
0x7f: {  	[tilespmem:s18], [sflag:$0x2] =	stream.indirect.gather [hbm4b:s4+s17], $0x80, s31, s17, $0xb8;
	[tilespmem:$0x1C400] =	vst v63  }
0x80: {  	_ =	swait.ge [sflag:s19], $0x4000  }
0x81: {  	[sflag:s19] =	ssyncset.done $0x0  }
0x82: {  	[sflag:s19] =	ssyncadd.s32 $0xFFFFC000  }
0x83: {  	[spmem:s2] =	stream.indirect.scatter.add.f32 [tilespmem:s14], [sflag:$0x3], $0x80, s0, s17, $0xb8;
	[tilespmem:$0x1C400] =	vst v63  }
0x84: {  	_ =	swait.ge [sflag:s20], $0x4000  }
0x85: {  	[sflag:s20] =	ssyncset.done $0x0  }
0x86: {  	[sflag:s20] =	ssyncadd.s32 $0xFFFFC000  }
0x87: {  	[tilespmem:s14], [sflag:$0x1] =	stream.indirect.gather [hbm4b:s4+s17], $0x80, s1, s17, $0xb8;
	[tilespmem:$0x1C400] =	vst v63  }
0x88: {  	_ =	swait.ge [sflag:s22], $0x4000  }
0x89: {  	[sflag:s22] =	ssyncset.done $0x0  }
0x8a: {  	[sflag:s22] =	ssyncadd.s32 $0xFFFFC000  }
0x8b: {  	[spmem:s2] =	stream.indirect.scatter.add.f32 [tilespmem:s18], [sflag:$0x4], $0x80, s6, s17, $0xb8;
	[tilespmem:$0x1C400] =	vst v63  }
0x8c: {  	_ =	swait.ge [sflag:s25], $0x4000  }
0x8d: {  	[sflag:s25] =	ssyncset.done $0x0  }
0x8e: {  	[sflag:s25] =	ssyncadd.s32 $0xFFFFC000  }
0x8f: {  	[tilespmem:s18], [sflag:$0x2] =	stream.indirect.gather [hbm4b:s4+s17], $0x80, s7, s17, $0xb8;
	[tilespmem:$0x1C400] =	vst v63  }
0x90: {  	_ =	swait.ge [sflag:s19], $0x4000  }
0x91: {  	[sflag:s19] =	ssyncset.done $0x0  }
0x92: {  	[sflag:s19] =	ssyncadd.s32 $0xFFFFC000  }
0x93: {  	[spmem:s2] =	stream.indirect.scatter.add.f32 [tilespmem:s14], [sflag:$0x3], $0x80, s8, s17, $0xb8;
	[tilespmem:$0x1C400] =	vst v63  }
0x94: {  	_ =	swait.ge [sflag:s20], $0x4000  }
0x95: {  	[sflag:s20] =	ssyncset.done $0x0  }
0x96: {  	[sflag:s20] =	ssyncadd.s32 $0xFFFFC000  }
0x97: {  	_ =	swait.ge [sflag:s22], $0x4000  }
0x98: {  	[sflag:s22] =	ssyncset.done $0x0  }
.Ltmp6:
0x99: {  	[sflag:s22] =	ssyncadd.s32 $0xFFFFC000;
	(pc) =	sbr.rel .LBB2_6-.Ltmp6, $4  }
0x9a: {  	[spmem:s2] =	stream.indirect.scatter.add.f32 [tilespmem:s18], [sflag:$0x4], $0x80, s9, s17, $0xb8;
	[tilespmem:$0x1C400] =	vst v63  }
0x9b: {  	_ =	swait.ge [sflag:s25], $0x4000  }
0x9c: {  	[sflag:s25] =	ssyncset.done $0x0  }
0x9d: {  	[sflag:s25] =	ssyncadd.s32 $0xFFFFC000  }
.LBB2_8:
0x9e: {  	_ =	sfence.sel $0x180000  }
0x9f: {  	[bflag:$0x0] =	sbarrier.arrive $0xFFFF  }
0xa0: {  	_ =	strace $0x9000004D  }
0xa1: {  	s0 =	stileid.u32;
	[bflag:$0x2] =	sbarrier.arrive $0xFFFF  }
0xa2: {  	p0 =	sne.s32 s0, $0x0;
	s0 =	rddreg [dreg:$0x3]  }
0xa3: {  	s0 =	sadd.s32 @!p0 $0x100000, s0  }
0xa4: {  	[sflag:s0] =	ssyncadd.tile.s32 @!p0 $0x1;
	_ =	shalt  }
.Lfunc_end2:
_tile_overlayer_lowered:
.L_overlay_start_2:
0xa5: {  	(tag) =	ssettag $0x2  }
0xa6: {  	s0 =	rddreg [dreg:$0x0];
	s2 =	stileid.u32  }
0xa7: {  	s1 =	rddreg [dreg:$0x1];
	p0 =	sne.s32 s2, $0x0  }
0xa8: {  	s3 =	rddreg [dreg:$0x2];
	[bflag:$0x3] =	sbarrier.arrive $0xFFFF;
	s2 =	simm.s32 @!p0 $0x1C05  }
0xa9: {  	[timem:s3], [sflag:s2] =	dma.local @!p0 [hbm:s0], s1  }
0xaa: {  	s0 =	simm.s32 @!p0 $0x5  }
0xab: {  	_ =	swait.ge @!p0 [sflag:s0], s1  }
0xac: {  	s1 =	ssub.s32 @!p0 $0x0, s1;
	[sflag:s0] =	ssyncset.done @!p0 $0x0  }
0xad: {  	[sflag:s0] =	ssyncadd.s32 @!p0 s1  }
0xae: {  	[bflag:$0x3] =	sbarrier.arrive $0xFFFF  }
0xaf: {  	_ =	shalt  }

// kernel: kernel.9.cloned.1.call-start
scs
__scs_entry_jumppad:
0x0: {  	(pc) =	sbr.rel $0x88, $3  }
0x1: {  	(tag) =	ssettag $0x0;
	lr =	simm.s32 $0x1  }
0x2: {  	[smem:$0x3F9B] =	sst lr;
	_ =	strace $0xD0000000  }
0x3: {  	_ = 	snop  }
0x4: {  	_ = 	snop  }
0x5: {  	_ = 	snop  }
0x6: {  	_ = 	snop  }
0x7: {  	_ = 	snop  }
__scs_overlays_trampoline_lowered:
0x8: {  	[smem:$0x3FAA] =	sst s0  }
0x9: {  	[smem:$0x3FAB] =	sst s1  }
0xa: {  	[smem:$0x3FAC] =	sst s2  }
0xb: {  	[smem:$0x3FAD] =	sst s3  }
0xc: {  	[smem:$0x3FAE] =	sst s4  }
0xd: {  	[smem:$0x3FAF] =	sst s5  }
0xe: {  	[smem:$0x3FB0] =	sst s6  }
0xf: {  	[smem:$0x3FB1] =	sst s7  }
0x10: {  	[smem:$0x3FB2] =	sst s8  }
0x11: {  	[smem:$0x3FB3] =	sst s9;
	s0 =	simm.s32 @!p0 $0x0  }
0x12: {  	s1 =	sld [smem:$0x3F99];
	s0 =	simm.s32 @p0 $0x1  }
0x13: {  	[smem:$0x3FB4] =	sst s0;
	s0 =	simm.s32 @!p1 $0x0  }
0x14: {  	s2 =	sld [smem:$0x3F98];
	s0 =	simm.s32 @p1 $0x1  }
0x15: {  	[smem:$0x3FB5] =	sst s0;
	s0 =	simm.s32 @!p2 $0x0  }
0x16: {  	s3 =	sld [smem:$0x3FDB];
	s0 =	simm.s32 @p2 $0x1  }
0x17: {  	s4 =	simm.s32 $0x1BF5;
	[smem:$0x3FB7] =	sst s0  }
0x18: {  	s0 =	sld [smem:$0x3F9A];
	_ =	swait.ge [sflag:s4], $0x0  }
0x19: {  	s7 =	sld [smem:$0x3F9B]  }
0x1a: {  	s8 =	sadd.s32 $0xFFFFE003, lr  }
0x1b: {  	s9 =	sadd.s32 $0xFFFFFEF7, lr;
	s5 =	simm.s32 $0xFFFFFFFF;
	p2 =	slt.u32 s8, $0xFFFFF086  }
0x1c: {  	p1 =	slt.u32 s9, $0xF7A;
	s5 =	simm.s32 @!p2 $0x0  }
0x1d: {  	s5 =	simm.s32 @p1 $0x1;
	p0 =	seq.s32 s7, s2  }
0x1e: {  	s7 =	smul.u32 @!p0 $0xF7A, s2;
	p2 =	seq.s32 @!p0 s5, $0x0  }
0x1f: {  	s9 =	smul.u32 $0xF7A, s1;
	s8 =	simm.s32 @!p0 $0x1BF5;
	p2 =	por !p2, p0  }
0x20: {  	[sflag:s8] =	ssyncset.s32 @!p0 $0xFFFFF086;
	s6 =	sadd.s32 @!p0 s3, s7;
	s7 =	simm.s32 @!p0 $0x108  }
0x21: {  	s3 =	sadd.s32 s3, s9;
	s6 =	sadd.s32 @!p0 $0x88, s6;
	s7 =	simm.s32 @p2 $0x1082  }
0x22: {  	[simem:s7], [sflag:s8] =	dma.local @!p0 [hbm:s6], $0xF7A  }
0x23: {  	s9 =	sor.u32 $0xD0000000, s2;
	s6 =	simm.s32 $0x108;
	_ =	swait.ge @!p0 [sflag:s8], $0x0  }
0x24: {  	s3 =	sadd.s32 $0x88, s3;
	s6 =	simm.s32 @!p1 $0x1082;
	[sflag:s4] =	ssyncset.s32 $0xFFFFF086  }
0x25: {  	[simem:s6], [sflag:s4] =	dma.local [hbm:s3], $0xF7A  }
0x26: {  	[smem:$0x3F9B] =	sst s1;
	(tag) =	ssettag s2;
	_ =	strace s9  }
0x27: {  	s1 =	sld [smem:$0x3FAB]  }
0x28: {  	s2 =	sld [smem:$0x3FAC]  }
0x29: {  	s4 =	sld [smem:$0x3FAE]  }
0x2a: {  	p0 =	seq.s32 s5, $0x0;
	s5 =	sld [smem:$0x3FAF]  }
0x2b: {  	s6 =	sld [smem:$0x3FB0]  }
0x2c: {  	s7 =	sld [smem:$0x3FB1]  }
0x2d: {  	s3 =	simm.s32 $0x108;
	s8 =	sld [smem:$0x3FB2]  }
0x2e: {  	s3 =	simm.s32 @!p0 $0x1082;
	s9 =	sld [smem:$0x3FB3]  }
0x2f: {  	lr =	sadd.s32 s0, s3;
	s0 =	sld [smem:$0x3FAA]  }
0x30: {  	s3 =	sld [smem:$0x3FAD]  }
0x31: {  	[smem:$0x3FB6] =	sst s10  }
0x32: {  	s10 =	sld [smem:$0x3FB4];
	_ =	sdelay $0x3  }
0x33: {  	p0 =	seq.s32 s10, $0x1;
	s10 =	sld [smem:$0x3FB6];
	_ =	sdelay $0x3  }
0x34: {  	[smem:$0x3FB6] =	sst s10  }
0x35: {  	s10 =	sld [smem:$0x3FB5];
	_ =	sdelay $0x3  }
0x36: {  	p1 =	seq.s32 s10, $0x1;
	s10 =	sld [smem:$0x3FB6];
	_ =	sdelay $0x3  }
0x37: {  	[smem:$0x3FB6] =	sst s10  }
0x38: {  	s10 =	sld [smem:$0x3FB7]  }
0x39: {  	_ = 	snop;
	(pc) =	sbr.ind lr, $3  }
0x3a: {  	_ = 	snop  }
0x3b: {  	_ = 	snop  }
0x3c: {  	p2 =	seq.s32 s10, $0x1;
	s10 =	sld [smem:$0x3FB6]  }
0x3d: {  	_ =	shalt  }
0x3e: {  	_ =	shalt  }
0x3f: {  	_ =	shalt  }
0x40: {  	_ =	shalt  }
0x41: {  	_ =	shalt  }
0x42: {  	_ =	shalt  }
0x43: {  	_ =	shalt  }
0x44: {  	_ =	shalt  }
0x45: {  	_ =	shalt  }
0x46: {  	_ =	shalt  }
0x47: {  	_ =	shalt  }
0x48: {  	_ =	shalt  }
0x49: {  	_ =	shalt  }
0x4a: {  	_ =	shalt  }
0x4b: {  	_ =	shalt  }
0x4c: {  	_ =	shalt  }
0x4d: {  	_ =	shalt  }
0x4e: {  	_ =	shalt  }
0x4f: {  	_ =	shalt  }
0x50: {  	_ =	shalt  }
0x51: {  	_ =	shalt  }
0x52: {  	_ =	shalt  }
0x53: {  	_ =	shalt  }
0x54: {  	_ =	shalt  }
0x55: {  	_ =	shalt  }
0x56: {  	_ =	shalt  }
0x57: {  	_ =	shalt  }
0x58: {  	_ =	shalt  }
0x59: {  	_ =	shalt  }
0x5a: {  	_ =	shalt  }
0x5b: {  	_ =	shalt  }
0x5c: {  	_ =	shalt  }
0x5d: {  	_ =	shalt  }
0x5e: {  	_ =	shalt  }
0x5f: {  	_ =	shalt  }
0x60: {  	_ =	shalt  }
0x61: {  	_ =	shalt  }
0x62: {  	_ =	shalt  }
0x63: {  	_ =	shalt  }
0x64: {  	_ =	shalt  }
0x65: {  	_ =	shalt  }
0x66: {  	_ =	shalt  }
0x67: {  	_ =	shalt  }
0x68: {  	_ =	shalt  }
0x69: {  	_ =	shalt  }
0x6a: {  	_ =	shalt  }
0x6b: {  	_ =	shalt  }
0x6c: {  	_ =	shalt  }
0x6d: {  	_ =	shalt  }
0x6e: {  	_ =	shalt  }
0x6f: {  	_ =	shalt  }
0x70: {  	_ =	shalt  }
0x71: {  	_ =	shalt  }
0x72: {  	_ =	shalt  }
0x73: {  	_ =	shalt  }
0x74: {  	_ =	shalt  }
0x75: {  	_ =	shalt  }
0x76: {  	_ =	shalt  }
0x77: {  	_ =	shalt  }
0x78: {  	_ =	shalt  }
0x79: {  	_ =	shalt  }
0x7a: {  	_ =	shalt  }
0x7b: {  	_ =	shalt  }
0x7c: {  	_ =	shalt  }
0x7d: {  	_ =	shalt  }
0x7e: {  	_ =	shalt  }
0x7f: {  	_ =	shalt  }
0x80: {  	_ =	shalt  }
0x81: {  	_ =	shalt  }
0x82: {  	_ =	shalt  }
0x83: {  	_ =	shalt  }
0x84: {  	_ =	shalt  }
0x85: {  	_ =	shalt  }
0x86: {  	_ =	shalt  }
0x87: {  	_ =	shalt  }
.Lfunc_end0:
.L_simem_size_0:
called_computation_lowered:
.L_overlay_start_0:
0x88: {  	s2 =	sld [smem:$0x3FD9]  }
0x89: {  	s3 =	sld [smem:$0x3FFE];
	_ =	sdelay $0x1  }
0x8a: {  	s1 =	srdreg.scid  }
0x8b: {  	s0 =	sand.u32 $0x1, s1  }
0x8c: {  	s16 =	sshll.u32 s0, $0xA;
	s2 =	sadd.s32 s3, s2  }
0x8d: {  	s2 =	sadd.s32 s2, s16  }
0x8e: {  	[smem:$0x3FC2] =	sst s2  }
0x8f: {  	_ = 	snop  }
0x90: {  	(tm) =	ssettm $0x1  }
0x91: {  	s17 =	sld [smem:$0x3FFB];
	_ =	sdelay $0x3  }
0x92: {  	_ =	strace s17  }
0x93: {  	s2 =	sld [smem:$0x3FFC];
	_ =	sdelay $0x3  }
0x94: {  	_ =	strace s2  }
0x95: {  	s2 =	sld [smem:$0x3FFD];
	_ =	sdelay $0x3  }
0x96: {  	_ =	strace s2  }
0x97: {  	_ =	strace $0x8FFFFFFF  }
0x98: {  	s18 =	sld [smem:$0x3FDB];
	_ =	sdelay $0x1  }
0x99: {  	s19 =	simm.s32 $_scs_section_size  }
0x9a: {  	s4 =	simm.s32 $_size__tile_overlayer_lowered;
	s5 =	simm.s32 $_tile_overlayer_lowered  }
0x9b: {  	s22 =	simm.s32 $0x1BFF;
	s21 =	sshll.u32 s5, $0x1;
	s2 =	sadd.s32 s19, s18  }
0x9c: {  	s6 =	simm.s32 $0x0;
	s20 =	sshll.u32 s4, $0x1;
	s4 =	sadd.s32 s21, s2  }
0x9d: {  	[timem:s6], [sflag:s22] =	dma.local [hbm:s4], s20  }
0x9e: {  	_ =	swait.ge [sflag:s22], s20  }
0x9f: {  	s3 =	ssub.s32 $0x0, s20;
	[sflag:s22] =	ssyncset.done $0x0  }
0xa0: {  	[sflag:s22] =	ssyncadd.s32 s3;
	_ =	sdelay $0x1  }
0xa1: {  	s23 =	simm.s32 $0x1B8B  }
0xa2: {  	_ =	swait.ge [sflag:s23], $0x1  }
0xa3: {  	[sflag:s23] =	ssyncset.done $0x0  }
0xa4: {  	s25 =	simm.s32 $0x1B8E;
	s24 =	sld [smem:$0x3FFE];
	[sflag:s23] =	ssyncadd.s32 $0xFFFFFFFF  }
0xa5: {  	s26 =	simm.s32 $execute0_lowered;
	[smem:$0x3FD2] =	sst s25  }
0xa6: {  	s4 =	sshll.u32 s26, $0x1;
	_ =	strace $0x80000046;
	[dreg:$0x1] =	wrdreg $0xFFFFFFFF  }
0xa7: {  	s28 =	simm.s32 $_size_execute0_lowered;
	s2 =	sadd.s32 s2, s4;
	[dreg:$0x0] =	wrdreg $0x0  }
0xa8: {  	s4 =	sshll.u32 s28, $0x1;
	[dreg:$0x2] =	wrdreg s2  }
0xa9: {  	[dreg:$0x3] =	wrdreg s4  }
0xaa: {  	[dreg:$0x4] =	wrdreg $0xC0  }
0xab: {  	_ =	task [dreg:s6], $0x5FFFF  }
0xac: {  	[dreg:$0x1] =	wrdreg $0xFFFFFFFF  }
0xad: {  	[dreg:$0x0] =	wrdreg $0x60  }
0xae: {  	[dreg:$0x2] =	wrdreg s24  }
0xaf: {  	[dreg:$0x3] =	wrdreg $0x84000  }
0xb0: {  	[dreg:$0x4] =	wrdreg $0x9  }
0xb1: {  	_ =	task.clear_ibuf [dreg:s6], $0x5FFFF;
	_ =	strace $0x90000046  }
0xb2: {  	s29 =	simm.s32 $0x9;
	_ =	strace $0x80000048  }
0xb3: {  	_ =	swait.ge [sflag:s29], $0x1  }
0xb4: {  	[sflag:s29] =	ssyncadd.s32 $0xFFFFFFFF  }
0xb5: {  	_ =	strace $0x90000048  }
0xb6: {  	_ =	sfence  }
0xb7: {  	s30 =	sld [smem:$0x0];
	_ =	sdelay $0x2  }
0xb8: {  	s31 =	sshll.u32 s1, $0xD;
	s1 =	sshrl.u32 s1, $0x2  }
0xb9: {  	s3 =	sand.u32 $0x4000, s31;
	s1 =	sadd.s32 s1, s30  }
0xba: {  	s0 =	sor.u32 s3, s0;
	s1 =	sshll.u32 s1, $0x11  }
0xbb: {  	s0 =	sor.u32 s1, s0  }
0xbc: {  	s0 =	sadd.s32 $0x8F2B, s0  }
0xbd: {  	[sflag:s0] =	ssyncadd.remote.s32 $0x1  }
0xbe: {  	_ =	sfence.sel $0xFFFF  }
0xbf: {  	[dreg:$0x0] =	wrdreg $0xFFFFFFFF;
	(pc) =	sbr.abs _section_cstart, $3  }
0xc0: {  	[dreg:$0x1] =	wrdreg $0xFFFFFFFF  }
0xc1: {  	_ =	task.clear_ibuf [dreg:s6], $0x2FFFF;
	_ =	strace $0x9FFFFFFF  }
0xc2: {  	(tm) =	ssettm $0x7FFFFFFF  }
0xc3: {  	_ =	shalt  }
tec
execute0_lowered:
.L_overlay_start_1:
0x0: {  	(tag) =	ssettag $0x1  }
0x1: {  	s4 =	rddreg [dreg:$0x0]  }
0x2: {  	s1 =	rddreg [dreg:$0x1];
	s2 =	srdreg.scid  }
0x3: {  	s0 =	rddreg [dreg:$0x2];
	s3 =	simm.s32 $0x0;
	s13 =	simm.s32 $0x80  }
0x4: {  	s14 =	simm.s32 $0x400;
	s15 =	simm.s32 $0x100;
	s5 =	sand.u32 $0x1, s2  }
0x5: {  	s16 =	simm.s32 $0x180;
	s2 =	stileid.u32;
	s6 =	smul.u32 $0x5000, s5  }
0x6: {  	s17 =	simm.s32 $0x200;
	s18 =	simm.s32 $0x280;
	s7 =	smul.u32 $0x4F000, s2  }
0x7: {  	s19 =	simm.s32 $0x300;
	s20 =	simm.s32 $0x380;
	s8 =	smul.u32 $0x27800, s5  }
0x8: {  	s21 =	simm.s32 $0x1;
	[smem:$0x7FF] =	sst s3;
	s12 =	smul.u32 $0x500, s2  }
0x9: {  	_ =	strace $0x80000047;
	s5 =	ssub.s32 $0x2, s5;
	s23 =	smul.u32 $0x2780, s2  }
0xa: {  	s30 =	sshrl.u32 s5, $0x1;
	s9 =	sadd.s32 s6, s4;
	s29 =	sshrl.u32 s7, $0x2  }
0xb: {  	s10 =	sadd.s32 s8, s4;
	s11 =	ssub.s32 s5, s30;
	s4 =	sadd.s32 s29, s1  }
0xc: {  	s22 =	sadd.s32 $0xCA00, s10;
	s31 =	sadd.s32 s12, s9;
	s9 =	smax.u32 s11, $0x1  }
0xd: {  	s11 =	simm.s32 $0x4400;
	s12 =	simm.s32 $0x2;
	s5 =	sadd.s32 $0x4000, s4  }
0xe: {  	s6 =	sadd.s32 $0x8000, s4;
	s7 =	sadd.s32 $0xC000, s4;
	s8 =	sadd.s32 $0x10000, s4  }
0xf: {  	v0 =	vimm.f32 $1.000000000e+00;
	v1 =	vimm.f32 $0.0e+00;
	s10 =	sadd.s32 $0x2A00, s31;
	s22 =	sadd.s32 s23, s22;
	s23 =	simm.s32 $0x0  }
.LBB2_1:
0x10: {  	s24 =	simm.s32 $0x0;
	s25 =	simm.s32 $0x200  }
.LBB2_2:
0x11: {  	p0 =	sne.s32 s25, $0xFE00;
	[tilespmem:s24+$0x470] =	vst v0  }
0x12: {  	[tilespmem:s24+$0x400] =	vst v0  }
0x13: {  	[tilespmem:s24+$0x410] =	vst v0  }
.Ltmp0:
0x14: {  	[tilespmem:s24+$0x420] =	vst v0;
	(pc) =	sbr.rel @p0 .LBB2_2-.Ltmp0, $4  }
0x15: {  	[tilespmem:s24+$0x430] =	vst v0  }
0x16: {  	[tilespmem:s24+$0x440] =	vst v0  }
0x17: {  	[tilespmem:s24+$0x450] =	vst v0  }
0x18: {  	[tilespmem:s24+$0x460] =	vst v0;
	s24 =	sshra.s32 s25, $0x2;
	s25 =	sadd.s32 $0x200, s25  }
0x19: {  	[tilespmem:s24+$0x470] =	vst v0  }
0x1a: {  	[tilespmem:s24+$0x400] =	vst v0  }
0x1b: {  	[tilespmem:s24+$0x410] =	vst v0  }
0x1c: {  	[tilespmem:s24+$0x420] =	vst v0  }
0x1d: {  	[tilespmem:s24+$0x430] =	vst v0  }
0x1e: {  	[tilespmem:s24+$0x440] =	vst v0  }
0x1f: {  	[tilespmem:s24+$0x450] =	vst v0  }
0x20: {  	[tilespmem:s24+$0x460] =	vst v0;
	s24 =	simm.s32 $0x0;
	s25 =	simm.s32 $0x200  }
.LBB2_4:
0x21: {  	p0 =	sne.s32 s25, $0xFE00;
	[tilespmem:s24+$0x4470] =	vst v1  }
0x22: {  	[tilespmem:s24+$0x4400] =	vst v1  }
0x23: {  	[tilespmem:s24+$0x4410] =	vst v1  }
.Ltmp1:
0x24: {  	[tilespmem:s24+$0x4420] =	vst v1;
	(pc) =	sbr.rel @p0 .LBB2_4-.Ltmp1, $4  }
0x25: {  	[tilespmem:s24+$0x4430] =	vst v1  }
0x26: {  	[tilespmem:s24+$0x4440] =	vst v1  }
0x27: {  	[tilespmem:s24+$0x4450] =	vst v1  }
0x28: {  	[tilespmem:s24+$0x4460] =	vst v1;
	s24 =	sshra.s32 s25, $0x2;
	s25 =	sadd.s32 $0x200, s25  }
0x29: {  	[tilespmem:s24+$0x4470] =	vst v1  }
0x2a: {  	[tilespmem:s24+$0x4400] =	vst v1  }
0x2b: {  	[tilespmem:s24+$0x4410] =	vst v1  }
0x2c: {  	[tilespmem:s24+$0x4420] =	vst v1  }
0x2d: {  	[tilespmem:s24+$0x4430] =	vst v1  }
0x2e: {  	[tilespmem:s24+$0x4440] =	vst v1  }
0x2f: {  	[tilespmem:s24+$0x4450] =	vst v1  }
0x30: {  	[tilespmem:s24+$0x4460] =	vst v1  }
0x31: {  	[spmem:s4] =	stream.linear.scatter [tilespmem:s11], [sflag:$0x2], $0x4000, $0x38;
	[tilespmem:$0x1C000] =	vst v63  }
0x32: {  	_ =	swait.ge [sflag:s12], $0x4000  }
0x33: {  	[sflag:s12] =	ssyncset.done $0x0  }
0x34: {  	[sflag:s12] =	ssyncadd.s32 $0xFFFFC000  }
0x35: {  	[spmem:s5] =	stream.linear.scatter [tilespmem:s11], [sflag:$0x2], $0x4000, $0x38;
	[tilespmem:$0x1C000] =	vst v63  }
0x36: {  	_ =	swait.ge [sflag:s12], $0x4000  }
0x37: {  	[sflag:s12] =	ssyncset.done $0x0  }
0x38: {  	[sflag:s12] =	ssyncadd.s32 $0xFFFFC000  }
0x39: {  	[spmem:s6] =	stream.linear.scatter [tilespmem:s11], [sflag:$0x2], $0x4000, $0x38;
	[tilespmem:$0x1C000] =	vst v63  }
0x3a: {  	_ =	swait.ge [sflag:s12], $0x4000  }
0x3b: {  	[sflag:s12] =	ssyncset.done $0x0  }
0x3c: {  	[sflag:s12] =	ssyncadd.s32 $0xFFFFC000  }
0x3d: {  	[spmem:s7] =	stream.linear.scatter [tilespmem:s11], [sflag:$0x2], $0x4000, $0x38;
	[tilespmem:$0x1C000] =	vst v63  }
0x3e: {  	_ =	swait.ge [sflag:s12], $0x4000  }
0x3f: {  	[sflag:s12] =	ssyncset.done $0x0  }
0x40: {  	[sflag:s12] =	ssyncadd.s32 $0xFFFFC000  }
0x41: {  	[spmem:s8] =	stream.linear.scatter [tilespmem:s11], [sflag:$0x2], $0x3C00, $0x38;
	[tilespmem:$0x1C000] =	vst v63  }
0x42: {  	_ =	swait.ge [sflag:s12], $0x3C00  }
0x43: {  	[sflag:s12] =	ssyncset.done $0x0  }
0x44: {  	[sflag:s12] =	ssyncadd.s32 $0xFFFFC400  }
0x45: {  	s31 =	sadd.s32 $0x0, s10;
	[bflag:$0x0] =	sbarrier.arrive $0xFFFF  }
0x46: {  	[tilespmem:s3], [sflag:$0x2] =	stream.linear.gather [hbm4b:s31+s3], $0x400, $0x38;
	[tilespmem:$0x1C000] =	vst v63  }
0x47: {  	_ =	swait.ge [sflag:s12], $0x400  }
0x48: {  	[sflag:s12] =	ssyncset.done $0x0  }
0x49: {  	[sflag:s12] =	ssyncadd.s32 $0xFFFFFC00  }
0x4a: {  	[spmem:s1] =	stream.indirect.scatter.add.f32 [tilespmem:s14], [sflag:$0x1], $0x80, s3, s13, $0xb8;
	[tilespmem:$0x1C000] =	vst v63  }
0x4b: {  	_ = 	snop  }
0x4c: {  	[spmem:s1] =	stream.indirect.scatter.add.f32 [tilespmem:s14], [sflag:$0x1], $0x80, s13, s13, $0xb8;
	[tilespmem:$0x1C000] =	vst v63  }
0x4d: {  	_ = 	snop  }
0x4e: {  	[spmem:s1] =	stream.indirect.scatter.add.f32 [tilespmem:s14], [sflag:$0x1], $0x80, s15, s13, $0xb8;
	[tilespmem:$0x1C000] =	vst v63  }
0x4f: {  	_ = 	snop  }
0x50: {  	[spmem:s1] =	stream.indirect.scatter.add.f32 [tilespmem:s14], [sflag:$0x1], $0x80, s16, s13, $0xb8;
	[tilespmem:$0x1C000] =	vst v63  }
0x51: {  	_ = 	snop  }
0x52: {  	[spmem:s1] =	stream.indirect.scatter.add.f32 [tilespmem:s14], [sflag:$0x1], $0x80, s17, s13, $0xb8;
	[tilespmem:$0x1C000] =	vst v63  }
0x53: {  	_ = 	snop  }
0x54: {  	[spmem:s1] =	stream.indirect.scatter.add.f32 [tilespmem:s14], [sflag:$0x1], $0x80, s18, s13, $0xb8;
	[tilespmem:$0x1C000] =	vst v63  }
0x55: {  	_ = 	snop  }
0x56: {  	[spmem:s1] =	stream.indirect.scatter.add.f32 [tilespmem:s14], [sflag:$0x1], $0x80, s19, s13, $0xb8;
	[tilespmem:$0x1C000] =	vst v63  }
0x57: {  	_ = 	snop  }
0x58: {  	[spmem:s1] =	stream.indirect.scatter.add.f32 [tilespmem:s14], [sflag:$0x1], $0x80, s20, s13, $0xb8;
	[tilespmem:$0x1C000] =	vst v63  }
0x59: {  	_ =	swait.ge [sflag:s21], $0x4000  }
0x5a: {  	[sflag:s21] =	ssyncset.done $0x0  }
0x5b: {  	[sflag:s21] =	ssyncadd.s32 $0xFFFFC000  }
0x5c: {  	_ =	swait.ge [sflag:s21], $0x4000  }
0x5d: {  	[sflag:s21] =	ssyncset.done $0x0  }
0x5e: {  	[sflag:s21] =	ssyncadd.s32 $0xFFFFC000  }
0x5f: {  	_ =	swait.ge [sflag:s21], $0x4000  }
0x60: {  	[sflag:s21] =	ssyncset.done $0x0  }
0x61: {  	[sflag:s21] =	ssyncadd.s32 $0xFFFFC000  }
0x62: {  	_ =	swait.ge [sflag:s21], $0x4000  }
0x63: {  	[sflag:s21] =	ssyncset.done $0x0  }
0x64: {  	[sflag:s21] =	ssyncadd.s32 $0xFFFFC000  }
0x65: {  	_ =	swait.ge [sflag:s21], $0x4000  }
0x66: {  	[sflag:s21] =	ssyncset.done $0x0  }
0x67: {  	[sflag:s21] =	ssyncadd.s32 $0xFFFFC000  }
0x68: {  	_ =	swait.ge [sflag:s21], $0x4000  }
0x69: {  	[sflag:s21] =	ssyncset.done $0x0  }
0x6a: {  	[sflag:s21] =	ssyncadd.s32 $0xFFFFC000  }
0x6b: {  	_ =	swait.ge [sflag:s21], $0x4000  }
0x6c: {  	[sflag:s21] =	ssyncset.done $0x0  }
0x6d: {  	[sflag:s21] =	ssyncadd.s32 $0xFFFFC000  }
0x6e: {  	_ =	swait.ge [sflag:s21], $0x4000  }
0x6f: {  	s24 =	simm.s32 $0x80;
	s26 =	simm.s32 $0x100;
	[sflag:s21] =	ssyncset.done $0x0  }
.LBB2_6:
0x70: {  	s28 =	sadd.s32 s24, s10  }
0x71: {  	[sflag:s21] =	ssyncadd.s32 $0xFFFFC000;
	s24 =	smov.u32 s26;
	s25 =	sadd.s32 $0x80, s26  }
0x72: {  	[tilespmem:s3], [sflag:$0x2] =	stream.linear.gather [hbm4b:s28+s3], $0x400, $0x38;
	[tilespmem:$0x1C000] =	vst v63  }
0x73: {  	p0 =	sne.s32 s26, $0x480;
	_ =	swait.ge [sflag:s12], $0x400  }
0x74: {  	[sflag:s12] =	ssyncset.done $0x0  }
0x75: {  	[sflag:s12] =	ssyncadd.s32 $0xFFFFFC00  }
0x76: {  	[spmem:s1] =	stream.indirect.scatter.add.f32 [tilespmem:s14], [sflag:$0x1], $0x80, s3, s13, $0xb8;
	[tilespmem:$0x1C000] =	vst v63  }
0x77: {  	_ = 	snop  }
0x78: {  	[spmem:s1] =	stream.indirect.scatter.add.f32 [tilespmem:s14], [sflag:$0x1], $0x80, s13, s13, $0xb8;
	[tilespmem:$0x1C000] =	vst v63  }
0x79: {  	_ = 	snop  }
0x7a: {  	[spmem:s1] =	stream.indirect.scatter.add.f32 [tilespmem:s14], [sflag:$0x1], $0x80, s15, s13, $0xb8;
	[tilespmem:$0x1C000] =	vst v63  }
0x7b: {  	_ = 	snop  }
0x7c: {  	[spmem:s1] =	stream.indirect.scatter.add.f32 [tilespmem:s14], [sflag:$0x1], $0x80, s16, s13, $0xb8;
	[tilespmem:$0x1C000] =	vst v63  }
0x7d: {  	_ = 	snop  }
0x7e: {  	[spmem:s1] =	stream.indirect.scatter.add.f32 [tilespmem:s14], [sflag:$0x1], $0x80, s17, s13, $0xb8;
	[tilespmem:$0x1C000] =	vst v63  }
0x7f: {  	_ = 	snop  }
0x80: {  	[spmem:s1] =	stream.indirect.scatter.add.f32 [tilespmem:s14], [sflag:$0x1], $0x80, s18, s13, $0xb8;
	[tilespmem:$0x1C000] =	vst v63  }
0x81: {  	_ = 	snop  }
0x82: {  	[spmem:s1] =	stream.indirect.scatter.add.f32 [tilespmem:s14], [sflag:$0x1], $0x80, s19, s13, $0xb8;
	[tilespmem:$0x1C000] =	vst v63  }
0x83: {  	_ = 	snop  }
0x84: {  	[spmem:s1] =	stream.indirect.scatter.add.f32 [tilespmem:s14], [sflag:$0x1], $0x80, s20, s13, $0xb8;
	[tilespmem:$0x1C000] =	vst v63  }
0x85: {  	_ =	swait.ge [sflag:s21], $0x4000  }
0x86: {  	[sflag:s21] =	ssyncset.done $0x0  }
0x87: {  	[sflag:s21] =	ssyncadd.s32 $0xFFFFC000  }
0x88: {  	_ =	swait.ge [sflag:s21], $0x4000  }
0x89: {  	[sflag:s21] =	ssyncset.done $0x0  }
0x8a: {  	[sflag:s21] =	ssyncadd.s32 $0xFFFFC000  }
0x8b: {  	_ =	swait.ge [sflag:s21], $0x4000  }
0x8c: {  	[sflag:s21] =	ssyncset.done $0x0  }
0x8d: {  	[sflag:s21] =	ssyncadd.s32 $0xFFFFC000  }
0x8e: {  	_ =	swait.ge [sflag:s21], $0x4000  }
0x8f: {  	[sflag:s21] =	ssyncset.done $0x0  }
0x90: {  	[sflag:s21] =	ssyncadd.s32 $0xFFFFC000  }
0x91: {  	_ =	swait.ge [sflag:s21], $0x4000  }
0x92: {  	[sflag:s21] =	ssyncset.done $0x0  }
0x93: {  	[sflag:s21] =	ssyncadd.s32 $0xFFFFC000  }
0x94: {  	_ =	swait.ge [sflag:s21], $0x4000  }
0x95: {  	[sflag:s21] =	ssyncset.done $0x0  }
0x96: {  	[sflag:s21] =	ssyncadd.s32 $0xFFFFC000  }
.Ltmp2:
0x97: {  	_ =	swait.ge [sflag:s21], $0x4000;
	(pc) =	sbr.rel @p0 .LBB2_6-.Ltmp2, $4  }
0x98: {  	[sflag:s21] =	ssyncset.done $0x0  }
0x99: {  	[sflag:s21] =	ssyncadd.s32 $0xFFFFC000  }
0x9a: {  	_ =	swait.ge [sflag:s21], $0x4000  }
0x9b: {  	s26 =	smov.u32 s25;
	[sflag:s21] =	ssyncset.done $0x0  }
0x9c: {  	s24 =	sadd.s32 s24, s10;
	[sflag:s21] =	ssyncadd.s32 $0xFFFFC000  }
0x9d: {  	[tilespmem:s3], [sflag:$0x2] =	stream.linear.gather [hbm4b:s24+s3], $0x400, $0x38;
	[tilespmem:$0x1C000] =	vst v63  }
0x9e: {  	_ =	swait.ge [sflag:s12], $0x400  }
0x9f: {  	[sflag:s12] =	ssyncset.done $0x0  }
0xa0: {  	[sflag:s12] =	ssyncadd.s32 $0xFFFFFC00  }
0xa1: {  	[spmem:s1] =	stream.indirect.scatter.add.f32 [tilespmem:s14], [sflag:$0x1], $0x80, s3, s13, $0xb8;
	[tilespmem:$0x1C000] =	vst v63  }
0xa2: {  	_ = 	snop  }
0xa3: {  	[spmem:s1] =	stream.indirect.scatter.add.f32 [tilespmem:s14], [sflag:$0x1], $0x80, s13, s13, $0xb8;
	[tilespmem:$0x1C000] =	vst v63  }
0xa4: {  	_ = 	snop  }
0xa5: {  	[spmem:s1] =	stream.indirect.scatter.add.f32 [tilespmem:s14], [sflag:$0x1], $0x80, s15, s13, $0xb8;
	[tilespmem:$0x1C000] =	vst v63  }
0xa6: {  	_ = 	snop  }
0xa7: {  	[spmem:s1] =	stream.indirect.scatter.add.f32 [tilespmem:s14], [sflag:$0x1], $0x80, s16, s13, $0xb8;
	[tilespmem:$0x1C000] =	vst v63  }
0xa8: {  	_ = 	snop  }
0xa9: {  	[spmem:s1] =	stream.indirect.scatter.add.f32 [tilespmem:s14], [sflag:$0x1], $0x80, s17, s13, $0xb8;
	[tilespmem:$0x1C000] =	vst v63  }
0xaa: {  	_ = 	snop  }
0xab: {  	[spmem:s1] =	stream.indirect.scatter.add.f32 [tilespmem:s14], [sflag:$0x1], $0x80, s18, s13, $0xb8;
	[tilespmem:$0x1C000] =	vst v63  }
0xac: {  	_ = 	snop  }
0xad: {  	[spmem:s1] =	stream.indirect.scatter.add.f32 [tilespmem:s14], [sflag:$0x1], $0x80, s19, s13, $0xb8;
	[tilespmem:$0x1C000] =	vst v63  }
0xae: {  	_ = 	snop  }
0xaf: {  	[spmem:s1] =	stream.indirect.scatter.add.f32 [tilespmem:s14], [sflag:$0x1], $0x80, s20, s13, $0xb8;
	[tilespmem:$0x1C000] =	vst v63  }
0xb0: {  	_ =	swait.ge [sflag:s21], $0x4000  }
0xb1: {  	[sflag:s21] =	ssyncset.done $0x0  }
0xb2: {  	[sflag:s21] =	ssyncadd.s32 $0xFFFFC000  }
0xb3: {  	_ =	swait.ge [sflag:s21], $0x4000  }
0xb4: {  	[sflag:s21] =	ssyncset.done $0x0  }
0xb5: {  	[sflag:s21] =	ssyncadd.s32 $0xFFFFC000  }
0xb6: {  	_ =	swait.ge [sflag:s21], $0x4000  }
0xb7: {  	[sflag:s21] =	ssyncset.done $0x0  }
0xb8: {  	[sflag:s21] =	ssyncadd.s32 $0xFFFFC000  }
0xb9: {  	_ =	swait.ge [sflag:s21], $0x4000  }
0xba: {  	[sflag:s21] =	ssyncset.done $0x0  }
0xbb: {  	[sflag:s21] =	ssyncadd.s32 $0xFFFFC000  }
0xbc: {  	_ =	swait.ge [sflag:s21], $0x4000  }
0xbd: {  	[sflag:s21] =	ssyncset.done $0x0  }
0xbe: {  	[sflag:s21] =	ssyncadd.s32 $0xFFFFC000  }
0xbf: {  	_ =	swait.ge [sflag:s21], $0x4000  }
0xc0: {  	[sflag:s21] =	ssyncset.done $0x0  }
0xc1: {  	[sflag:s21] =	ssyncadd.s32 $0xFFFFC000  }
0xc2: {  	_ =	swait.ge [sflag:s21], $0x4000  }
0xc3: {  	[sflag:s21] =	ssyncset.done $0x0  }
0xc4: {  	[sflag:s21] =	ssyncadd.s32 $0xFFFFC000  }
0xc5: {  	_ =	swait.ge [sflag:s21], $0x4000  }
0xc6: {  	s31 =	sshll.u32 s2, $0x6;
	s23 =	sadd.s32 $0x1, s23;
	[sflag:s21] =	ssyncset.done $0x0  }
0xc7: {  	s25 =	sshrl.u32 s4, $0x3;
	p0 =	sne.s32 s23, s9;
	[sflag:s21] =	ssyncadd.s32 $0xFFFFC000  }
.Ltmp3:
0xc8: {  	s24 =	sor.u32 $0x1C02, s31;
	[bflag:$0x0] =	sbarrier.arrive $0xFFFF;
	(pc) =	sbr.rel @p0 .LBB2_1-.Ltmp3, $4  }
0xc9: {  	[hbm:s22], [sflag:s24] =	dma.local [spmem:s25], $0x2780  }
0xca: {  	_ =	swait.ge [sflag:s12], $0x2780  }
0xcb: {  	[sflag:s12] =	ssyncset.done $0x0  }
0xcc: {  	[sflag:s12] =	ssyncadd.s32 $0xFFFFD880  }
0xcd: {  	_ =	sfence.sel $0x180000  }
0xce: {  	[bflag:$0x0] =	sbarrier.arrive $0xFFFF  }
0xcf: {  	p0 =	sne.s32 s2, $0x0;
	_ =	strace $0x90000047  }
0xd0: {  	s0 =	sadd.s32 @!p0 $0x100000, s0;
	[bflag:$0x2] =	sbarrier.arrive $0xFFFF  }
0xd1: {  	[sflag:s0] =	ssyncadd.tile.s32 @!p0 $0x1;
	_ =	shalt  }
.Lfunc_end2:
_tile_overlayer_lowered:
.L_overlay_start_2:
0xd2: {  	(tag) =	ssettag $0x2  }
0xd3: {  	s0 =	rddreg [dreg:$0x0];
	s2 =	stileid.u32  }
0xd4: {  	s1 =	rddreg [dreg:$0x1];
	p0 =	sne.s32 s2, $0x0  }
0xd5: {  	s3 =	rddreg [dreg:$0x2];
	[bflag:$0x3] =	sbarrier.arrive $0xFFFF;
	s2 =	simm.s32 @!p0 $0x1C02  }
0xd6: {  	[timem:s3], [sflag:s2] =	dma.local @!p0 [hbm:s0], s1  }
0xd7: {  	s0 =	simm.s32 @!p0 $0x2  }
0xd8: {  	_ =	swait.ge @!p0 [sflag:s0], s1  }
0xd9: {  	s1 =	ssub.s32 @!p0 $0x0, s1;
	[sflag:s0] =	ssyncset.done @!p0 $0x0  }
0xda: {  	[sflag:s0] =	ssyncadd.s32 @!p0 s1  }
0xdb: {  	[bflag:$0x3] =	sbarrier.arrive $0xFFFF  }
0xdc: {  	_ =	shalt  }

</sc_bundles>
